<compile_context>
chip_gen: v7x
topology: tpu7x:2x2x1
jax: 0.10.2.dev20260603
libtpu: 0.0.44.dev20260713+nightly
codegen_flags: <defaults>
</compile_context>

<pallas_src>
import functools

import jax
import jax.numpy as jnp
from jax import lax
from jax.experimental import pallas as pl
from jax.experimental.pallas import tpu as pltpu
from jax.experimental.pallas import tpu_sc as plsc

NUM_FIELDS = 9
EMB_DIM = 16
NUM_CORES = 2
NUM_SUBCORES = 16
NUM_WORKERS = NUM_CORES * NUM_SUBCORES



def _sc_body(rows_per_worker, *refs):
    idx_hbm = refs[0:9]
    emb_hbm = refs[9:18]
    lin_hbm = refs[18:27]
    e_out = refs[27:36]
    lsum_out = refs[36]
    idx_v = refs[37]
    estage = refs[38:47]
    lbufs = refs[47:56]
    lacc = refs[56]
    sem = refs[57]
    wsem = refs[58]

    c = lax.axis_index("c")
    s = lax.axis_index("s")
    wid = s * NUM_CORES + c
    rbase = wid * rows_per_worker
    rows = pl.ds(rbase, rows_per_worker)

    for f in range(NUM_FIELDS):
        pltpu.sync_copy(idx_hbm[f].at[rows], idx_v.at[f])

    egath, lgath = [], []

    writes = []
    for f in range(NUM_FIELDS):
        writes.append(pltpu.async_copy(estage[f], e_out[f].at[rows], wsem))

    for dsc in lgath:
        dsc.wait()
    for i in range(rows_per_worker // 16):
        sl = pl.ds(i * 16, 16)
        acc = lbufs[0][sl]
        for f in range(1, NUM_FIELDS):
            acc = acc + lbufs[f][sl]
        lacc[sl] = acc
    pltpu.sync_copy(lacc, lsum_out.at[rows])
    for dsc in writes:
        dsc.wait()


def _sc_gather(idxs, embs, lins):
    batch = idxs[0].shape[0]
    rows_per_worker = batch // NUM_WORKERS
    out_type = ([jax.ShapeDtypeStruct((batch, EMB_DIM), jnp.float32)
                 for _ in range(NUM_FIELDS)]
                + [jax.ShapeDtypeStruct((batch,), jnp.float32)])
    scratch = ([pltpu.VMEM((NUM_FIELDS, rows_per_worker), jnp.int32)]
               + [pltpu.VMEM((rows_per_worker, EMB_DIM), jnp.float32)
                  for _ in range(NUM_FIELDS)]
               + [pltpu.VMEM((rows_per_worker,), jnp.float32)
                  for _ in range(NUM_FIELDS)]
               + [pltpu.VMEM((rows_per_worker,), jnp.float32),
                  pltpu.SemaphoreType.DMA, pltpu.SemaphoreType.DMA])
    fn = pl.kernel(
        functools.partial(_sc_body, rows_per_worker),
        out_type=out_type,
        mesh=plsc.VectorSubcoreMesh(core_axis_name="c", subcore_axis_name="s"),
        scratch_types=scratch,
        compiler_params=pltpu.CompilerParams(use_tc_tiling_on_sc=False),
    )
    return fn(*idxs, *embs, *lins)



def _dotg(a, b, dims):
    return jax.lax.dot_general(a, b, (dims, ((), ())),
                               preferred_element_type=jnp.float32)


def _tc_body(*refs):
    e_refs = refs[0:9]
    (xn_ref, ls_ref, w0_ref, b0_ref, w1_ref, b1_ref,
     lnw_ref, lnb_ref, ow_ref, ob_ref, out_ref) = refs[9:]

    es = [r[...] for r in e_refs]
    xn = xn_ref[...]

    sum_e = es[0]
    sq_sum = jnp.sum(es[0] * es[0], axis=1, keepdims=True)
    for e in es[1:]:
        sum_e = sum_e + e
        sq_sum = sq_sum + jnp.sum(e * e, axis=1, keepdims=True)
    fm = 0.5 * (jnp.sum(sum_e * sum_e, axis=1, keepdims=True) - sq_sum)

    lin = (ls_ref[...] + jnp.sum(xn * lnw_ref[...], axis=1, keepdims=True)
           + lnb_ref[...])

    cat = jnp.concatenate(es + [xn], axis=1)
    h = _dotg(cat, w0_ref[...], ((1,), (1,))) + b0_ref[...]
    h = jnp.maximum(h, 0.0)
    h = jnp.maximum(_dotg(h, w1_ref[...], ((1,), (1,))) + b1_ref[...], 0.0)

    ow = ow_ref[...]
    logit = (fm * ow[0:1, 0:1] + lin * ow[0:1, 1:2]
             + jnp.sum(h * ow[0:1, 2:34], axis=1, keepdims=True)
             + ob_ref[...])
    out_ref[...] = jax.nn.sigmoid(logit)


def _tc_dense(es, xn, ls2d, w0, b0, w1, b1, lnw, lnb, ow, ob, blk=2048):
    batch = xn.shape[0]

    def rowblock(w):
        return pl.BlockSpec((blk, w), lambda i: (i, 0))

    def whole(shape):
        return pl.BlockSpec(shape, lambda i: tuple(0 for _ in shape))

    in_specs = ([rowblock(EMB_DIM) for _ in range(NUM_FIELDS)]
                + [rowblock(3), rowblock(1),
                   whole(w0.shape), whole(b0.shape), whole(w1.shape),
                   whole(b1.shape), whole(lnw.shape), whole(lnb.shape),
                   whole(ow.shape), whole(ob.shape)])
    return pl.pallas_call(
        _tc_body,
        grid=(batch // blk,),
        in_specs=in_specs,
        out_specs=rowblock(1),
        out_shape=jax.ShapeDtypeStruct((batch, 1), jnp.float32),
    )(*es, xn, ls2d, w0, b0, w1, b1, lnw, lnb, ow, ob)



def kernel(idx_user_id, idx_region, idx_device, idx_gender, idx_banner_id,
           idx_brand, idx_vertical, idx_language, idx_price_tier,
           x_num,
           emb_user_id, emb_region, emb_device, emb_gender, emb_banner_id,
           emb_brand, emb_vertical, emb_language, emb_price_tier,
           lin_user_id, lin_region, lin_device, lin_gender, lin_banner_id,
           lin_brand, lin_vertical, lin_language, lin_price_tier,
           lin_num_W, lin_num_b,
           dnn_W0, dnn_b0, dnn_W1, dnn_b1,
           out_W, out_b):
    idxs = [idx_user_id, idx_region, idx_device, idx_gender, idx_banner_id,
            idx_brand, idx_vertical, idx_language, idx_price_tier]
    idxs = [i.astype(jnp.int32) for i in idxs]
    embs = [emb_user_id, emb_region, emb_device, emb_gender, emb_banner_id,
            emb_brand, emb_vertical, emb_language, emb_price_tier]
    lins = [lin_user_id, lin_region, lin_device, lin_gender, lin_banner_id,
            lin_brand, lin_vertical, lin_language, lin_price_tier]
    lins = [jnp.reshape(l, (-1,)) for l in lins]
    batch = idxs[0].shape[0]

    sc_out = _sc_gather(idxs, embs, lins)
    es, lsum = list(sc_out[:NUM_FIELDS]), sc_out[NUM_FIELDS]

    return _tc_dense(
        es, x_num, jnp.reshape(lsum, (batch, 1)),
        dnn_W0, jnp.reshape(dnn_b0, (1, -1)),
        dnn_W1, jnp.reshape(dnn_b1, (1, -1)),
        lin_num_W, jnp.reshape(lin_num_b, (1, 1)),
        out_W, jnp.reshape(out_b, (1, 1)))

# --- scband reference (transcript-rebuilt; emitter-appended) ---
"""Pipeline reference for scband-deep-fm-43310450213576 (READ-ONLY COPY).

The authoritative reference and input builder live on the scoring server;
editing this copy changes nothing except your own understanding.
"""

import jax, jax.numpy as jnp
import numpy as np

FIELDS = ["user_id", "region", "device", "gender", "banner_id", "brand", "vertical", "language", "price_tier"]
CARD = {"user_id": 120000, "region": 200, "device": 5, "gender": 3, "banner_id": 50000, "brand": 8000, "vertical": 200, "language": 30, "price_tier": 6}
B = 16384
EMB_DIM = 16
NUM_NUMERIC = 3
HIDDEN = [64, 32]


def _xavier(key, shape):
    fan_out, fan_in = shape
    limit = float(np.sqrt(6.0 / (fan_in + fan_out)))
    return jax.random.uniform(key, shape, dtype=jnp.float32, minval=-limit, maxval=limit)


def setup_inputs(seed: int = 0) -> dict:
    key = jax.random.key(seed)
    ctr = [0]
    def nk():
        ctr[0] += 1
        return jax.random.fold_in(key, ctr[0])
    inp = {}
    for f in FIELDS:
        inp["idx_" + f] = jax.random.randint(nk(), (B,), 0, CARD[f])
    inp["x_num"] = jax.random.normal(nk(), (B, NUM_NUMERIC), dtype=jnp.float32)
    for f in FIELDS:
        inp["emb_" + f] = 0.01 * jax.random.normal(nk(), (CARD[f], EMB_DIM), dtype=jnp.float32)
        inp["lin_" + f] = 0.01 * jax.random.normal(nk(), (CARD[f], 1), dtype=jnp.float32)
    inp["lin_num_W"] = _xavier(nk(), (1, NUM_NUMERIC))
    inp["lin_num_b"] = jnp.zeros((1,), jnp.float32)
    last = EMB_DIM * len(FIELDS) + NUM_NUMERIC
    for j, h in enumerate(HIDDEN):
        inp["dnn_W%d" % j] = _xavier(nk(), (h, last))
        inp["dnn_b%d" % j] = jnp.zeros((h,), jnp.float32)
        last = h
    inp["out_W"] = _xavier(nk(), (1, last + 2))
    inp["out_b"] = jnp.zeros((1,), jnp.float32)
    return inp


def _forward(floats, idx):
    E = [floats["emb_" + f][idx["idx_" + f]] for f in FIELDS]
    L = [floats["lin_" + f][idx["idx_" + f]] for f in FIELDS]
    x_num = floats["x_num"]
    L_num = x_num @ floats["lin_num_W"].T + floats["lin_num_b"]
    stackE = jnp.stack(E, axis=1)
    sumE = stackE.sum(axis=1)
    sumE_sq = sumE * sumE
    sqE_sum = (stackE * stackE).sum(axis=1)
    fm_bi = 0.5 * (sumE_sq - sqE_sum)
    fm_bi_term = fm_bi.sum(axis=1, keepdims=True)
    lin_term = jnp.stack(L, axis=1).sum(axis=1) + L_num
    h = jnp.concatenate(E + [x_num], axis=1)
    for j in range(len(HIDDEN)):
        h = jax.nn.relu(h @ floats["dnn_W%d" % j].T + floats["dnn_b%d" % j])
        # dropout is identity in eval mode
    logit = jnp.concatenate([fm_bi_term, lin_term, h], axis=1) @ floats["out_W"].T + floats["out_b"]
    return jax.nn.sigmoid(logit)


def reference(idx_user_id, idx_region, idx_device, idx_gender, idx_banner_id,
              idx_brand, idx_vertical, idx_language, idx_price_tier,
              x_num,
              emb_user_id, emb_region, emb_device, emb_gender, emb_banner_id,
              emb_brand, emb_vertical, emb_language, emb_price_tier,
              lin_user_id, lin_region, lin_device, lin_gender, lin_banner_id,
              lin_brand, lin_vertical, lin_language, lin_price_tier,
              lin_num_W, lin_num_b,
              dnn_W0, dnn_b0, dnn_W1, dnn_b1,
              out_W, out_b):
    inp = dict(locals())
    idx = {k: v for k, v in inp.items() if k.startswith("idx_")}
    floats = {k: v for k, v in inp.items() if not k.startswith("idx_")}
    return _forward(floats, idx)

if __name__ == "__main__":
    import jax
    _d = setup_inputs()
    print(jax.jit(kernel)(*tuple(_d.values())))

</pallas_src>

<mosaic_0001>
#map = affine_map<(d0, d1) -> (0)>
#map1 = affine_map<(d0, d1) -> (0, 0)>
module attributes {stable_mosaic.version = 14 : i64} {
  func.func @_sc_body(%arg0: i32, %arg1: i32, %arg2: memref<16384xi32, #tpu.memory_space<hbm>>, %arg3: memref<16384xi32, #tpu.memory_space<hbm>>, %arg4: memref<16384xi32, #tpu.memory_space<hbm>>, %arg5: memref<16384xi32, #tpu.memory_space<hbm>>, %arg6: memref<16384xi32, #tpu.memory_space<hbm>>, %arg7: memref<16384xi32, #tpu.memory_space<hbm>>, %arg8: memref<16384xi32, #tpu.memory_space<hbm>>, %arg9: memref<16384xi32, #tpu.memory_space<hbm>>, %arg10: memref<16384xi32, #tpu.memory_space<hbm>>, %arg11: memref<120000x16xf32, #tpu.memory_space<hbm>>, %arg12: memref<120000x1xf32, #tpu.memory_space<hbm>>, %arg13: memref<200x16xf32, #tpu.memory_space<hbm>>, %arg14: memref<200x1xf32, #tpu.memory_space<hbm>>, %arg15: memref<5x16xf32, #tpu.memory_space<hbm>>, %arg16: memref<5x1xf32, #tpu.memory_space<hbm>>, %arg17: memref<3x16xf32, #tpu.memory_space<hbm>>, %arg18: memref<3x1xf32, #tpu.memory_space<hbm>>, %arg19: memref<50000x16xf32, #tpu.memory_space<hbm>>, %arg20: memref<50000xf32, #tpu.memory_space<hbm>>, %arg21: memref<128000xf32, #tpu.memory_space<hbm>>, %arg22: memref<8000xf32, #tpu.memory_space<hbm>>, %arg23: memref<3200xf32, #tpu.memory_space<hbm>>, %arg24: memref<200xf32, #tpu.memory_space<hbm>>, %arg25: memref<480xf32, #tpu.memory_space<hbm>>, %arg26: memref<30xf32, #tpu.memory_space<hbm>>, %arg27: memref<96xf32, #tpu.memory_space<hbm>>, %arg28: memref<6xf32, #tpu.memory_space<hbm>>, %arg29: memref<16384x16xf32, #tpu.memory_space<hbm>>, %arg30: memref<16384x16xf32, #tpu.memory_space<hbm>>, %arg31: memref<16384x16xf32, #tpu.memory_space<hbm>>, %arg32: memref<16384x16xf32, #tpu.memory_space<hbm>>, %arg33: memref<16384x16xf32, #tpu.memory_space<hbm>>, %arg34: memref<16384x16xf32, #tpu.memory_space<hbm>>, %arg35: memref<16384x16xf32, #tpu.memory_space<hbm>>, %arg36: memref<16384x16xf32, #tpu.memory_space<hbm>>, %arg37: memref<16384x16xf32, #tpu.memory_space<hbm>>, %arg38: memref<16384xf32, #tpu.memory_space<hbm>>, %arg39: memref<9x512xi32, #tpu.memory_space<vmem>>, %arg40: memref<512x16xf32, #tpu.memory_space<vmem>>, %arg41: memref<512x16xf32, #tpu.memory_space<vmem>>, %arg42: memref<512x16xf32, #tpu.memory_space<vmem>>, %arg43: memref<512x16xf32, #tpu.memory_space<vmem>>, %arg44: memref<512x16xf32, #tpu.memory_space<vmem>>, %arg45: memref<512x16xf32, #tpu.memory_space<vmem>>, %arg46: memref<512x16xf32, #tpu.memory_space<vmem>>, %arg47: memref<512x16xf32, #tpu.memory_space<vmem>>, %arg48: memref<512x16xf32, #tpu.memory_space<vmem>>, %arg49: memref<512xf32, #tpu.memory_space<vmem>>, %arg50: memref<512xf32, #tpu.memory_space<vmem>>, %arg51: memref<512xf32, #tpu.memory_space<vmem>>, %arg52: memref<512xf32, #tpu.memory_space<vmem>>, %arg53: memref<512xf32, #tpu.memory_space<vmem>>, %arg54: memref<512xf32, #tpu.memory_space<vmem>>, %arg55: memref<512xf32, #tpu.memory_space<vmem>>, %arg56: memref<512xf32, #tpu.memory_space<vmem>>, %arg57: memref<512xf32, #tpu.memory_space<vmem>>, %arg58: memref<512xf32, #tpu.memory_space<vmem>>, %arg59: memref<!tpu.dma_semaphore, #tpu.memory_space<semaphore_mem>>, %arg60: memref<!tpu.dma_semaphore, #tpu.memory_space<semaphore_mem>>) attributes {dimension_semantics = [#tpu.dimension_semantics<core_parallel>, #tpu.dimension_semantics<subcore_parallel>], iteration_bounds = array<i64: 2, 16>, scalar_prefetch = 0 : i64, scratch_operands = 22 : i64, tpu.core_type = #tpu.core_type<sc_vector_subcore>, window_params = [{transform_indices = #map}, {transform_indices = #map}, {transform_indices = #map}, {transform_indices = #map}, {transform_indices = #map}, {transform_indices = #map}, {transform_indices = #map}, {transform_indices = #map}, {transform_indices = #map}, {transform_indices = #map1}, {transform_indices = #map1}, {transform_indices = #map1}, {transform_indices = #map1}, {transform_indices = #map1}, {transform_indices = #map1}, {transform_indices = #map1}, {transform_indices = #map1}, {transform_indices = #map1}, {transform_indices = #map}, {transform_indices = #map}, {transform_indices = #map}, {transform_indices = #map}, {transform_indices = #map}, {transform_indices = #map}, {transform_indices = #map}, {transform_indices = #map}, {transform_indices = #map}, {transform_indices = #map1}, {transform_indices = #map1}, {transform_indices = #map1}, {transform_indices = #map1}, {transform_indices = #map1}, {transform_indices = #map1}, {transform_indices = #map1}, {transform_indices = #map1}, {transform_indices = #map1}, {transform_indices = #map}]} {
    %mul3A = arith.constant 2 : i32
    %mul3A_0 = arith.muli %arg1, %mul3A : i32
    %add3A = arith.addi %mul3A_0, %arg0 : i32
    %mul3A_1 = arith.constant 512 : i32
    %mul3A_2 = arith.muli %add3A, %mul3A_1 : i32
    %run_scoped3A = arith.constant 0 : i32
    "tpu.region"() ({
      %run_scoped3A_1327 = tpu.sem_alloc : memref<!tpu.dma_semaphore, #tpu.memory_space<semaphore_mem>>
      %dma_start3A_1328 = arith.constant 0 : i32
      %dma_start3A_1329 = tpu.memref_slice %arg39[%run_scoped3A, %dma_start3A_1328] : memref<9x512xi32, #tpu.memory_space<vmem>> -> memref<1x512xi32, #tpu.memory_space<vmem>>
      %dma_start3A_1330 = tpu.memref_squeeze %dma_start3A_1329 : memref<1x512xi32, #tpu.memory_space<vmem>> -> memref<512xi32, #tpu.memory_space<vmem>>
      %dma_start3A_1331 = tpu.memref_slice %arg2[%mul3A_2] : memref<16384xi32, #tpu.memory_space<hbm>> -> memref<512xi32, #tpu.memory_space<hbm>>
      %dma_start3A_1332 = arith.constant 0 : i32
      %dma_start3A_1333 = tpu.memref_slice %arg39[%run_scoped3A, %dma_start3A_1332] : memref<9x512xi32, #tpu.memory_space<vmem>> -> memref<1x512xi32, #tpu.memory_space<vmem>>
      %dma_start3A_1334 = tpu.memref_squeeze %dma_start3A_1333 : memref<1x512xi32, #tpu.memory_space<vmem>> -> memref<512xi32, #tpu.memory_space<vmem>>
      %dma_start3A_1335 = tpu.memref_slice %arg2[%mul3A_2] : memref<16384xi32, #tpu.memory_space<hbm>> -> memref<512xi32, #tpu.memory_space<hbm>>
      tpu.enqueue_dma source(%dma_start3A_1335 : memref<512xi32, #tpu.memory_space<hbm>>) target(%dma_start3A_1334 : memref<512xi32, #tpu.memory_space<vmem>>) target_semaphore(%run_scoped3A_1327 : memref<!tpu.dma_semaphore, #tpu.memory_space<semaphore_mem>>)
      %dma_wait3A_1336 = arith.constant 0 : i32
      %dma_wait3A_1337 = tpu.memref_slice %arg39[%run_scoped3A, %dma_wait3A_1336] : memref<9x512xi32, #tpu.memory_space<vmem>> -> memref<1x512xi32, #tpu.memory_space<vmem>>
      %dma_wait3A_1338 = tpu.memref_squeeze %dma_wait3A_1337 : memref<1x512xi32, #tpu.memory_space<vmem>> -> memref<512xi32, #tpu.memory_space<vmem>>
      %dma_wait3A_1339 = tpu.memref_slice %arg2[%mul3A_2] : memref<16384xi32, #tpu.memory_space<hbm>> -> memref<512xi32, #tpu.memory_space<hbm>>
      %dma_wait3A_1340 = arith.constant 0 : i32
      %dma_wait3A_1341 = tpu.memref_slice %arg39[%run_scoped3A, %dma_wait3A_1340] : memref<9x512xi32, #tpu.memory_space<vmem>> -> memref<1x512xi32, #tpu.memory_space<vmem>>
      %dma_wait3A_1342 = tpu.memref_squeeze %dma_wait3A_1341 : memref<1x512xi32, #tpu.memory_space<vmem>> -> memref<512xi32, #tpu.memory_space<vmem>>
      %dma_wait3A_1343 = tpu.memref_slice %arg2[%mul3A_2] : memref<16384xi32, #tpu.memory_space<hbm>> -> memref<512xi32, #tpu.memory_space<hbm>>
      tpu.wait_dma2 semaphore(%run_scoped3A_1327 : memref<!tpu.dma_semaphore, #tpu.memory_space<semaphore_mem>>) src(%dma_wait3A_1343 : memref<512xi32, #tpu.memory_space<hbm>>) dst(%dma_wait3A_1342 : memref<512xi32, #tpu.memory_space<vmem>>)
      tpu.yield
    }) : () -> ()
    %run_scoped3A_3 = arith.constant 1 : i32
    "tpu.region"() ({
      %run_scoped3A_1327 = tpu.sem_alloc : memref<!tpu.dma_semaphore, #tpu.memory_space<semaphore_mem>>
      %dma_start3A_1328 = arith.constant 0 : i32
      %dma_start3A_1329 = tpu.memref_slice %arg39[%run_scoped3A_3, %dma_start3A_1328] : memref<9x512xi32, #tpu.memory_space<vmem>> -> memref<1x512xi32, #tpu.memory_space<vmem>>
      %dma_start3A_1330 = tpu.memref_squeeze %dma_start3A_1329 : memref<1x512xi32, #tpu.memory_space<vmem>> -> memref<512xi32, #tpu.memory_space<vmem>>
      %dma_start3A_1331 = tpu.memref_slice %arg3[%mul3A_2] : memref<16384xi32, #tpu.memory_space<hbm>> -> memref<512xi32, #tpu.memory_space<hbm>>
      %dma_start3A_1332 = arith.constant 0 : i32
      %dma_start3A_1333 = tpu.memref_slice %arg39[%run_scoped3A_3, %dma_start3A_1332] : memref<9x512xi32, #tpu.memory_space<vmem>> -> memref<1x512xi32, #tpu.memory_space<vmem>>
      %dma_start3A_1334 = tpu.memref_squeeze %dma_start3A_1333 : memref<1x512xi32, #tpu.memory_space<vmem>> -> memref<512xi32, #tpu.memory_space<vmem>>
      %dma_start3A_1335 = tpu.memref_slice %arg3[%mul3A_2] : memref<16384xi32, #tpu.memory_space<hbm>> -> memref<512xi32, #tpu.memory_space<hbm>>
      tpu.enqueue_dma source(%dma_start3A_1335 : memref<512xi32, #tpu.memory_space<hbm>>) target(%dma_start3A_1334 : memref<512xi32, #tpu.memory_space<vmem>>) target_semaphore(%run_scoped3A_1327 : memref<!tpu.dma_semaphore, #tpu.memory_space<semaphore_mem>>)
      %dma_wait3A_1336 = arith.constant 0 : i32
      %dma_wait3A_1337 = tpu.memref_slice %arg39[%run_scoped3A_3, %dma_wait3A_1336] : memref<9x512xi32, #tpu.memory_space<vmem>> -> memref<1x512xi32, #tpu.memory_space<vmem>>
      %dma_wait3A_1338 = tpu.memref_squeeze %dma_wait3A_1337 : memref<1x512xi32, #tpu.memory_space<vmem>> -> memref<512xi32, #tpu.memory_space<vmem>>
      %dma_wait3A_1339 = tpu.memref_slice %arg3[%mul3A_2] : memref<16384xi32, #tpu.memory_space<hbm>> -> memref<512xi32, #tpu.memory_space<hbm>>
      %dma_wait3A_1340 = arith.constant 0 : i32
      %dma_wait3A_1341 = tpu.memref_slice %arg39[%run_scoped3A_3, %dma_wait3A_1340] : memref<9x512xi32, #tpu.memory_space<vmem>> -> memref<1x512xi32, #tpu.memory_space<vmem>>
      %dma_wait3A_1342 = tpu.memref_squeeze %dma_wait3A_1341 : memref<1x512xi32, #tpu.memory_space<vmem>> -> memref<512xi32, #tpu.memory_space<vmem>>
      %dma_wait3A_1343 = tpu.memref_slice %arg3[%mul3A_2] : memref<16384xi32, #tpu.memory_space<hbm>> -> memref<512xi32, #tpu.memory_space<hbm>>
      tpu.wait_dma2 semaphore(%run_scoped3A_1327 : memref<!tpu.dma_semaphore, #tpu.memory_space<semaphore_mem>>) src(%dma_wait3A_1343 : memref<512xi32, #tpu.memory_space<hbm>>) dst(%dma_wait3A_1342 : memref<512xi32, #tpu.memory_space<vmem>>)
      tpu.yield
    }) : () -> ()
    %run_scoped3A_4 = arith.constant 2 : i32
    "tpu.region"() ({
      %run_scoped3A_1327 = tpu.sem_alloc : memref<!tpu.dma_semaphore, #tpu.memory_space<semaphore_mem>>
      %dma_start3A_1328 = arith.constant 0 : i32
      %dma_start3A_1329 = tpu.memref_slice %arg39[%run_scoped3A_4, %dma_start3A_1328] : memref<9x512xi32, #tpu.memory_space<vmem>> -> memref<1x512xi32, #tpu.memory_space<vmem>>
      %dma_start3A_1330 = tpu.memref_squeeze %dma_start3A_1329 : memref<1x512xi32, #tpu.memory_space<vmem>> -> memref<512xi32, #tpu.memory_space<vmem>>
      %dma_start3A_1331 = tpu.memref_slice %arg4[%mul3A_2] : memref<16384xi32, #tpu.memory_space<hbm>> -> memref<512xi32, #tpu.memory_space<hbm>>
      %dma_start3A_1332 = arith.constant 0 : i32
      %dma_start3A_1333 = tpu.memref_slice %arg39[%run_scoped3A_4, %dma_start3A_1332] : memref<9x512xi32, #tpu.memory_space<vmem>> -> memref<1x512xi32, #tpu.memory_space<vmem>>
      %dma_start3A_1334 = tpu.memref_squeeze %dma_start3A_1333 : memref<1x512xi32, #tpu.memory_space<vmem>> -> memref<512xi32, #tpu.memory_space<vmem>>
      %dma_start3A_1335 = tpu.memref_slice %arg4[%mul3A_2] : memref<16384xi32, #tpu.memory_space<hbm>> -> memref<512xi32, #tpu.memory_space<hbm>>
      tpu.enqueue_dma source(%dma_start3A_1335 : memref<512xi32, #tpu.memory_space<hbm>>) target(%dma_start3A_1334 : memref<512xi32, #tpu.memory_space<vmem>>) target_semaphore(%run_scoped3A_1327 : memref<!tpu.dma_semaphore, #tpu.memory_space<semaphore_mem>>)
      %dma_wait3A_1336 = arith.constant 0 : i32
      %dma_wait3A_1337 = tpu.memref_slice %arg39[%run_scoped3A_4, %dma_wait3A_1336] : memref<9x512xi32, #tpu.memory_space<vmem>> -> memref<1x512xi32, #tpu.memory_space<vmem>>
      %dma_wait3A_1338 = tpu.memref_squeeze %dma_wait3A_1337 : memref<1x512xi32, #tpu.memory_space<vmem>> -> memref<512xi32, #tpu.memory_space<vmem>>
      %dma_wait3A_1339 = tpu.memref_slice %arg4[%mul3A_2] : memref<16384xi32, #tpu.memory_space<hbm>> -> memref<512xi32, #tpu.memory_space<hbm>>
      %dma_wait3A_1340 = arith.constant 0 : i32
      %dma_wait3A_1341 = tpu.memref_slice %arg39[%run_scoped3A_4, %dma_wait3A_1340] : memref<9x512xi32, #tpu.memory_space<vmem>> -> memref<1x512xi32, #tpu.memory_space<vmem>>
      %dma_wait3A_1342 = tpu.memref_squeeze %dma_wait3A_1341 : memref<1x512xi32, #tpu.memory_space<vmem>> -> memref<512xi32, #tpu.memory_space<vmem>>
      %dma_wait3A_1343 = tpu.memref_slice %arg4[%mul3A_2] : memref<16384xi32, #tpu.memory_space<hbm>> -> memref<512xi32, #tpu.memory_space<hbm>>
      tpu.wait_dma2 semaphore(%run_scoped3A_1327 : memref<!tpu.dma_semaphore, #tpu.memory_space<semaphore_mem>>) src(%dma_wait3A_1343 : memref<512xi32, #tpu.memory_space<hbm>>) dst(%dma_wait3A_1342 : memref<512xi32, #tpu.memory_space<vmem>>)
      tpu.yield
    }) : () -> ()
    %run_scoped3A_5 = arith.constant 3 : i32
    "tpu.region"() ({
      %run_scoped3A_1327 = tpu.sem_alloc : memref<!tpu.dma_semaphore, #tpu.memory_space<semaphore_mem>>
      %dma_start3A_1328 = arith.constant 0 : i32
      %dma_start3A_1329 = tpu.memref_slice %arg39[%run_scoped3A_5, %dma_start3A_1328] : memref<9x512xi32, #tpu.memory_space<vmem>> -> memref<1x512xi32, #tpu.memory_space<vmem>>
      %dma_start3A_1330 = tpu.memref_squeeze %dma_start3A_1329 : memref<1x512xi32, #tpu.memory_space<vmem>> -> memref<512xi32, #tpu.memory_space<vmem>>
      %dma_start3A_1331 = tpu.memref_slice %arg5[%mul3A_2] : memref<16384xi32, #tpu.memory_space<hbm>> -> memref<512xi32, #tpu.memory_space<hbm>>
      %dma_start3A_1332 = arith.constant 0 : i32
      %dma_start3A_1333 = tpu.memref_slice %arg39[%run_scoped3A_5, %dma_start3A_1332] : memref<9x512xi32, #tpu.memory_space<vmem>> -> memref<1x512xi32, #tpu.memory_space<vmem>>
      %dma_start3A_1334 = tpu.memref_squeeze %dma_start3A_1333 : memref<1x512xi32, #tpu.memory_space<vmem>> -> memref<512xi32, #tpu.memory_space<vmem>>
      %dma_start3A_1335 = tpu.memref_slice %arg5[%mul3A_2] : memref<16384xi32, #tpu.memory_space<hbm>> -> memref<512xi32, #tpu.memory_space<hbm>>
      tpu.enqueue_dma source(%dma_start3A_1335 : memref<512xi32, #tpu.memory_space<hbm>>) target(%dma_start3A_1334 : memref<512xi32, #tpu.memory_space<vmem>>) target_semaphore(%run_scoped3A_1327 : memref<!tpu.dma_semaphore, #tpu.memory_space<semaphore_mem>>)
      %dma_wait3A_1336 = arith.constant 0 : i32
      %dma_wait3A_1337 = tpu.memref_slice %arg39[%run_scoped3A_5, %dma_wait3A_1336] : memref<9x512xi32, #tpu.memory_space<vmem>> -> memref<1x512xi32, #tpu.memory_space<vmem>>
      %dma_wait3A_1338 = tpu.memref_squeeze %dma_wait3A_1337 : memref<1x512xi32, #tpu.memory_space<vmem>> -> memref<512xi32, #tpu.memory_space<vmem>>
      %dma_wait3A_1339 = tpu.memref_slice %arg5[%mul3A_2] : memref<16384xi32, #tpu.memory_space<hbm>> -> memref<512xi32, #tpu.memory_space<hbm>>
      %dma_wait3A_1340 = arith.constant 0 : i32
      %dma_wait3A_1341 = tpu.memref_slice %arg39[%run_scoped3A_5, %dma_wait3A_1340] : memref<9x512xi32, #tpu.memory_space<vmem>> -> memref<1x512xi32, #tpu.memory_space<vmem>>
      %dma_wait3A_1342 = tpu.memref_squeeze %dma_wait3A_1341 : memref<1x512xi32, #tpu.memory_space<vmem>> -> memref<512xi32, #tpu.memory_space<vmem>>
      %dma_wait3A_1343 = tpu.memref_slice %arg5[%mul3A_2] : memref<16384xi32, #tpu.memory_space<hbm>> -> memref<512xi32, #tpu.memory_space<hbm>>
      tpu.wait_dma2 semaphore(%run_scoped3A_1327 : memref<!tpu.dma_semaphore, #tpu.memory_space<semaphore_mem>>) src(%dma_wait3A_1343 : memref<512xi32, #tpu.memory_space<hbm>>) dst(%dma_wait3A_1342 : memref<512xi32, #tpu.memory_space<vmem>>)
      tpu.yield
    }) : () -> ()
    %run_scoped3A_6 = arith.constant 4 : i32
    "tpu.region"() ({
      %run_scoped3A_1327 = tpu.sem_alloc : memref<!tpu.dma_semaphore, #tpu.memory_space<semaphore_mem>>
      %dma_start3A_1328 = arith.constant 0 : i32
      %dma_start3A_1329 = tpu.memref_slice %arg39[%run_scoped3A_6, %dma_start3A_1328] : memref<9x512xi32, #tpu.memory_space<vmem>> -> memref<1x512xi32, #tpu.memory_space<vmem>>
      %dma_start3A_1330 = tpu.memref_squeeze %dma_start3A_1329 : memref<1x512xi32, #tpu.memory_space<vmem>> -> memref<512xi32, #tpu.memory_space<vmem>>
      %dma_start3A_1331 = tpu.memref_slice %arg6[%mul3A_2] : memref<16384xi32, #tpu.memory_space<hbm>> -> memref<512xi32, #tpu.memory_space<hbm>>
      %dma_start3A_1332 = arith.constant 0 : i32
      %dma_start3A_1333 = tpu.memref_slice %arg39[%run_scoped3A_6, %dma_start3A_1332] : memref<9x512xi32, #tpu.memory_space<vmem>> -> memref<1x512xi32, #tpu.memory_space<vmem>>
      %dma_start3A_1334 = tpu.memref_squeeze %dma_start3A_1333 : memref<1x512xi32, #tpu.memory_space<vmem>> -> memref<512xi32, #tpu.memory_space<vmem>>
      %dma_start3A_1335 = tpu.memref_slice %arg6[%mul3A_2] : memref<16384xi32, #tpu.memory_space<hbm>> -> memref<512xi32, #tpu.memory_space<hbm>>
      tpu.enqueue_dma source(%dma_start3A_1335 : memref<512xi32, #tpu.memory_space<hbm>>) target(%dma_start3A_1334 : memref<512xi32, #tpu.memory_space<vmem>>) target_semaphore(%run_scoped3A_1327 : memref<!tpu.dma_semaphore, #tpu.memory_space<semaphore_mem>>)
      %dma_wait3A_1336 = arith.constant 0 : i32
      %dma_wait3A_1337 = tpu.memref_slice %arg39[%run_scoped3A_6, %dma_wait3A_1336] : memref<9x512xi32, #tpu.memory_space<vmem>> -> memref<1x512xi32, #tpu.memory_space<vmem>>
      %dma_wait3A_1338 = tpu.memref_squeeze %dma_wait3A_1337 : memref<1x512xi32, #tpu.memory_space<vmem>> -> memref<512xi32, #tpu.memory_space<vmem>>
      %dma_wait3A_1339 = tpu.memref_slice %arg6[%mul3A_2] : memref<16384xi32, #tpu.memory_space<hbm>> -> memref<512xi32, #tpu.memory_space<hbm>>
      %dma_wait3A_1340 = arith.constant 0 : i32
      %dma_wait3A_1341 = tpu.memref_slice %arg39[%run_scoped3A_6, %dma_wait3A_1340] : memref<9x512xi32, #tpu.memory_space<vmem>> -> memref<1x512xi32, #tpu.memory_space<vmem>>
      %dma_wait3A_1342 = tpu.memref_squeeze %dma_wait3A_1341 : memref<1x512xi32, #tpu.memory_space<vmem>> -> memref<512xi32, #tpu.memory_space<vmem>>
      %dma_wait3A_1343 = tpu.memref_slice %arg6[%mul3A_2] : memref<16384xi32, #tpu.memory_space<hbm>> -> memref<512xi32, #tpu.memory_space<hbm>>
      tpu.wait_dma2 semaphore(%run_scoped3A_1327 : memref<!tpu.dma_semaphore, #tpu.memory_space<semaphore_mem>>) src(%dma_wait3A_1343 : memref<512xi32, #tpu.memory_space<hbm>>) dst(%dma_wait3A_1342 : memref<512xi32, #tpu.memory_space<vmem>>)
      tpu.yield
    }) : () -> ()
    %run_scoped3A_7 = arith.constant 5 : i32
    "tpu.region"() ({
      %run_scoped3A_1327 = tpu.sem_alloc : memref<!tpu.dma_semaphore, #tpu.memory_space<semaphore_mem>>
      %dma_start3A_1328 = arith.constant 0 : i32
      %dma_start3A_1329 = tpu.memref_slice %arg39[%run_scoped3A_7, %dma_start3A_1328] : memref<9x512xi32, #tpu.memory_space<vmem>> -> memref<1x512xi32, #tpu.memory_space<vmem>>
      %dma_start3A_1330 = tpu.memref_squeeze %dma_start3A_1329 : memref<1x512xi32, #tpu.memory_space<vmem>> -> memref<512xi32, #tpu.memory_space<vmem>>
      %dma_start3A_1331 = tpu.memref_slice %arg7[%mul3A_2] : memref<16384xi32, #tpu.memory_space<hbm>> -> memref<512xi32, #tpu.memory_space<hbm>>
      %dma_start3A_1332 = arith.constant 0 : i32
      %dma_start3A_1333 = tpu.memref_slice %arg39[%run_scoped3A_7, %dma_start3A_1332] : memref<9x512xi32, #tpu.memory_space<vmem>> -> memref<1x512xi32, #tpu.memory_space<vmem>>
      %dma_start3A_1334 = tpu.memref_squeeze %dma_start3A_1333 : memref<1x512xi32, #tpu.memory_space<vmem>> -> memref<512xi32, #tpu.memory_space<vmem>>
      %dma_start3A_1335 = tpu.memref_slice %arg7[%mul3A_2] : memref<16384xi32, #tpu.memory_space<hbm>> -> memref<512xi32, #tpu.memory_space<hbm>>
      tpu.enqueue_dma source(%dma_start3A_1335 : memref<512xi32, #tpu.memory_space<hbm>>) target(%dma_start3A_1334 : memref<512xi32, #tpu.memory_space<vmem>>) target_semaphore(%run_scoped3A_1327 : memref<!tpu.dma_semaphore, #tpu.memory_space<semaphore_mem>>)
      %dma_wait3A_1336 = arith.constant 0 : i32
      %dma_wait3A_1337 = tpu.memref_slice %arg39[%run_scoped3A_7, %dma_wait3A_1336] : memref<9x512xi32, #tpu.memory_space<vmem>> -> memref<1x512xi32, #tpu.memory_space<vmem>>
      %dma_wait3A_1338 = tpu.memref_squeeze %dma_wait3A_1337 : memref<1x512xi32, #tpu.memory_space<vmem>> -> memref<512xi32, #tpu.memory_space<vmem>>
      %dma_wait3A_1339 = tpu.memref_slice %arg7[%mul3A_2] : memref<16384xi32, #tpu.memory_space<hbm>> -> memref<512xi32, #tpu.memory_space<hbm>>
      %dma_wait3A_1340 = arith.constant 0 : i32
      %dma_wait3A_1341 = tpu.memref_slice %arg39[%run_scoped3A_7, %dma_wait3A_1340] : memref<9x512xi32, #tpu.memory_space<vmem>> -> memref<1x512xi32, #tpu.memory_space<vmem>>
      %dma_wait3A_1342 = tpu.memref_squeeze %dma_wait3A_1341 : memref<1x512xi32, #tpu.memory_space<vmem>> -> memref<512xi32, #tpu.memory_space<vmem>>
      %dma_wait3A_1343 = tpu.memref_slice %arg7[%mul3A_2] : memref<16384xi32, #tpu.memory_space<hbm>> -> memref<512xi32, #tpu.memory_space<hbm>>
      tpu.wait_dma2 semaphore(%run_scoped3A_1327 : memref<!tpu.dma_semaphore, #tpu.memory_space<semaphore_mem>>) src(%dma_wait3A_1343 : memref<512xi32, #tpu.memory_space<hbm>>) dst(%dma_wait3A_1342 : memref<512xi32, #tpu.memory_space<vmem>>)
      tpu.yield
    }) : () -> ()
    %run_scoped3A_8 = arith.constant 6 : i32
    "tpu.region"() ({
      %run_scoped3A_1327 = tpu.sem_alloc : memref<!tpu.dma_semaphore, #tpu.memory_space<semaphore_mem>>
      %dma_start3A_1328 = arith.constant 0 : i32
      %dma_start3A_1329 = tpu.memref_slice %arg39[%run_scoped3A_8, %dma_start3A_1328] : memref<9x512xi32, #tpu.memory_space<vmem>> -> memref<1x512xi32, #tpu.memory_space<vmem>>
      %dma_start3A_1330 = tpu.memref_squeeze %dma_start3A_1329 : memref<1x512xi32, #tpu.memory_space<vmem>> -> memref<512xi32, #tpu.memory_space<vmem>>
      %dma_start3A_1331 = tpu.memref_slice %arg8[%mul3A_2] : memref<16384xi32, #tpu.memory_space<hbm>> -> memref<512xi32, #tpu.memory_space<hbm>>
      %dma_start3A_1332 = arith.constant 0 : i32
      %dma_start3A_1333 = tpu.memref_slice %arg39[%run_scoped3A_8, %dma_start3A_1332] : memref<9x512xi32, #tpu.memory_space<vmem>> -> memref<1x512xi32, #tpu.memory_space<vmem>>
      %dma_start3A_1334 = tpu.memref_squeeze %dma_start3A_1333 : memref<1x512xi32, #tpu.memory_space<vmem>> -> memref<512xi32, #tpu.memory_space<vmem>>
      %dma_start3A_1335 = tpu.memref_slice %arg8[%mul3A_2] : memref<16384xi32, #tpu.memory_space<hbm>> -> memref<512xi32, #tpu.memory_space<hbm>>
      tpu.enqueue_dma source(%dma_start3A_1335 : memref<512xi32, #tpu.memory_space<hbm>>) target(%dma_start3A_1334 : memref<512xi32, #tpu.memory_space<vmem>>) target_semaphore(%run_scoped3A_1327 : memref<!tpu.dma_semaphore, #tpu.memory_space<semaphore_mem>>)
      %dma_wait3A_1336 = arith.constant 0 : i32
      %dma_wait3A_1337 = tpu.memref_slice %arg39[%run_scoped3A_8, %dma_wait3A_1336] : memref<9x512xi32, #tpu.memory_space<vmem>> -> memref<1x512xi32, #tpu.memory_space<vmem>>
      %dma_wait3A_1338 = tpu.memref_squeeze %dma_wait3A_1337 : memref<1x512xi32, #tpu.memory_space<vmem>> -> memref<512xi32, #tpu.memory_space<vmem>>
      %dma_wait3A_1339 = tpu.memref_slice %arg8[%mul3A_2] : memref<16384xi32, #tpu.memory_space<hbm>> -> memref<512xi32, #tpu.memory_space<hbm>>
      %dma_wait3A_1340 = arith.constant 0 : i32
      %dma_wait3A_1341 = tpu.memref_slice %arg39[%run_scoped3A_8, %dma_wait3A_1340] : memref<9x512xi32, #tpu.memory_space<vmem>> -> memref<1x512xi32, #tpu.memory_space<vmem>>
      %dma_wait3A_1342 = tpu.memref_squeeze %dma_wait3A_1341 : memref<1x512xi32, #tpu.memory_space<vmem>> -> memref<512xi32, #tpu.memory_space<vmem>>
      %dma_wait3A_1343 = tpu.memref_slice %arg8[%mul3A_2] : memref<16384xi32, #tpu.memory_space<hbm>> -> memref<512xi32, #tpu.memory_space<hbm>>
      tpu.wait_dma2 semaphore(%run_scoped3A_1327 : memref<!tpu.dma_semaphore, #tpu.memory_space<semaphore_mem>>) src(%dma_wait3A_1343 : memref<512xi32, #tpu.memory_space<hbm>>) dst(%dma_wait3A_1342 : memref<512xi32, #tpu.memory_space<vmem>>)
      tpu.yield
    }) : () -> ()
    %run_scoped3A_9 = arith.constant 7 : i32
    "tpu.region"() ({
      %run_scoped3A_1327 = tpu.sem_alloc : memref<!tpu.dma_semaphore, #tpu.memory_space<semaphore_mem>>
      %dma_start3A_1328 = arith.constant 0 : i32
      %dma_start3A_1329 = tpu.memref_slice %arg39[%run_scoped3A_9, %dma_start3A_1328] : memref<9x512xi32, #tpu.memory_space<vmem>> -> memref<1x512xi32, #tpu.memory_space<vmem>>
      %dma_start3A_1330 = tpu.memref_squeeze %dma_start3A_1329 : memref<1x512xi32, #tpu.memory_space<vmem>> -> memref<512xi32, #tpu.memory_space<vmem>>
      %dma_start3A_1331 = tpu.memref_slice %arg9[%mul3A_2] : memref<16384xi32, #tpu.memory_space<hbm>> -> memref<512xi32, #tpu.memory_space<hbm>>
      %dma_start3A_1332 = arith.constant 0 : i32
      %dma_start3A_1333 = tpu.memref_slice %arg39[%run_scoped3A_9, %dma_start3A_1332] : memref<9x512xi32, #tpu.memory_space<vmem>> -> memref<1x512xi32, #tpu.memory_space<vmem>>
      %dma_start3A_1334 = tpu.memref_squeeze %dma_start3A_1333 : memref<1x512xi32, #tpu.memory_space<vmem>> -> memref<512xi32, #tpu.memory_space<vmem>>
      %dma_start3A_1335 = tpu.memref_slice %arg9[%mul3A_2] : memref<16384xi32, #tpu.memory_space<hbm>> -> memref<512xi32, #tpu.memory_space<hbm>>
      tpu.enqueue_dma source(%dma_start3A_1335 : memref<512xi32, #tpu.memory_space<hbm>>) target(%dma_start3A_1334 : memref<512xi32, #tpu.memory_space<vmem>>) target_semaphore(%run_scoped3A_1327 : memref<!tpu.dma_semaphore, #tpu.memory_space<semaphore_mem>>)
      %dma_wait3A_1336 = arith.constant 0 : i32
      %dma_wait3A_1337 = tpu.memref_slice %arg39[%run_scoped3A_9, %dma_wait3A_1336] : memref<9x512xi32, #tpu.memory_space<vmem>> -> memref<1x512xi32, #tpu.memory_space<vmem>>
      %dma_wait3A_1338 = tpu.memref_squeeze %dma_wait3A_1337 : memref<1x512xi32, #tpu.memory_space<vmem>> -> memref<512xi32, #tpu.memory_space<vmem>>
      %dma_wait3A_1339 = tpu.memref_slice %arg9[%mul3A_2] : memref<16384xi32, #tpu.memory_space<hbm>> -> memref<512xi32, #tpu.memory_space<hbm>>
      %dma_wait3A_1340 = arith.constant 0 : i32
      %dma_wait3A_1341 = tpu.memref_slice %arg39[%run_scoped3A_9, %dma_wait3A_1340] : memref<9x512xi32, #tpu.memory_space<vmem>> -> memref<1x512xi32, #tpu.memory_space<vmem>>
      %dma_wait3A_1342 = tpu.memref_squeeze %dma_wait3A_1341 : memref<1x512xi32, #tpu.memory_space<vmem>> -> memref<512xi32, #tpu.memory_space<vmem>>
      %dma_wait3A_1343 = tpu.memref_slice %arg9[%mul3A_2] : memref<16384xi32, #tpu.memory_space<hbm>> -> memref<512xi32, #tpu.memory_space<hbm>>
      tpu.wait_dma2 semaphore(%run_scoped3A_1327 : memref<!tpu.dma_semaphore, #tpu.memory_space<semaphore_mem>>) src(%dma_wait3A_1343 : memref<512xi32, #tpu.memory_space<hbm>>) dst(%dma_wait3A_1342 : memref<512xi32, #tpu.memory_space<vmem>>)
      tpu.yield
    }) : () -> ()
    %run_scoped3A_10 = arith.constant 8 : i32
    "tpu.region"() ({
      %run_scoped3A_1327 = tpu.sem_alloc : memref<!tpu.dma_semaphore, #tpu.memory_space<semaphore_mem>>
      %dma_start3A_1328 = arith.constant 0 : i32
      %dma_start3A_1329 = tpu.memref_slice %arg39[%run_scoped3A_10, %dma_start3A_1328] : memref<9x512xi32, #tpu.memory_space<vmem>> -> memref<1x512xi32, #tpu.memory_space<vmem>>
      %dma_start3A_1330 = tpu.memref_squeeze %dma_start3A_1329 : memref<1x512xi32, #tpu.memory_space<vmem>> -> memref<512xi32, #tpu.memory_space<vmem>>
      %dma_start3A_1331 = tpu.memref_slice %arg10[%mul3A_2] : memref<16384xi32, #tpu.memory_space<hbm>> -> memref<512xi32, #tpu.memory_space<hbm>>
      %dma_start3A_1332 = arith.constant 0 : i32
      %dma_start3A_1333 = tpu.memref_slice %arg39[%run_scoped3A_10, %dma_start3A_1332] : memref<9x512xi32, #tpu.memory_space<vmem>> -> memref<1x512xi32, #tpu.memory_space<vmem>>
      %dma_start3A_1334 = tpu.memref_squeeze %dma_start3A_1333 : memref<1x512xi32, #tpu.memory_space<vmem>> -> memref<512xi32, #tpu.memory_space<vmem>>
      %dma_start3A_1335 = tpu.memref_slice %arg10[%mul3A_2] : memref<16384xi32, #tpu.memory_space<hbm>> -> memref<512xi32, #tpu.memory_space<hbm>>
      tpu.enqueue_dma source(%dma_start3A_1335 : memref<512xi32, #tpu.memory_space<hbm>>) target(%dma_start3A_1334 : memref<512xi32, #tpu.memory_space<vmem>>) target_semaphore(%run_scoped3A_1327 : memref<!tpu.dma_semaphore, #tpu.memory_space<semaphore_mem>>)
      %dma_wait3A_1336 = arith.constant 0 : i32
      %dma_wait3A_1337 = tpu.memref_slice %arg39[%run_scoped3A_10, %dma_wait3A_1336] : memref<9x512xi32, #tpu.memory_space<vmem>> -> memref<1x512xi32, #tpu.memory_space<vmem>>
      %dma_wait3A_1338 = tpu.memref_squeeze %dma_wait3A_1337 : memref<1x512xi32, #tpu.memory_space<vmem>> -> memref<512xi32, #tpu.memory_space<vmem>>
      %dma_wait3A_1339 = tpu.memref_slice %arg10[%mul3A_2] : memref<16384xi32, #tpu.memory_space<hbm>> -> memref<512xi32, #tpu.memory_space<hbm>>
      %dma_wait3A_1340 = arith.constant 0 : i32
      %dma_wait3A_1341 = tpu.memref_slice %arg39[%run_scoped3A_10, %dma_wait3A_1340] : memref<9x512xi32, #tpu.memory_space<vmem>> -> memref<1x512xi32, #tpu.memory_space<vmem>>
      %dma_wait3A_1342 = tpu.memref_squeeze %dma_wait3A_1341 : memref<1x512xi32, #tpu.memory_space<vmem>> -> memref<512xi32, #tpu.memory_space<vmem>>
      %dma_wait3A_1343 = tpu.memref_slice %arg10[%mul3A_2] : memref<16384xi32, #tpu.memory_space<hbm>> -> memref<512xi32, #tpu.memory_space<hbm>>
      tpu.wait_dma2 semaphore(%run_scoped3A_1327 : memref<!tpu.dma_semaphore, #tpu.memory_space<semaphore_mem>>) src(%dma_wait3A_1343 : memref<512xi32, #tpu.memory_space<hbm>>) dst(%dma_wait3A_1342 : memref<512xi32, #tpu.memory_space<vmem>>)
      tpu.yield
    }) : () -> ()
    %dma_start3A = arith.constant 0 : i32
    %dma_start3A_11 = tpu.memref_slice %arg29[%mul3A_2, %dma_start3A] : memref<16384x16xf32, #tpu.memory_space<hbm>> -> memref<512x16xf32, #tpu.memory_space<hbm>>
    %dma_start3A_12 = arith.constant 0 : i32
    %dma_start3A_13 = tpu.memref_slice %arg29[%mul3A_2, %dma_start3A_12] : memref<16384x16xf32, #tpu.memory_space<hbm>> -> memref<512x16xf32, #tpu.memory_space<hbm>>
    tpu.enqueue_dma source(%arg40 : memref<512x16xf32, #tpu.memory_space<vmem>>) target(%dma_start3A_13 : memref<512x16xf32, #tpu.memory_space<hbm>>) target_semaphore(%arg60 : memref<!tpu.dma_semaphore, #tpu.memory_space<semaphore_mem>>)
    %dma_start3A_14 = arith.constant 0 : i32
    %dma_start3A_15 = tpu.memref_slice %arg30[%mul3A_2, %dma_start3A_14] : memref<16384x16xf32, #tpu.memory_space<hbm>> -> memref<512x16xf32, #tpu.memory_space<hbm>>
    %dma_start3A_16 = arith.constant 0 : i32
    %dma_start3A_17 = tpu.memref_slice %arg30[%mul3A_2, %dma_start3A_16] : memref<16384x16xf32, #tpu.memory_space<hbm>> -> memref<512x16xf32, #tpu.memory_space<hbm>>
    tpu.enqueue_dma source(%arg41 : memref<512x16xf32, #tpu.memory_space<vmem>>) target(%dma_start3A_17 : memref<512x16xf32, #tpu.memory_space<hbm>>) target_semaphore(%arg60 : memref<!tpu.dma_semaphore, #tpu.memory_space<semaphore_mem>>)
    %dma_start3A_18 = arith.constant 0 : i32
    %dma_start3A_19 = tpu.memref_slice %arg31[%mul3A_2, %dma_start3A_18] : memref<16384x16xf32, #tpu.memory_space<hbm>> -> memref<512x16xf32, #tpu.memory_space<hbm>>
    %dma_start3A_20 = arith.constant 0 : i32
    %dma_start3A_21 = tpu.memref_slice %arg31[%mul3A_2, %dma_start3A_20] : memref<16384x16xf32, #tpu.memory_space<hbm>> -> memref<512x16xf32, #tpu.memory_space<hbm>>
    tpu.enqueue_dma source(%arg42 : memref<512x16xf32, #tpu.memory_space<vmem>>) target(%dma_start3A_21 : memref<512x16xf32, #tpu.memory_space<hbm>>) target_semaphore(%arg60 : memref<!tpu.dma_semaphore, #tpu.memory_space<semaphore_mem>>)
    %dma_start3A_22 = arith.constant 0 : i32
    %dma_start3A_23 = tpu.memref_slice %arg32[%mul3A_2, %dma_start3A_22] : memref<16384x16xf32, #tpu.memory_space<hbm>> -> memref<512x16xf32, #tpu.memory_space<hbm>>
    %dma_start3A_24 = arith.constant 0 : i32
    %dma_start3A_25 = tpu.memref_slice %arg32[%mul3A_2, %dma_start3A_24] : memref<16384x16xf32, #tpu.memory_space<hbm>> -> memref<512x16xf32, #tpu.memory_space<hbm>>
    tpu.enqueue_dma source(%arg43 : memref<512x16xf32, #tpu.memory_space<vmem>>) target(%dma_start3A_25 : memref<512x16xf32, #tpu.memory_space<hbm>>) target_semaphore(%arg60 : memref<!tpu.dma_semaphore, #tpu.memory_space<semaphore_mem>>)
    %dma_start3A_26 = arith.constant 0 : i32
    %dma_start3A_27 = tpu.memref_slice %arg33[%mul3A_2, %dma_start3A_26] : memref<16384x16xf32, #tpu.memory_space<hbm>> -> memref<512x16xf32, #tpu.memory_space<hbm>>
    %dma_start3A_28 = arith.constant 0 : i32
    %dma_start3A_29 = tpu.memref_slice %arg33[%mul3A_2, %dma_start3A_28] : memref<16384x16xf32, #tpu.memory_space<hbm>> -> memref<512x16xf32, #tpu.memory_space<hbm>>
    tpu.enqueue_dma source(%arg44 : memref<512x16xf32, #tpu.memory_space<vmem>>) target(%dma_start3A_29 : memref<512x16xf32, #tpu.memory_space<hbm>>) target_semaphore(%arg60 : memref<!tpu.dma_semaphore, #tpu.memory_space<semaphore_mem>>)
    %dma_start3A_30 = arith.constant 0 : i32
    %dma_start3A_31 = tpu.memref_slice %arg34[%mul3A_2, %dma_start3A_30] : memref<16384x16xf32, #tpu.memory_space<hbm>> -> memref<512x16xf32, #tpu.memory_space<hbm>>
    %dma_start3A_32 = arith.constant 0 : i32
    %dma_start3A_33 = tpu.memref_slice %arg34[%mul3A_2, %dma_start3A_32] : memref<16384x16xf32, #tpu.memory_space<hbm>> -> memref<512x16xf32, #tpu.memory_space<hbm>>
    tpu.enqueue_dma source(%arg45 : memref<512x16xf32, #tpu.memory_space<vmem>>) target(%dma_start3A_33 : memref<512x16xf32, #tpu.memory_space<hbm>>) target_semaphore(%arg60 : memref<!tpu.dma_semaphore, #tpu.memory_space<semaphore_mem>>)
    %dma_start3A_34 = arith.constant 0 : i32
    %dma_start3A_35 = tpu.memref_slice %arg35[%mul3A_2, %dma_start3A_34] : memref<16384x16xf32, #tpu.memory_space<hbm>> -> memref<512x16xf32, #tpu.memory_space<hbm>>
    %dma_start3A_36 = arith.constant 0 : i32
    %dma_start3A_37 = tpu.memref_slice %arg35[%mul3A_2, %dma_start3A_36] : memref<16384x16xf32, #tpu.memory_space<hbm>> -> memref<512x16xf32, #tpu.memory_space<hbm>>
    tpu.enqueue_dma source(%arg46 : memref<512x16xf32, #tpu.memory_space<vmem>>) target(%dma_start3A_37 : memref<512x16xf32, #tpu.memory_space<hbm>>) target_semaphore(%arg60 : memref<!tpu.dma_semaphore, #tpu.memory_space<semaphore_mem>>)
    %dma_start3A_38 = arith.constant 0 : i32
    %dma_start3A_39 = tpu.memref_slice %arg36[%mul3A_2, %dma_start3A_38] : memref<16384x16xf32, #tpu.memory_space<hbm>> -> memref<512x16xf32, #tpu.memory_space<hbm>>
    %dma_start3A_40 = arith.constant 0 : i32
    %dma_start3A_41 = tpu.memref_slice %arg36[%mul3A_2, %dma_start3A_40] : memref<16384x16xf32, #tpu.memory_space<hbm>> -> memref<512x16xf32, #tpu.memory_space<hbm>>
    tpu.enqueue_dma source(%arg47 : memref<512x16xf32, #tpu.memory_space<vmem>>) target(%dma_start3A_41 : memref<512x16xf32, #tpu.memory_space<hbm>>) target_semaphore(%arg60 : memref<!tpu.dma_semaphore, #tpu.memory_space<semaphore_mem>>)
    %dma_start3A_42 = arith.constant 0 : i32
    %dma_start3A_43 = tpu.memref_slice %arg37[%mul3A_2, %dma_start3A_42] : memref<16384x16xf32, #tpu.memory_space<hbm>> -> memref<512x16xf32, #tpu.memory_space<hbm>>
    %dma_start3A_44 = arith.constant 0 : i32
    %dma_start3A_45 = tpu.memref_slice %arg37[%mul3A_2, %dma_start3A_44] : memref<16384x16xf32, #tpu.memory_space<hbm>> -> memref<512x16xf32, #tpu.memory_space<hbm>>
    tpu.enqueue_dma source(%arg48 : memref<512x16xf32, #tpu.memory_space<vmem>>) target(%dma_start3A_45 : memref<512x16xf32, #tpu.memory_space<hbm>>) target_semaphore(%arg60 : memref<!tpu.dma_semaphore, #tpu.memory_space<semaphore_mem>>)
    %get3A = arith.constant 0 : index
    %get3A_46 = tpu.vector_load %arg49[%get3A] {strides = array<i32>} : memref<512xf32, #tpu.memory_space<vmem>>, vector<16xf32>,
    %get3A_47 = vector.shape_cast %get3A_46 : vector<16xf32> to vector<16xf32>
    %get3A_48 = arith.constant 0 : index
    %get3A_49 = tpu.vector_load %arg50[%get3A_48] {strides = array<i32>} : memref<512xf32, #tpu.memory_space<vmem>>, vector<16xf32>,
    %get3A_50 = vector.shape_cast %get3A_49 : vector<16xf32> to vector<16xf32>
    %add3A_51 = arith.addf %get3A_47, %get3A_50 : vector<16xf32>
    %get3A_52 = arith.constant 0 : index
    %get3A_53 = tpu.vector_load %arg51[%get3A_52] {strides = array<i32>} : memref<512xf32, #tpu.memory_space<vmem>>, vector<16xf32>,
    %get3A_54 = vector.shape_cast %get3A_53 : vector<16xf32> to vector<16xf32>
    %add3A_55 = arith.addf %add3A_51, %get3A_54 : vector<16xf32>
    %get3A_56 = arith.constant 0 : index
    %get3A_57 = tpu.vector_load %arg52[%get3A_56] {strides = array<i32>} : memref<512xf32, #tpu.memory_space<vmem>>, vector<16xf32>,
    %get3A_58 = vector.shape_cast %get3A_57 : vector<16xf32> to vector<16xf32>
    %add3A_59 = arith.addf %add3A_55, %get3A_58 : vector<16xf32>
    %get3A_60 = arith.constant 0 : index
    %get3A_61 = tpu.vector_load %arg53[%get3A_60] {strides = array<i32>} : memref<512xf32, #tpu.memory_space<vmem>>, vector<16xf32>,
    %get3A_62 = vector.shape_cast %get3A_61 : vector<16xf32> to vector<16xf32>
    %add3A_63 = arith.addf %add3A_59, %get3A_62 : vector<16xf32>
    %get3A_64 = arith.constant 0 : index
    %get3A_65 = tpu.vector_load %arg54[%get3A_64] {strides = array<i32>} : memref<512xf32, #tpu.memory_space<vmem>>, vector<16xf32>,
    %get3A_66 = vector.shape_cast %get3A_65 : vector<16xf32> to vector<16xf32>
    %add3A_67 = arith.addf %add3A_63, %get3A_66 : vector<16xf32>
    %get3A_68 = arith.constant 0 : index
    %get3A_69 = tpu.vector_load %arg55[%get3A_68] {strides = array<i32>} : memref<512xf32, #tpu.memory_space<vmem>>, vector<16xf32>,
    %get3A_70 = vector.shape_cast %get3A_69 : vector<16xf32> to vector<16xf32>
    %add3A_71 = arith.addf %add3A_67, %get3A_70 : vector<16xf32>
    %get3A_72 = arith.constant 0 : index
    %get3A_73 = tpu.vector_load %arg56[%get3A_72] {strides = array<i32>} : memref<512xf32, #tpu.memory_space<vmem>>, vector<16xf32>,
    %get3A_74 = vector.shape_cast %get3A_73 : vector<16xf32> to vector<16xf32>
    %add3A_75 = arith.addf %add3A_71, %get3A_74 : vector<16xf32>
    %get3A_76 = arith.constant 0 : index
    %get3A_77 = tpu.vector_load %arg57[%get3A_76] {strides = array<i32>} : memref<512xf32, #tpu.memory_space<vmem>>, vector<16xf32>,
    %get3A_78 = vector.shape_cast %get3A_77 : vector<16xf32> to vector<16xf32>
    %add3A_79 = arith.addf %add3A_75, %get3A_78 : vector<16xf32>
    %swap3A = arith.constant 0 : index
    %swap3A_80 = tpu.vector_load %arg58[%swap3A] {strides = array<i32>} : memref<512xf32, #tpu.memory_space<vmem>>, vector<16xf32>,
    %swap3A_81 = vector.shape_cast %swap3A_80 : vector<16xf32> to vector<16xf32>
    %swap3A_82 = vector.shape_cast %add3A_79 : vector<16xf32> to vector<16xf32>
    tpu.vector_store %arg58[%swap3A], %swap3A_82 {strides = array<i32>} : memref<512xf32, #tpu.memory_space<vmem>>, vector<16xf32>,
    %get3A_83 = arith.constant 16 : index
    %get3A_84 = tpu.vector_load %arg49[%get3A_83] {strides = array<i32>} : memref<512xf32, #tpu.memory_space<vmem>>, vector<16xf32>,
    %get3A_85 = vector.shape_cast %get3A_84 : vector<16xf32> to vector<16xf32>
    %get3A_86 = arith.constant 16 : index
    %get3A_87 = tpu.vector_load %arg50[%get3A_86] {strides = array<i32>} : memref<512xf32, #tpu.memory_space<vmem>>, vector<16xf32>,
    %get3A_88 = vector.shape_cast %get3A_87 : vector<16xf32> to vector<16xf32>
    %add3A_89 = arith.addf %get3A_85, %get3A_88 : vector<16xf32>
    %get3A_90 = arith.constant 16 : index
    %get3A_91 = tpu.vector_load %arg51[%get3A_90] {strides = array<i32>} : memref<512xf32, #tpu.memory_space<vmem>>, vector<16xf32>,
    %get3A_92 = vector.shape_cast %get3A_91 : vector<16xf32> to vector<16xf32>
    %add3A_93 = arith.addf %add3A_89, %get3A_92 : vector<16xf32>
    %get3A_94 = arith.constant 16 : index
    %get3A_95 = tpu.vector_load %arg52[%get3A_94] {strides = array<i32>} : memref<512xf32, #tpu.memory_space<vmem>>, vector<16xf32>,
    %get3A_96 = vector.shape_cast %get3A_95 : vector<16xf32> to vector<16xf32>
    %add3A_97 = arith.addf %add3A_93, %get3A_96 : vector<16xf32>
    %get3A_98 = arith.constant 16 : index
    %get3A_99 = tpu.vector_load %arg53[%get3A_98] {strides = array<i32>} : memref<512xf32, #tpu.memory_space<vmem>>, vector<16xf32>,
    %get3A_100 = vector.shape_cast %get3A_99 : vector<16xf32> to vector<16xf32>
    %add3A_101 = arith.addf %add3A_97, %get3A_100 : vector<16xf32>
    %get3A_102 = arith.constant 16 : index
    %get3A_103 = tpu.vector_load %arg54[%get3A_102] {strides = array<i32>} : memref<512xf32, #tpu.memory_space<vmem>>, vector<16xf32>,
    %get3A_104 = vector.shape_cast %get3A_103 : vector<16xf32> to vector<16xf32>
    %add3A_105 = arith.addf %add3A_101, %get3A_104 : vector<16xf32>
    %get3A_106 = arith.constant 16 : index
    %get3A_107 = tpu.vector_load %arg55[%get3A_106] {strides = array<i32>} : memref<512xf32, #tpu.memory_space<vmem>>, vector<16xf32>,
    %get3A_108 = vector.shape_cast %get3A_107 : vector<16xf32> to vector<16xf32>
    %add3A_109 = arith.addf %add3A_105, %get3A_108 : vector<16xf32>
    %get3A_110 = arith.constant 16 : index
    %get3A_111 = tpu.vector_load %arg56[%get3A_110] {strides = array<i32>} : memref<512xf32, #tpu.memory_space<vmem>>, vector<16xf32>,
    %get3A_112 = vector.shape_cast %get3A_111 : vector<16xf32> to vector<16xf32>
    %add3A_113 = arith.addf %add3A_109, %get3A_112 : vector<16xf32>
    %get3A_114 = arith.constant 16 : index
    %get3A_115 = tpu.vector_load %arg57[%get3A_114] {strides = array<i32>} : memref<512xf32, #tpu.memory_space<vmem>>, vector<16xf32>,
    %get3A_116 = vector.shape_cast %get3A_115 : vector<16xf32> to vector<16xf32>
    %add3A_117 = arith.addf %add3A_113, %get3A_116 : vector<16xf32>
    %swap3A_118 = arith.constant 16 : index
    %swap3A_119 = tpu.vector_load %arg58[%swap3A_118] {strides = array<i32>} : memref<512xf32, #tpu.memory_space<vmem>>, vector<16xf32>,
    %swap3A_120 = vector.shape_cast %swap3A_119 : vector<16xf32> to vector<16xf32>
    %swap3A_121 = vector.shape_cast %add3A_117 : vector<16xf32> to vector<16xf32>
    tpu.vector_store %arg58[%swap3A_118], %swap3A_121 {strides = array<i32>} : memref<512xf32, #tpu.memory_space<vmem>>, vector<16xf32>,
    %get3A_122 = arith.constant 32 : index
    %get3A_123 = tpu.vector_load %arg49[%get3A_122] {strides = array<i32>} : memref<512xf32, #tpu.memory_space<vmem>>, vector<16xf32>,
    %get3A_124 = vector.shape_cast %get3A_123 : vector<16xf32> to vector<16xf32>
    %get3A_125 = arith.constant 32 : index
    %get3A_126 = tpu.vector_load %arg50[%get3A_125] {strides = array<i32>} : memref<512xf32, #tpu.memory_space<vmem>>, vector<16xf32>,
    %get3A_127 = vector.shape_cast %get3A_126 : vector<16xf32> to vector<16xf32>
    %add3A_128 = arith.addf %get3A_124, %get3A_127 : vector<16xf32>
    %get3A_129 = arith.constant 32 : index
    %get3A_130 = tpu.vector_load %arg51[%get3A_129] {strides = array<i32>} : memref<512xf32, #tpu.memory_space<vmem>>, vector<16xf32>,
    %get3A_131 = vector.shape_cast %get3A_130 : vector<16xf32> to vector<16xf32>
    %add3A_132 = arith.addf %add3A_128, %get3A_131 : vector<16xf32>
    %get3A_133 = arith.constant 32 : index
    %get3A_134 = tpu.vector_load %arg52[%get3A_133] {strides = array<i32>} : memref<512xf32, #tpu.memory_space<vmem>>, vector<16xf32>,
    %get3A_135 = vector.shape_cast %get3A_134 : vector<16xf32> to vector<16xf32>
    %add3A_136 = arith.addf %add3A_132, %get3A_135 : vector<16xf32>
    %get3A_137 = arith.constant 32 : index
    %get3A_138 = tpu.vector_load %arg53[%get3A_137] {strides = array<i32>} : memref<512xf32, #tpu.memory_space<vmem>>, vector<16xf32>,
    %get3A_139 = vector.shape_cast %get3A_138 : vector<16xf32> to vector<16xf32>
    %add3A_140 = arith.addf %add3A_136, %get3A_139 : vector<16xf32>
    %get3A_141 = arith.constant 32 : index
    %get3A_142 = tpu.vector_load %arg54[%get3A_141] {strides = array<i32>} : memref<512xf32, #tpu.memory_space<vmem>>, vector<16xf32>,
    %get3A_143 = vector.shape_cast %get3A_142 : vector<16xf32> to vector<16xf32>
    %add3A_144 = arith.addf %add3A_140, %get3A_143 : vector<16xf32>
    %get3A_145 = arith.constant 32 : index
    %get3A_146 = tpu.vector_load %arg55[%get3A_145] {strides = array<i32>} : memref<512xf32, #tpu.memory_space<vmem>>, vector<16xf32>,
    %get3A_147 = vector.shape_cast %get3A_146 : vector<16xf32> to vector<16xf32>
    %add3A_148 = arith.addf %add3A_144, %get3A_147 : vector<16xf32>
    %get3A_149 = arith.constant 32 : index
    %get3A_150 = tpu.vector_load %arg56[%get3A_149] {strides = array<i32>} : memref<512xf32, #tpu.memory_space<vmem>>, vector<16xf32>,
    %get3A_151 = vector.shape_cast %get3A_150 : vector<16xf32> to vector<16xf32>
    %add3A_152 = arith.addf %add3A_148, %get3A_151 : vector<16xf32>
    %get3A_153 = arith.constant 32 : index
    %get3A_154 = tpu.vector_load %arg57[%get3A_153] {strides = array<i32>} : memref<512xf32, #tpu.memory_space<vmem>>, vector<16xf32>,
    %get3A_155 = vector.shape_cast %get3A_154 : vector<16xf32> to vector<16xf32>
    %add3A_156 = arith.addf %add3A_152, %get3A_155 : vector<16xf32>
    %swap3A_157 = arith.constant 32 : index
    %swap3A_158 = tpu.vector_load %arg58[%swap3A_157] {strides = array<i32>} : memref<512xf32, #tpu.memory_space<vmem>>, vector<16xf32>,
    %swap3A_159 = vector.shape_cast %swap3A_158 : vector<16xf32> to vector<16xf32>
    %swap3A_160 = vector.shape_cast %add3A_156 : vector<16xf32> to vector<16xf32>
    tpu.vector_store %arg58[%swap3A_157], %swap3A_160 {strides = array<i32>} : memref<512xf32, #tpu.memory_space<vmem>>, vector<16xf32>,
    %get3A_161 = arith.constant 48 : index
    %get3A_162 = tpu.vector_load %arg49[%get3A_161] {strides = array<i32>} : memref<512xf32, #tpu.memory_space<vmem>>, vector<16xf32>,
    %get3A_163 = vector.shape_cast %get3A_162 : vector<16xf32> to vector<16xf32>
    %get3A_164 = arith.constant 48 : index
    %get3A_165 = tpu.vector_load %arg50[%get3A_164] {strides = array<i32>} : memref<512xf32, #tpu.memory_space<vmem>>, vector<16xf32>,
    %get3A_166 = vector.shape_cast %get3A_165 : vector<16xf32> to vector<16xf32>
    %add3A_167 = arith.addf %get3A_163, %get3A_166 : vector<16xf32>
    %get3A_168 = arith.constant 48 : index
    %get3A_169 = tpu.vector_load %arg51[%get3A_168] {strides = array<i32>} : memref<512xf32, #tpu.memory_space<vmem>>, vector<16xf32>,
    %get3A_170 = vector.shape_cast %get3A_169 : vector<16xf32> to vector<16xf32>
    %add3A_171 = arith.addf %add3A_167, %get3A_170 : vector<16xf32>
    %get3A_172 = arith.constant 48 : index
    %get3A_173 = tpu.vector_load %arg52[%get3A_172] {strides = array<i32>} : memref<512xf32, #tpu.memory_space<vmem>>, vector<16xf32>,
    %get3A_174 = vector.shape_cast %get3A_173 : vector<16xf32> to vector<16xf32>
    %add3A_175 = arith.addf %add3A_171, %get3A_174 : vector<16xf32>
    %get3A_176 = arith.constant 48 : index
    %get3A_177 = tpu.vector_load %arg53[%get3A_176] {strides = array<i32>} : memref<512xf32, #tpu.memory_space<vmem>>, vector<16xf32>,
    %get3A_178 = vector.shape_cast %get3A_177 : vector<16xf32> to vector<16xf32>
    %add3A_179 = arith.addf %add3A_175, %get3A_178 : vector<16xf32>
    %get3A_180 = arith.constant 48 : index
    %get3A_181 = tpu.vector_load %arg54[%get3A_180] {strides = array<i32>} : memref<512xf32, #tpu.memory_space<vmem>>, vector<16xf32>,
    %get3A_182 = vector.shape_cast %get3A_181 : vector<16xf32> to vector<16xf32>
    %add3A_183 = arith.addf %add3A_179, %get3A_182 : vector<16xf32>
    %get3A_184 = arith.constant 48 : index
    %get3A_185 = tpu.vector_load %arg55[%get3A_184] {strides = array<i32>} : memref<512xf32, #tpu.memory_space<vmem>>, vector<16xf32>,
    %get3A_186 = vector.shape_cast %get3A_185 : vector<16xf32> to vector<16xf32>
    %add3A_187 = arith.addf %add3A_183, %get3A_186 : vector<16xf32>
    %get3A_188 = arith.constant 48 : index
    %get3A_189 = tpu.vector_load %arg56[%get3A_188] {strides = array<i32>} : memref<512xf32, #tpu.memory_space<vmem>>, vector<16xf32>,
    %get3A_190 = vector.shape_cast %get3A_189 : vector<16xf32> to vector<16xf32>
    %add3A_191 = arith.addf %add3A_187, %get3A_190 : vector<16xf32>
    %get3A_192 = arith.constant 48 : index
    %get3A_193 = tpu.vector_load %arg57[%get3A_192] {strides = array<i32>} : memref<512xf32, #tpu.memory_space<vmem>>, vector<16xf32>,
    %get3A_194 = vector.shape_cast %get3A_193 : vector<16xf32> to vector<16xf32>
    %add3A_195 = arith.addf %add3A_191, %get3A_194 : vector<16xf32>
    %swap3A_196 = arith.constant 48 : index
    %swap3A_197 = tpu.vector_load %arg58[%swap3A_196] {strides = array<i32>} : memref<512xf32, #tpu.memory_space<vmem>>, vector<16xf32>,
    %swap3A_198 = vector.shape_cast %swap3A_197 : vector<16xf32> to vector<16xf32>
    %swap3A_199 = vector.shape_cast %add3A_195 : vector<16xf32> to vector<16xf32>
    tpu.vector_store %arg58[%swap3A_196], %swap3A_199 {strides = array<i32>} : memref<512xf32, #tpu.memory_space<vmem>>, vector<16xf32>,
    %get3A_200 = arith.constant 64 : index
    %get3A_201 = tpu.vector_load %arg49[%get3A_200] {strides = array<i32>} : memref<512xf32, #tpu.memory_space<vmem>>, vector<16xf32>,
    %get3A_202 = vector.shape_cast %get3A_201 : vector<16xf32> to vector<16xf32>
    %get3A_203 = arith.constant 64 : index
    %get3A_204 = tpu.vector_load %arg50[%get3A_203] {strides = array<i32>} : memref<512xf32, #tpu.memory_space<vmem>>, vector<16xf32>,
    %get3A_205 = vector.shape_cast %get3A_204 : vector<16xf32> to vector<16xf32>
    %add3A_206 = arith.addf %get3A_202, %get3A_205 : vector<16xf32>
    %get3A_207 = arith.constant 64 : index
    %get3A_208 = tpu.vector_load %arg51[%get3A_207] {strides = array<i32>} : memref<512xf32, #tpu.memory_space<vmem>>, vector<16xf32>,
    %get3A_209 = vector.shape_cast %get3A_208 : vector<16xf32> to vector<16xf32>
    %add3A_210 = arith.addf %add3A_206, %get3A_209 : vector<16xf32>
    %get3A_211 = arith.constant 64 : index
    %get3A_212 = tpu.vector_load %arg52[%get3A_211] {strides = array<i32>} : memref<512xf32, #tpu.memory_space<vmem>>, vector<16xf32>,
    %get3A_213 = vector.shape_cast %get3A_212 : vector<16xf32> to vector<16xf32>
    %add3A_214 = arith.addf %add3A_210, %get3A_213 : vector<16xf32>
    %get3A_215 = arith.constant 64 : index
    %get3A_216 = tpu.vector_load %arg53[%get3A_215] {strides = array<i32>} : memref<512xf32, #tpu.memory_space<vmem>>, vector<16xf32>,
    %get3A_217 = vector.shape_cast %get3A_216 : vector<16xf32> to vector<16xf32>
    %add3A_218 = arith.addf %add3A_214, %get3A_217 : vector<16xf32>
    %get3A_219 = arith.constant 64 : index
    %get3A_220 = tpu.vector_load %arg54[%get3A_219] {strides = array<i32>} : memref<512xf32, #tpu.memory_space<vmem>>, vector<16xf32>,
    %get3A_221 = vector.shape_cast %get3A_220 : vector<16xf32> to vector<16xf32>
    %add3A_222 = arith.addf %add3A_218, %get3A_221 : vector<16xf32>
    %get3A_223 = arith.constant 64 : index
    %get3A_224 = tpu.vector_load %arg55[%get3A_223] {strides = array<i32>} : memref<512xf32, #tpu.memory_space<vmem>>, vector<16xf32>,
    %get3A_225 = vector.shape_cast %get3A_224 : vector<16xf32> to vector<16xf32>
    %add3A_226 = arith.addf %add3A_222, %get3A_225 : vector<16xf32>
    %get3A_227 = arith.constant 64 : index
    %get3A_228 = tpu.vector_load %arg56[%get3A_227] {strides = array<i32>} : memref<512xf32, #tpu.memory_space<vmem>>, vector<16xf32>,
    %get3A_229 = vector.shape_cast %get3A_228 : vector<16xf32> to vector<16xf32>
    %add3A_230 = arith.addf %add3A_226, %get3A_229 : vector<16xf32>
    %get3A_231 = arith.constant 64 : index
    %get3A_232 = tpu.vector_load %arg57[%get3A_231] {strides = array<i32>} : memref<512xf32, #tpu.memory_space<vmem>>, vector<16xf32>,
    %get3A_233 = vector.shape_cast %get3A_232 : vector<16xf32> to vector<16xf32>
    %add3A_234 = arith.addf %add3A_230, %get3A_233 : vector<16xf32>
    %swap3A_235 = arith.constant 64 : index
    %swap3A_236 = tpu.vector_load %arg58[%swap3A_235] {strides = array<i32>} : memref<512xf32, #tpu.memory_space<vmem>>, vector<16xf32>,
    %swap3A_237 = vector.shape_cast %swap3A_236 : vector<16xf32> to vector<16xf32>
    %swap3A_238 = vector.shape_cast %add3A_234 : vector<16xf32> to vector<16xf32>
    tpu.vector_store %arg58[%swap3A_235], %swap3A_238 {strides = array<i32>} : memref<512xf32, #tpu.memory_space<vmem>>, vector<16xf32>,
    %get3A_239 = arith.constant 80 : index
    %get3A_240 = tpu.vector_load %arg49[%get3A_239] {strides = array<i32>} : memref<512xf32, #tpu.memory_space<vmem>>, vector<16xf32>,
    %get3A_241 = vector.shape_cast %get3A_240 : vector<16xf32> to vector<16xf32>
    %get3A_242 = arith.constant 80 : index
    %get3A_243 = tpu.vector_load %arg50[%get3A_242] {strides = array<i32>} : memref<512xf32, #tpu.memory_space<vmem>>, vector<16xf32>,
    %get3A_244 = vector.shape_cast %get3A_243 : vector<16xf32> to vector<16xf32>
    %add3A_245 = arith.addf %get3A_241, %get3A_244 : vector<16xf32>
    %get3A_246 = arith.constant 80 : index
    %get3A_247 = tpu.vector_load %arg51[%get3A_246] {strides = array<i32>} : memref<512xf32, #tpu.memory_space<vmem>>, vector<16xf32>,
    %get3A_248 = vector.shape_cast %get3A_247 : vector<16xf32> to vector<16xf32>
    %add3A_249 = arith.addf %add3A_245, %get3A_248 : vector<16xf32>
    %get3A_250 = arith.constant 80 : index
    %get3A_251 = tpu.vector_load %arg52[%get3A_250] {strides = array<i32>} : memref<512xf32, #tpu.memory_space<vmem>>, vector<16xf32>,
    %get3A_252 = vector.shape_cast %get3A_251 : vector<16xf32> to vector<16xf32>
    %add3A_253 = arith.addf %add3A_249, %get3A_252 : vector<16xf32>
    %get3A_254 = arith.constant 80 : index
    %get3A_255 = tpu.vector_load %arg53[%get3A_254] {strides = array<i32>} : memref<512xf32, #tpu.memory_space<vmem>>, vector<16xf32>,
    %get3A_256 = vector.shape_cast %get3A_255 : vector<16xf32> to vector<16xf32>
    %add3A_257 = arith.addf %add3A_253, %get3A_256 : vector<16xf32>
    %get3A_258 = arith.constant 80 : index
    %get3A_259 = tpu.vector_load %arg54[%get3A_258] {strides = array<i32>} : memref<512xf32, #tpu.memory_space<vmem>>, vector<16xf32>,
    %get3A_260 = vector.shape_cast %get3A_259 : vector<16xf32> to vector<16xf32>
    %add3A_261 = arith.addf %add3A_257, %get3A_260 : vector<16xf32>
    %get3A_262 = arith.constant 80 : index
    %get3A_263 = tpu.vector_load %arg55[%get3A_262] {strides = array<i32>} : memref<512xf32, #tpu.memory_space<vmem>>, vector<16xf32>,
    %get3A_264 = vector.shape_cast %get3A_263 : vector<16xf32> to vector<16xf32>
    %add3A_265 = arith.addf %add3A_261, %get3A_264 : vector<16xf32>
    %get3A_266 = arith.constant 80 : index
    %get3A_267 = tpu.vector_load %arg56[%get3A_266] {strides = array<i32>} : memref<512xf32, #tpu.memory_space<vmem>>, vector<16xf32>,
    %get3A_268 = vector.shape_cast %get3A_267 : vector<16xf32> to vector<16xf32>
    %add3A_269 = arith.addf %add3A_265, %get3A_268 : vector<16xf32>
    %get3A_270 = arith.constant 80 : index
    %get3A_271 = tpu.vector_load %arg57[%get3A_270] {strides = array<i32>} : memref<512xf32, #tpu.memory_space<vmem>>, vector<16xf32>,
    %get3A_272 = vector.shape_cast %get3A_271 : vector<16xf32> to vector<16xf32>
    %add3A_273 = arith.addf %add3A_269, %get3A_272 : vector<16xf32>
    %swap3A_274 = arith.constant 80 : index
    %swap3A_275 = tpu.vector_load %arg58[%swap3A_274] {strides = array<i32>} : memref<512xf32, #tpu.memory_space<vmem>>, vector<16xf32>,
    %swap3A_276 = vector.shape_cast %swap3A_275 : vector<16xf32> to vector<16xf32>
    %swap3A_277 = vector.shape_cast %add3A_273 : vector<16xf32> to vector<16xf32>
    tpu.vector_store %arg58[%swap3A_274], %swap3A_277 {strides = array<i32>} : memref<512xf32, #tpu.memory_space<vmem>>, vector<16xf32>,
    %get3A_278 = arith.constant 96 : index
    %get3A_279 = tpu.vector_load %arg49[%get3A_278] {strides = array<i32>} : memref<512xf32, #tpu.memory_space<vmem>>, vector<16xf32>,
    %get3A_280 = vector.shape_cast %get3A_279 : vector<16xf32> to vector<16xf32>
    %get3A_281 = arith.constant 96 : index
    %get3A_282 = tpu.vector_load %arg50[%get3A_281] {strides = array<i32>} : memref<512xf32, #tpu.memory_space<vmem>>, vector<16xf32>,
    %get3A_283 = vector.shape_cast %get3A_282 : vector<16xf32> to vector<16xf32>
    %add3A_284 = arith.addf %get3A_280, %get3A_283 : vector<16xf32>
    %get3A_285 = arith.constant 96 : index
    %get3A_286 = tpu.vector_load %arg51[%get3A_285] {strides = array<i32>} : memref<512xf32, #tpu.memory_space<vmem>>, vector<16xf32>,
    %get3A_287 = vector.shape_cast %get3A_286 : vector<16xf32> to vector<16xf32>
    %add3A_288 = arith.addf %add3A_284, %get3A_287 : vector<16xf32>
    %get3A_289 = arith.constant 96 : index
    %get3A_290 = tpu.vector_load %arg52[%get3A_289] {strides = array<i32>} : memref<512xf32, #tpu.memory_space<vmem>>, vector<16xf32>,
    %get3A_291 = vector.shape_cast %get3A_290 : vector<16xf32> to vector<16xf32>
    %add3A_292 = arith.addf %add3A_288, %get3A_291 : vector<16xf32>
    %get3A_293 = arith.constant 96 : index
    %get3A_294 = tpu.vector_load %arg53[%get3A_293] {strides = array<i32>} : memref<512xf32, #tpu.memory_space<vmem>>, vector<16xf32>,
    %get3A_295 = vector.shape_cast %get3A_294 : vector<16xf32> to vector<16xf32>
    %add3A_296 = arith.addf %add3A_292, %get3A_295 : vector<16xf32>
    %get3A_297 = arith.constant 96 : index
    %get3A_298 = tpu.vector_load %arg54[%get3A_297] {strides = array<i32>} : memref<512xf32, #tpu.memory_space<vmem>>, vector<16xf32>,
    %get3A_299 = vector.shape_cast %get3A_298 : vector<16xf32> to vector<16xf32>
    %add3A_300 = arith.addf %add3A_296, %get3A_299 : vector<16xf32>
    %get3A_301 = arith.constant 96 : index
    %get3A_302 = tpu.vector_load %arg55[%get3A_301] {strides = array<i32>} : memref<512xf32, #tpu.memory_space<vmem>>, vector<16xf32>,
    %get3A_303 = vector.shape_cast %get3A_302 : vector<16xf32> to vector<16xf32>
    %add3A_304 = arith.addf %add3A_300, %get3A_303 : vector<16xf32>
    %get3A_305 = arith.constant 96 : index
    %get3A_306 = tpu.vector_load %arg56[%get3A_305] {strides = array<i32>} : memref<512xf32, #tpu.memory_space<vmem>>, vector<16xf32>,
    %get3A_307 = vector.shape_cast %get3A_306 : vector<16xf32> to vector<16xf32>
    %add3A_308 = arith.addf %add3A_304, %get3A_307 : vector<16xf32>
    %get3A_309 = arith.constant 96 : index
    %get3A_310 = tpu.vector_load %arg57[%get3A_309] {strides = array<i32>} : memref<512xf32, #tpu.memory_space<vmem>>, vector<16xf32>,
    %get3A_311 = vector.shape_cast %get3A_310 : vector<16xf32> to vector<16xf32>
    %add3A_312 = arith.addf %add3A_308, %get3A_311 : vector<16xf32>
    %swap3A_313 = arith.constant 96 : index
    %swap3A_314 = tpu.vector_load %arg58[%swap3A_313] {strides = array<i32>} : memref<512xf32, #tpu.memory_space<vmem>>, vector<16xf32>,
    %swap3A_315 = vector.shape_cast %swap3A_314 : vector<16xf32> to vector<16xf32>
    %swap3A_316 = vector.shape_cast %add3A_312 : vector<16xf32> to vector<16xf32>
    tpu.vector_store %arg58[%swap3A_313], %swap3A_316 {strides = array<i32>} : memref<512xf32, #tpu.memory_space<vmem>>, vector<16xf32>,
    %get3A_317 = arith.constant 112 : index
    %get3A_318 = tpu.vector_load %arg49[%get3A_317] {strides = array<i32>} : memref<512xf32, #tpu.memory_space<vmem>>, vector<16xf32>,
    %get3A_319 = vector.shape_cast %get3A_318 : vector<16xf32> to vector<16xf32>
    %get3A_320 = arith.constant 112 : index
    %get3A_321 = tpu.vector_load %arg50[%get3A_320] {strides = array<i32>} : memref<512xf32, #tpu.memory_space<vmem>>, vector<16xf32>,
    %get3A_322 = vector.shape_cast %get3A_321 : vector<16xf32> to vector<16xf32>
    %add3A_323 = arith.addf %get3A_319, %get3A_322 : vector<16xf32>
    %get3A_324 = arith.constant 112 : index
    %get3A_325 = tpu.vector_load %arg51[%get3A_324] {strides = array<i32>} : memref<512xf32, #tpu.memory_space<vmem>>, vector<16xf32>,
    %get3A_326 = vector.shape_cast %get3A_325 : vector<16xf32> to vector<16xf32>
    %add3A_327 = arith.addf %add3A_323, %get3A_326 : vector<16xf32>
    %get3A_328 = arith.constant 112 : index
    %get3A_329 = tpu.vector_load %arg52[%get3A_328] {strides = array<i32>} : memref<512xf32, #tpu.memory_space<vmem>>, vector<16xf32>,
    %get3A_330 = vector.shape_cast %get3A_329 : vector<16xf32> to vector<16xf32>
    %add3A_331 = arith.addf %add3A_327, %get3A_330 : vector<16xf32>
    %get3A_332 = arith.constant 112 : index
    %get3A_333 = tpu.vector_load %arg53[%get3A_332] {strides = array<i32>} : memref<512xf32, #tpu.memory_space<vmem>>, vector<16xf32>,
    %get3A_334 = vector.shape_cast %get3A_333 : vector<16xf32> to vector<16xf32>
    %add3A_335 = arith.addf %add3A_331, %get3A_334 : vector<16xf32>
    %get3A_336 = arith.constant 112 : index
    %get3A_337 = tpu.vector_load %arg54[%get3A_336] {strides = array<i32>} : memref<512xf32, #tpu.memory_space<vmem>>, vector<16xf32>,
    %get3A_338 = vector.shape_cast %get3A_337 : vector<16xf32> to vector<16xf32>
    %add3A_339 = arith.addf %add3A_335, %get3A_338 : vector<16xf32>
    %get3A_340 = arith.constant 112 : index
    %get3A_341 = tpu.vector_load %arg55[%get3A_340] {strides = array<i32>} : memref<512xf32, #tpu.memory_space<vmem>>, vector<16xf32>,
    %get3A_342 = vector.shape_cast %get3A_341 : vector<16xf32> to vector<16xf32>
    %add3A_343 = arith.addf %add3A_339, %get3A_342 : vector<16xf32>
    %get3A_344 = arith.constant 112 : index
    %get3A_345 = tpu.vector_load %arg56[%get3A_344] {strides = array<i32>} : memref<512xf32, #tpu.memory_space<vmem>>, vector<16xf32>,
    %get3A_346 = vector.shape_cast %get3A_345 : vector<16xf32> to vector<16xf32>
    %add3A_347 = arith.addf %add3A_343, %get3A_346 : vector<16xf32>
    %get3A_348 = arith.constant 112 : index
    %get3A_349 = tpu.vector_load %arg57[%get3A_348] {strides = array<i32>} : memref<512xf32, #tpu.memory_space<vmem>>, vector<16xf32>,
    %get3A_350 = vector.shape_cast %get3A_349 : vector<16xf32> to vector<16xf32>
    %add3A_351 = arith.addf %add3A_347, %get3A_350 : vector<16xf32>
    %swap3A_352 = arith.constant 112 : index
    %swap3A_353 = tpu.vector_load %arg58[%swap3A_352] {strides = array<i32>} : memref<512xf32, #tpu.memory_space<vmem>>, vector<16xf32>,
    %swap3A_354 = vector.shape_cast %swap3A_353 : vector<16xf32> to vector<16xf32>
    %swap3A_355 = vector.shape_cast %add3A_351 : vector<16xf32> to vector<16xf32>
    tpu.vector_store %arg58[%swap3A_352], %swap3A_355 {strides = array<i32>} : memref<512xf32, #tpu.memory_space<vmem>>, vector<16xf32>,
    %get3A_356 = arith.constant 128 : index
    %get3A_357 = tpu.vector_load %arg49[%get3A_356] {strides = array<i32>} : memref<512xf32, #tpu.memory_space<vmem>>, vector<16xf32>,
    %get3A_358 = vector.shape_cast %get3A_357 : vector<16xf32> to vector<16xf32>
    %get3A_359 = arith.constant 128 : index
    %get3A_360 = tpu.vector_load %arg50[%get3A_359] {strides = array<i32>} : memref<512xf32, #tpu.memory_space<vmem>>, vector<16xf32>,
    %get3A_361 = vector.shape_cast %get3A_360 : vector<16xf32> to vector<16xf32>
    %add3A_362 = arith.addf %get3A_358, %get3A_361 : vector<16xf32>
    %get3A_363 = arith.constant 128 : index
    %get3A_364 = tpu.vector_load %arg51[%get3A_363] {strides = array<i32>} : memref<512xf32, #tpu.memory_space<vmem>>, vector<16xf32>,
    %get3A_365 = vector.shape_cast %get3A_364 : vector<16xf32> to vector<16xf32>
    %add3A_366 = arith.addf %add3A_362, %get3A_365 : vector<16xf32>
    %get3A_367 = arith.constant 128 : index
    %get3A_368 = tpu.vector_load %arg52[%get3A_367] {strides = array<i32>} : memref<512xf32, #tpu.memory_space<vmem>>, vector<16xf32>,
    %get3A_369 = vector.shape_cast %get3A_368 : vector<16xf32> to vector<16xf32>
    %add3A_370 = arith.addf %add3A_366, %get3A_369 : vector<16xf32>
    %get3A_371 = arith.constant 128 : index
    %get3A_372 = tpu.vector_load %arg53[%get3A_371] {strides = array<i32>} : memref<512xf32, #tpu.memory_space<vmem>>, vector<16xf32>,
    %get3A_373 = vector.shape_cast %get3A_372 : vector<16xf32> to vector<16xf32>
    %add3A_374 = arith.addf %add3A_370, %get3A_373 : vector<16xf32>
    %get3A_375 = arith.constant 128 : index
    %get3A_376 = tpu.vector_load %arg54[%get3A_375] {strides = array<i32>} : memref<512xf32, #tpu.memory_space<vmem>>, vector<16xf32>,
    %get3A_377 = vector.shape_cast %get3A_376 : vector<16xf32> to vector<16xf32>
    %add3A_378 = arith.addf %add3A_374, %get3A_377 : vector<16xf32>
    %get3A_379 = arith.constant 128 : index
    %get3A_380 = tpu.vector_load %arg55[%get3A_379] {strides = array<i32>} : memref<512xf32, #tpu.memory_space<vmem>>, vector<16xf32>,
    %get3A_381 = vector.shape_cast %get3A_380 : vector<16xf32> to vector<16xf32>
    %add3A_382 = arith.addf %add3A_378, %get3A_381 : vector<16xf32>
    %get3A_383 = arith.constant 128 : index
    %get3A_384 = tpu.vector_load %arg56[%get3A_383] {strides = array<i32>} : memref<512xf32, #tpu.memory_space<vmem>>, vector<16xf32>,
    %get3A_385 = vector.shape_cast %get3A_384 : vector<16xf32> to vector<16xf32>
    %add3A_386 = arith.addf %add3A_382, %get3A_385 : vector<16xf32>
    %get3A_387 = arith.constant 128 : index
    %get3A_388 = tpu.vector_load %arg57[%get3A_387] {strides = array<i32>} : memref<512xf32, #tpu.memory_space<vmem>>, vector<16xf32>,
    %get3A_389 = vector.shape_cast %get3A_388 : vector<16xf32> to vector<16xf32>
    %add3A_390 = arith.addf %add3A_386, %get3A_389 : vector<16xf32>
    %swap3A_391 = arith.constant 128 : index
    %swap3A_392 = tpu.vector_load %arg58[%swap3A_391] {strides = array<i32>} : memref<512xf32, #tpu.memory_space<vmem>>, vector<16xf32>,
    %swap3A_393 = vector.shape_cast %swap3A_392 : vector<16xf32> to vector<16xf32>
    %swap3A_394 = vector.shape_cast %add3A_390 : vector<16xf32> to vector<16xf32>
    tpu.vector_store %arg58[%swap3A_391], %swap3A_394 {strides = array<i32>} : memref<512xf32, #tpu.memory_space<vmem>>, vector<16xf32>,
    %get3A_395 = arith.constant 144 : index
    %get3A_396 = tpu.vector_load %arg49[%get3A_395] {strides = array<i32>} : memref<512xf32, #tpu.memory_space<vmem>>, vector<16xf32>,
    %get3A_397 = vector.shape_cast %get3A_396 : vector<16xf32> to vector<16xf32>
    %get3A_398 = arith.constant 144 : index
    %get3A_399 = tpu.vector_load %arg50[%get3A_398] {strides = array<i32>} : memref<512xf32, #tpu.memory_space<vmem>>, vector<16xf32>,
    %get3A_400 = vector.shape_cast %get3A_399 : vector<16xf32> to vector<16xf32>
    %add3A_401 = arith.addf %get3A_397, %get3A_400 : vector<16xf32>
    %get3A_402 = arith.constant 144 : index
    %get3A_403 = tpu.vector_load %arg51[%get3A_402] {strides = array<i32>} : memref<512xf32, #tpu.memory_space<vmem>>, vector<16xf32>,
    %get3A_404 = vector.shape_cast %get3A_403 : vector<16xf32> to vector<16xf32>
    %add3A_405 = arith.addf %add3A_401, %get3A_404 : vector<16xf32>
    %get3A_406 = arith.constant 144 : index
    %get3A_407 = tpu.vector_load %arg52[%get3A_406] {strides = array<i32>} : memref<512xf32, #tpu.memory_space<vmem>>, vector<16xf32>,
    %get3A_408 = vector.shape_cast %get3A_407 : vector<16xf32> to vector<16xf32>
    %add3A_409 = arith.addf %add3A_405, %get3A_408 : vector<16xf32>
    %get3A_410 = arith.constant 144 : index
    %get3A_411 = tpu.vector_load %arg53[%get3A_410] {strides = array<i32>} : memref<512xf32, #tpu.memory_space<vmem>>, vector<16xf32>,
    %get3A_412 = vector.shape_cast %get3A_411 : vector<16xf32> to vector<16xf32>
    %add3A_413 = arith.addf %add3A_409, %get3A_412 : vector<16xf32>
    %get3A_414 = arith.constant 144 : index
    %get3A_415 = tpu.vector_load %arg54[%get3A_414] {strides = array<i32>} : memref<512xf32, #tpu.memory_space<vmem>>, vector<16xf32>,
    %get3A_416 = vector.shape_cast %get3A_415 : vector<16xf32> to vector<16xf32>
    %add3A_417 = arith.addf %add3A_413, %get3A_416 : vector<16xf32>
    %get3A_418 = arith.constant 144 : index
    %get3A_419 = tpu.vector_load %arg55[%get3A_418] {strides = array<i32>} : memref<512xf32, #tpu.memory_space<vmem>>, vector<16xf32>,
    %get3A_420 = vector.shape_cast %get3A_419 : vector<16xf32> to vector<16xf32>
    %add3A_421 = arith.addf %add3A_417, %get3A_420 : vector<16xf32>
    %get3A_422 = arith.constant 144 : index
    %get3A_423 = tpu.vector_load %arg56[%get3A_422] {strides = array<i32>} : memref<512xf32, #tpu.memory_space<vmem>>, vector<16xf32>,
    %get3A_424 = vector.shape_cast %get3A_423 : vector<16xf32> to vector<16xf32>
    %add3A_425 = arith.addf %add3A_421, %get3A_424 : vector<16xf32>
    %get3A_426 = arith.constant 144 : index
    %get3A_427 = tpu.vector_load %arg57[%get3A_426] {strides = array<i32>} : memref<512xf32, #tpu.memory_space<vmem>>, vector<16xf32>,
    %get3A_428 = vector.shape_cast %get3A_427 : vector<16xf32> to vector<16xf32>
    %add3A_429 = arith.addf %add3A_425, %get3A_428 : vector<16xf32>
    %swap3A_430 = arith.constant 144 : index
    %swap3A_431 = tpu.vector_load %arg58[%swap3A_430] {strides = array<i32>} : memref<512xf32, #tpu.memory_space<vmem>>, vector<16xf32>,
    %swap3A_432 = vector.shape_cast %swap3A_431 : vector<16xf32> to vector<16xf32>
    %swap3A_433 = vector.shape_cast %add3A_429 : vector<16xf32> to vector<16xf32>
    tpu.vector_store %arg58[%swap3A_430], %swap3A_433 {strides = array<i32>} : memref<512xf32, #tpu.memory_space<vmem>>, vector<16xf32>,
    %get3A_434 = arith.constant 160 : index
    %get3A_435 = tpu.vector_load %arg49[%get3A_434] {strides = array<i32>} : memref<512xf32, #tpu.memory_space<vmem>>, vector<16xf32>,
    %get3A_436 = vector.shape_cast %get3A_435 : vector<16xf32> to vector<16xf32>
    %get3A_437 = arith.constant 160 : index
    %get3A_438 = tpu.vector_load %arg50[%get3A_437] {strides = array<i32>} : memref<512xf32, #tpu.memory_space<vmem>>, vector<16xf32>,
    %get3A_439 = vector.shape_cast %get3A_438 : vector<16xf32> to vector<16xf32>
    %add3A_440 = arith.addf %get3A_436, %get3A_439 : vector<16xf32>
    %get3A_441 = arith.constant 160 : index
    %get3A_442 = tpu.vector_load %arg51[%get3A_441] {strides = array<i32>} : memref<512xf32, #tpu.memory_space<vmem>>, vector<16xf32>,
    %get3A_443 = vector.shape_cast %get3A_442 : vector<16xf32> to vector<16xf32>
    %add3A_444 = arith.addf %add3A_440, %get3A_443 : vector<16xf32>
    %get3A_445 = arith.constant 160 : index
    %get3A_446 = tpu.vector_load %arg52[%get3A_445] {strides = array<i32>} : memref<512xf32, #tpu.memory_space<vmem>>, vector<16xf32>,
    %get3A_447 = vector.shape_cast %get3A_446 : vector<16xf32> to vector<16xf32>
    %add3A_448 = arith.addf %add3A_444, %get3A_447 : vector<16xf32>
    %get3A_449 = arith.constant 160 : index
    %get3A_450 = tpu.vector_load %arg53[%get3A_449] {strides = array<i32>} : memref<512xf32, #tpu.memory_space<vmem>>, vector<16xf32>,
    %get3A_451 = vector.shape_cast %get3A_450 : vector<16xf32> to vector<16xf32>
    %add3A_452 = arith.addf %add3A_448, %get3A_451 : vector<16xf32>
    %get3A_453 = arith.constant 160 : index
    %get3A_454 = tpu.vector_load %arg54[%get3A_453] {strides = array<i32>} : memref<512xf32, #tpu.memory_space<vmem>>, vector<16xf32>,
    %get3A_455 = vector.shape_cast %get3A_454 : vector<16xf32> to vector<16xf32>
    %add3A_456 = arith.addf %add3A_452, %get3A_455 : vector<16xf32>
    %get3A_457 = arith.constant 160 : index
    %get3A_458 = tpu.vector_load %arg55[%get3A_457] {strides = array<i32>} : memref<512xf32, #tpu.memory_space<vmem>>, vector<16xf32>,
    %get3A_459 = vector.shape_cast %get3A_458 : vector<16xf32> to vector<16xf32>
    %add3A_460 = arith.addf %add3A_456, %get3A_459 : vector<16xf32>
    %get3A_461 = arith.constant 160 : index
    %get3A_462 = tpu.vector_load %arg56[%get3A_461] {strides = array<i32>} : memref<512xf32, #tpu.memory_space<vmem>>, vector<16xf32>,
    %get3A_463 = vector.shape_cast %get3A_462 : vector<16xf32> to vector<16xf32>
    %add3A_464 = arith.addf %add3A_460, %get3A_463 : vector<16xf32>
    %get3A_465 = arith.constant 160 : index
    %get3A_466 = tpu.vector_load %arg57[%get3A_465] {strides = array<i32>} : memref<512xf32, #tpu.memory_space<vmem>>, vector<16xf32>,
    %get3A_467 = vector.shape_cast %get3A_466 : vector<16xf32> to vector<16xf32>
    %add3A_468 = arith.addf %add3A_464, %get3A_467 : vector<16xf32>
    %swap3A_469 = arith.constant 160 : index
    %swap3A_470 = tpu.vector_load %arg58[%swap3A_469] {strides = array<i32>} : memref<512xf32, #tpu.memory_space<vmem>>, vector<16xf32>,
    %swap3A_471 = vector.shape_cast %swap3A_470 : vector<16xf32> to vector<16xf32>
    %swap3A_472 = vector.shape_cast %add3A_468 : vector<16xf32> to vector<16xf32>
    tpu.vector_store %arg58[%swap3A_469], %swap3A_472 {strides = array<i32>} : memref<512xf32, #tpu.memory_space<vmem>>, vector<16xf32>,
    %get3A_473 = arith.constant 176 : index
    %get3A_474 = tpu.vector_load %arg49[%get3A_473] {strides = array<i32>} : memref<512xf32, #tpu.memory_space<vmem>>, vector<16xf32>,
    %get3A_475 = vector.shape_cast %get3A_474 : vector<16xf32> to vector<16xf32>
    %get3A_476 = arith.constant 176 : index
    %get3A_477 = tpu.vector_load %arg50[%get3A_476] {strides = array<i32>} : memref<512xf32, #tpu.memory_space<vmem>>, vector<16xf32>,
    %get3A_478 = vector.shape_cast %get3A_477 : vector<16xf32> to vector<16xf32>
    %add3A_479 = arith.addf %get3A_475, %get3A_478 : vector<16xf32>
    %get3A_480 = arith.constant 176 : index
    %get3A_481 = tpu.vector_load %arg51[%get3A_480] {strides = array<i32>} : memref<512xf32, #tpu.memory_space<vmem>>, vector<16xf32>,
    %get3A_482 = vector.shape_cast %get3A_481 : vector<16xf32> to vector<16xf32>
    %add3A_483 = arith.addf %add3A_479, %get3A_482 : vector<16xf32>
    %get3A_484 = arith.constant 176 : index
    %get3A_485 = tpu.vector_load %arg52[%get3A_484] {strides = array<i32>} : memref<512xf32, #tpu.memory_space<vmem>>, vector<16xf32>,
    %get3A_486 = vector.shape_cast %get3A_485 : vector<16xf32> to vector<16xf32>
    %add3A_487 = arith.addf %add3A_483, %get3A_486 : vector<16xf32>
    %get3A_488 = arith.constant 176 : index
    %get3A_489 = tpu.vector_load %arg53[%get3A_488] {strides = array<i32>} : memref<512xf32, #tpu.memory_space<vmem>>, vector<16xf32>,
    %get3A_490 = vector.shape_cast %get3A_489 : vector<16xf32> to vector<16xf32>
    %add3A_491 = arith.addf %add3A_487, %get3A_490 : vector<16xf32>
    %get3A_492 = arith.constant 176 : index
    %get3A_493 = tpu.vector_load %arg54[%get3A_492] {strides = array<i32>} : memref<512xf32, #tpu.memory_space<vmem>>, vector<16xf32>,
    %get3A_494 = vector.shape_cast %get3A_493 : vector<16xf32> to vector<16xf32>
    %add3A_495 = arith.addf %add3A_491, %get3A_494 : vector<16xf32>
    %get3A_496 = arith.constant 176 : index
    %get3A_497 = tpu.vector_load %arg55[%get3A_496] {strides = array<i32>} : memref<512xf32, #tpu.memory_space<vmem>>, vector<16xf32>,
    %get3A_498 = vector.shape_cast %get3A_497 : vector<16xf32> to vector<16xf32>
    %add3A_499 = arith.addf %add3A_495, %get3A_498 : vector<16xf32>
    %get3A_500 = arith.constant 176 : index
    %get3A_501 = tpu.vector_load %arg56[%get3A_500] {strides = array<i32>} : memref<512xf32, #tpu.memory_space<vmem>>, vector<16xf32>,
    %get3A_502 = vector.shape_cast %get3A_501 : vector<16xf32> to vector<16xf32>
    %add3A_503 = arith.addf %add3A_499, %get3A_502 : vector<16xf32>
    %get3A_504 = arith.constant 176 : index
    %get3A_505 = tpu.vector_load %arg57[%get3A_504] {strides = array<i32>} : memref<512xf32, #tpu.memory_space<vmem>>, vector<16xf32>,
    %get3A_506 = vector.shape_cast %get3A_505 : vector<16xf32> to vector<16xf32>
    %add3A_507 = arith.addf %add3A_503, %get3A_506 : vector<16xf32>
    %swap3A_508 = arith.constant 176 : index
    %swap3A_509 = tpu.vector_load %arg58[%swap3A_508] {strides = array<i32>} : memref<512xf32, #tpu.memory_space<vmem>>, vector<16xf32>,
    %swap3A_510 = vector.shape_cast %swap3A_509 : vector<16xf32> to vector<16xf32>
    %swap3A_511 = vector.shape_cast %add3A_507 : vector<16xf32> to vector<16xf32>
    tpu.vector_store %arg58[%swap3A_508], %swap3A_511 {strides = array<i32>} : memref<512xf32, #tpu.memory_space<vmem>>, vector<16xf32>,
    %get3A_512 = arith.constant 192 : index
    %get3A_513 = tpu.vector_load %arg49[%get3A_512] {strides = array<i32>} : memref<512xf32, #tpu.memory_space<vmem>>, vector<16xf32>,
    %get3A_514 = vector.shape_cast %get3A_513 : vector<16xf32> to vector<16xf32>
    %get3A_515 = arith.constant 192 : index
    %get3A_516 = tpu.vector_load %arg50[%get3A_515] {strides = array<i32>} : memref<512xf32, #tpu.memory_space<vmem>>, vector<16xf32>,
    %get3A_517 = vector.shape_cast %get3A_516 : vector<16xf32> to vector<16xf32>
    %add3A_518 = arith.addf %get3A_514, %get3A_517 : vector<16xf32>
    %get3A_519 = arith.constant 192 : index
    %get3A_520 = tpu.vector_load %arg51[%get3A_519] {strides = array<i32>} : memref<512xf32, #tpu.memory_space<vmem>>, vector<16xf32>,
    %get3A_521 = vector.shape_cast %get3A_520 : vector<16xf32> to vector<16xf32>
    %add3A_522 = arith.addf %add3A_518, %get3A_521 : vector<16xf32>
    %get3A_523 = arith.constant 192 : index
    %get3A_524 = tpu.vector_load %arg52[%get3A_523] {strides = array<i32>} : memref<512xf32, #tpu.memory_space<vmem>>, vector<16xf32>,
    %get3A_525 = vector.shape_cast %get3A_524 : vector<16xf32> to vector<16xf32>
    %add3A_526 = arith.addf %add3A_522, %get3A_525 : vector<16xf32>
    %get3A_527 = arith.constant 192 : index
    %get3A_528 = tpu.vector_load %arg53[%get3A_527] {strides = array<i32>} : memref<512xf32, #tpu.memory_space<vmem>>, vector<16xf32>,
    %get3A_529 = vector.shape_cast %get3A_528 : vector<16xf32> to vector<16xf32>
    %add3A_530 = arith.addf %add3A_526, %get3A_529 : vector<16xf32>
    %get3A_531 = arith.constant 192 : index
    %get3A_532 = tpu.vector_load %arg54[%get3A_531] {strides = array<i32>} : memref<512xf32, #tpu.memory_space<vmem>>, vector<16xf32>,
    %get3A_533 = vector.shape_cast %get3A_532 : vector<16xf32> to vector<16xf32>
    %add3A_534 = arith.addf %add3A_530, %get3A_533 : vector<16xf32>
    %get3A_535 = arith.constant 192 : index
    %get3A_536 = tpu.vector_load %arg55[%get3A_535] {strides = array<i32>} : memref<512xf32, #tpu.memory_space<vmem>>, vector<16xf32>,
    %get3A_537 = vector.shape_cast %get3A_536 : vector<16xf32> to vector<16xf32>
    %add3A_538 = arith.addf %add3A_534, %get3A_537 : vector<16xf32>
    %get3A_539 = arith.constant 192 : index
    %get3A_540 = tpu.vector_load %arg56[%get3A_539] {strides = array<i32>} : memref<512xf32, #tpu.memory_space<vmem>>, vector<16xf32>,
    %get3A_541 = vector.shape_cast %get3A_540 : vector<16xf32> to vector<16xf32>
    %add3A_542 = arith.addf %add3A_538, %get3A_541 : vector<16xf32>
    %get3A_543 = arith.constant 192 : index
    %get3A_544 = tpu.vector_load %arg57[%get3A_543] {strides = array<i32>} : memref<512xf32, #tpu.memory_space<vmem>>, vector<16xf32>,
    %get3A_545 = vector.shape_cast %get3A_544 : vector<16xf32> to vector<16xf32>
    %add3A_546 = arith.addf %add3A_542, %get3A_545 : vector<16xf32>
    %swap3A_547 = arith.constant 192 : index
    %swap3A_548 = tpu.vector_load %arg58[%swap3A_547] {strides = array<i32>} : memref<512xf32, #tpu.memory_space<vmem>>, vector<16xf32>,
    %swap3A_549 = vector.shape_cast %swap3A_548 : vector<16xf32> to vector<16xf32>
    %swap3A_550 = vector.shape_cast %add3A_546 : vector<16xf32> to vector<16xf32>
    tpu.vector_store %arg58[%swap3A_547], %swap3A_550 {strides = array<i32>} : memref<512xf32, #tpu.memory_space<vmem>>, vector<16xf32>,
    %get3A_551 = arith.constant 208 : index
    %get3A_552 = tpu.vector_load %arg49[%get3A_551] {strides = array<i32>} : memref<512xf32, #tpu.memory_space<vmem>>, vector<16xf32>,
    %get3A_553 = vector.shape_cast %get3A_552 : vector<16xf32> to vector<16xf32>
    %get3A_554 = arith.constant 208 : index
    %get3A_555 = tpu.vector_load %arg50[%get3A_554] {strides = array<i32>} : memref<512xf32, #tpu.memory_space<vmem>>, vector<16xf32>,
    %get3A_556 = vector.shape_cast %get3A_555 : vector<16xf32> to vector<16xf32>
    %add3A_557 = arith.addf %get3A_553, %get3A_556 : vector<16xf32>
    %get3A_558 = arith.constant 208 : index
    %get3A_559 = tpu.vector_load %arg51[%get3A_558] {strides = array<i32>} : memref<512xf32, #tpu.memory_space<vmem>>, vector<16xf32>,
    %get3A_560 = vector.shape_cast %get3A_559 : vector<16xf32> to vector<16xf32>
    %add3A_561 = arith.addf %add3A_557, %get3A_560 : vector<16xf32>
    %get3A_562 = arith.constant 208 : index
    %get3A_563 = tpu.vector_load %arg52[%get3A_562] {strides = array<i32>} : memref<512xf32, #tpu.memory_space<vmem>>, vector<16xf32>,
    %get3A_564 = vector.shape_cast %get3A_563 : vector<16xf32> to vector<16xf32>
    %add3A_565 = arith.addf %add3A_561, %get3A_564 : vector<16xf32>
    %get3A_566 = arith.constant 208 : index
    %get3A_567 = tpu.vector_load %arg53[%get3A_566] {strides = array<i32>} : memref<512xf32, #tpu.memory_space<vmem>>, vector<16xf32>,
    %get3A_568 = vector.shape_cast %get3A_567 : vector<16xf32> to vector<16xf32>
    %add3A_569 = arith.addf %add3A_565, %get3A_568 : vector<16xf32>
    %get3A_570 = arith.constant 208 : index
    %get3A_571 = tpu.vector_load %arg54[%get3A_570] {strides = array<i32>} : memref<512xf32, #tpu.memory_space<vmem>>, vector<16xf32>,
    %get3A_572 = vector.shape_cast %get3A_571 : vector<16xf32> to vector<16xf32>
    %add3A_573 = arith.addf %add3A_569, %get3A_572 : vector<16xf32>
    %get3A_574 = arith.constant 208 : index
    %get3A_575 = tpu.vector_load %arg55[%get3A_574] {strides = array<i32>} : memref<512xf32, #tpu.memory_space<vmem>>, vector<16xf32>,
    %get3A_576 = vector.shape_cast %get3A_575 : vector<16xf32> to vector<16xf32>
    %add3A_577 = arith.addf %add3A_573, %get3A_576 : vector<16xf32>
    %get3A_578 = arith.constant 208 : index
    %get3A_579 = tpu.vector_load %arg56[%get3A_578] {strides = array<i32>} : memref<512xf32, #tpu.memory_space<vmem>>, vector<16xf32>,
    %get3A_580 = vector.shape_cast %get3A_579 : vector<16xf32> to vector<16xf32>
    %add3A_581 = arith.addf %add3A_577, %get3A_580 : vector<16xf32>
    %get3A_582 = arith.constant 208 : index
    %get3A_583 = tpu.vector_load %arg57[%get3A_582] {strides = array<i32>} : memref<512xf32, #tpu.memory_space<vmem>>, vector<16xf32>,
    %get3A_584 = vector.shape_cast %get3A_583 : vector<16xf32> to vector<16xf32>
    %add3A_585 = arith.addf %add3A_581, %get3A_584 : vector<16xf32>
    %swap3A_586 = arith.constant 208 : index
    %swap3A_587 = tpu.vector_load %arg58[%swap3A_586] {strides = array<i32>} : memref<512xf32, #tpu.memory_space<vmem>>, vector<16xf32>,
    %swap3A_588 = vector.shape_cast %swap3A_587 : vector<16xf32> to vector<16xf32>
    %swap3A_589 = vector.shape_cast %add3A_585 : vector<16xf32> to vector<16xf32>
    tpu.vector_store %arg58[%swap3A_586], %swap3A_589 {strides = array<i32>} : memref<512xf32, #tpu.memory_space<vmem>>, vector<16xf32>,
    %get3A_590 = arith.constant 224 : index
    %get3A_591 = tpu.vector_load %arg49[%get3A_590] {strides = array<i32>} : memref<512xf32, #tpu.memory_space<vmem>>, vector<16xf32>,
    %get3A_592 = vector.shape_cast %get3A_591 : vector<16xf32> to vector<16xf32>
    %get3A_593 = arith.constant 224 : index
    %get3A_594 = tpu.vector_load %arg50[%get3A_593] {strides = array<i32>} : memref<512xf32, #tpu.memory_space<vmem>>, vector<16xf32>,
    %get3A_595 = vector.shape_cast %get3A_594 : vector<16xf32> to vector<16xf32>
    %add3A_596 = arith.addf %get3A_592, %get3A_595 : vector<16xf32>
    %get3A_597 = arith.constant 224 : index
    %get3A_598 = tpu.vector_load %arg51[%get3A_597] {strides = array<i32>} : memref<512xf32, #tpu.memory_space<vmem>>, vector<16xf32>,
    %get3A_599 = vector.shape_cast %get3A_598 : vector<16xf32> to vector<16xf32>
    %add3A_600 = arith.addf %add3A_596, %get3A_599 : vector<16xf32>
    %get3A_601 = arith.constant 224 : index
    %get3A_602 = tpu.vector_load %arg52[%get3A_601] {strides = array<i32>} : memref<512xf32, #tpu.memory_space<vmem>>, vector<16xf32>,
    %get3A_603 = vector.shape_cast %get3A_602 : vector<16xf32> to vector<16xf32>
    %add3A_604 = arith.addf %add3A_600, %get3A_603 : vector<16xf32>
    %get3A_605 = arith.constant 224 : index
    %get3A_606 = tpu.vector_load %arg53[%get3A_605] {strides = array<i32>} : memref<512xf32, #tpu.memory_space<vmem>>, vector<16xf32>,
    %get3A_607 = vector.shape_cast %get3A_606 : vector<16xf32> to vector<16xf32>
    %add3A_608 = arith.addf %add3A_604, %get3A_607 : vector<16xf32>
    %get3A_609 = arith.constant 224 : index
    %get3A_610 = tpu.vector_load %arg54[%get3A_609] {strides = array<i32>} : memref<512xf32, #tpu.memory_space<vmem>>, vector<16xf32>,
    %get3A_611 = vector.shape_cast %get3A_610 : vector<16xf32> to vector<16xf32>
    %add3A_612 = arith.addf %add3A_608, %get3A_611 : vector<16xf32>
    %get3A_613 = arith.constant 224 : index
    %get3A_614 = tpu.vector_load %arg55[%get3A_613] {strides = array<i32>} : memref<512xf32, #tpu.memory_space<vmem>>, vector<16xf32>,
    %get3A_615 = vector.shape_cast %get3A_614 : vector<16xf32> to vector<16xf32>
    %add3A_616 = arith.addf %add3A_612, %get3A_615 : vector<16xf32>
    %get3A_617 = arith.constant 224 : index
    %get3A_618 = tpu.vector_load %arg56[%get3A_617] {strides = array<i32>} : memref<512xf32, #tpu.memory_space<vmem>>, vector<16xf32>,
    %get3A_619 = vector.shape_cast %get3A_618 : vector<16xf32> to vector<16xf32>
    %add3A_620 = arith.addf %add3A_616, %get3A_619 : vector<16xf32>
    %get3A_621 = arith.constant 224 : index
    %get3A_622 = tpu.vector_load %arg57[%get3A_621] {strides = array<i32>} : memref<512xf32, #tpu.memory_space<vmem>>, vector<16xf32>,
    %get3A_623 = vector.shape_cast %get3A_622 : vector<16xf32> to vector<16xf32>
    %add3A_624 = arith.addf %add3A_620, %get3A_623 : vector<16xf32>
    %swap3A_625 = arith.constant 224 : index
    %swap3A_626 = tpu.vector_load %arg58[%swap3A_625] {strides = array<i32>} : memref<512xf32, #tpu.memory_space<vmem>>, vector<16xf32>,
    %swap3A_627 = vector.shape_cast %swap3A_626 : vector<16xf32> to vector<16xf32>
    %swap3A_628 = vector.shape_cast %add3A_624 : vector<16xf32> to vector<16xf32>
    tpu.vector_store %arg58[%swap3A_625], %swap3A_628 {strides = array<i32>} : memref<512xf32, #tpu.memory_space<vmem>>, vector<16xf32>,
    %get3A_629 = arith.constant 240 : index
    %get3A_630 = tpu.vector_load %arg49[%get3A_629] {strides = array<i32>} : memref<512xf32, #tpu.memory_space<vmem>>, vector<16xf32>,
    %get3A_631 = vector.shape_cast %get3A_630 : vector<16xf32> to vector<16xf32>
    %get3A_632 = arith.constant 240 : index
    %get3A_633 = tpu.vector_load %arg50[%get3A_632] {strides = array<i32>} : memref<512xf32, #tpu.memory_space<vmem>>, vector<16xf32>,
    %get3A_634 = vector.shape_cast %get3A_633 : vector<16xf32> to vector<16xf32>
    %add3A_635 = arith.addf %get3A_631, %get3A_634 : vector<16xf32>
    %get3A_636 = arith.constant 240 : index
    %get3A_637 = tpu.vector_load %arg51[%get3A_636] {strides = array<i32>} : memref<512xf32, #tpu.memory_space<vmem>>, vector<16xf32>,
    %get3A_638 = vector.shape_cast %get3A_637 : vector<16xf32> to vector<16xf32>
    %add3A_639 = arith.addf %add3A_635, %get3A_638 : vector<16xf32>
    %get3A_640 = arith.constant 240 : index
    %get3A_641 = tpu.vector_load %arg52[%get3A_640] {strides = array<i32>} : memref<512xf32, #tpu.memory_space<vmem>>, vector<16xf32>,
    %get3A_642 = vector.shape_cast %get3A_641 : vector<16xf32> to vector<16xf32>
    %add3A_643 = arith.addf %add3A_639, %get3A_642 : vector<16xf32>
    %get3A_644 = arith.constant 240 : index
    %get3A_645 = tpu.vector_load %arg53[%get3A_644] {strides = array<i32>} : memref<512xf32, #tpu.memory_space<vmem>>, vector<16xf32>,
    %get3A_646 = vector.shape_cast %get3A_645 : vector<16xf32> to vector<16xf32>
    %add3A_647 = arith.addf %add3A_643, %get3A_646 : vector<16xf32>
    %get3A_648 = arith.constant 240 : index
    %get3A_649 = tpu.vector_load %arg54[%get3A_648] {strides = array<i32>} : memref<512xf32, #tpu.memory_space<vmem>>, vector<16xf32>,
    %get3A_650 = vector.shape_cast %get3A_649 : vector<16xf32> to vector<16xf32>
    %add3A_651 = arith.addf %add3A_647, %get3A_650 : vector<16xf32>
    %get3A_652 = arith.constant 240 : index
    %get3A_653 = tpu.vector_load %arg55[%get3A_652] {strides = array<i32>} : memref<512xf32, #tpu.memory_space<vmem>>, vector<16xf32>,
    %get3A_654 = vector.shape_cast %get3A_653 : vector<16xf32> to vector<16xf32>
    %add3A_655 = arith.addf %add3A_651, %get3A_654 : vector<16xf32>
    %get3A_656 = arith.constant 240 : index
    %get3A_657 = tpu.vector_load %arg56[%get3A_656] {strides = array<i32>} : memref<512xf32, #tpu.memory_space<vmem>>, vector<16xf32>,
    %get3A_658 = vector.shape_cast %get3A_657 : vector<16xf32> to vector<16xf32>
    %add3A_659 = arith.addf %add3A_655, %get3A_658 : vector<16xf32>
    %get3A_660 = arith.constant 240 : index
    %get3A_661 = tpu.vector_load %arg57[%get3A_660] {strides = array<i32>} : memref<512xf32, #tpu.memory_space<vmem>>, vector<16xf32>,
    %get3A_662 = vector.shape_cast %get3A_661 : vector<16xf32> to vector<16xf32>
    %add3A_663 = arith.addf %add3A_659, %get3A_662 : vector<16xf32>
    %swap3A_664 = arith.constant 240 : index
    %swap3A_665 = tpu.vector_load %arg58[%swap3A_664] {strides = array<i32>} : memref<512xf32, #tpu.memory_space<vmem>>, vector<16xf32>,
    %swap3A_666 = vector.shape_cast %swap3A_665 : vector<16xf32> to vector<16xf32>
    %swap3A_667 = vector.shape_cast %add3A_663 : vector<16xf32> to vector<16xf32>
    tpu.vector_store %arg58[%swap3A_664], %swap3A_667 {strides = array<i32>} : memref<512xf32, #tpu.memory_space<vmem>>, vector<16xf32>,
    %get3A_668 = arith.constant 256 : index
    %get3A_669 = tpu.vector_load %arg49[%get3A_668] {strides = array<i32>} : memref<512xf32, #tpu.memory_space<vmem>>, vector<16xf32>,
    %get3A_670 = vector.shape_cast %get3A_669 : vector<16xf32> to vector<16xf32>
    %get3A_671 = arith.constant 256 : index
    %get3A_672 = tpu.vector_load %arg50[%get3A_671] {strides = array<i32>} : memref<512xf32, #tpu.memory_space<vmem>>, vector<16xf32>,
    %get3A_673 = vector.shape_cast %get3A_672 : vector<16xf32> to vector<16xf32>
    %add3A_674 = arith.addf %get3A_670, %get3A_673 : vector<16xf32>
    %get3A_675 = arith.constant 256 : index
    %get3A_676 = tpu.vector_load %arg51[%get3A_675] {strides = array<i32>} : memref<512xf32, #tpu.memory_space<vmem>>, vector<16xf32>,
    %get3A_677 = vector.shape_cast %get3A_676 : vector<16xf32> to vector<16xf32>
    %add3A_678 = arith.addf %add3A_674, %get3A_677 : vector<16xf32>
    %get3A_679 = arith.constant 256 : index
    %get3A_680 = tpu.vector_load %arg52[%get3A_679] {strides = array<i32>} : memref<512xf32, #tpu.memory_space<vmem>>, vector<16xf32>,
    %get3A_681 = vector.shape_cast %get3A_680 : vector<16xf32> to vector<16xf32>
    %add3A_682 = arith.addf %add3A_678, %get3A_681 : vector<16xf32>
    %get3A_683 = arith.constant 256 : index
    %get3A_684 = tpu.vector_load %arg53[%get3A_683] {strides = array<i32>} : memref<512xf32, #tpu.memory_space<vmem>>, vector<16xf32>,
    %get3A_685 = vector.shape_cast %get3A_684 : vector<16xf32> to vector<16xf32>
    %add3A_686 = arith.addf %add3A_682, %get3A_685 : vector<16xf32>
    %get3A_687 = arith.constant 256 : index
    %get3A_688 = tpu.vector_load %arg54[%get3A_687] {strides = array<i32>} : memref<512xf32, #tpu.memory_space<vmem>>, vector<16xf32>,
    %get3A_689 = vector.shape_cast %get3A_688 : vector<16xf32> to vector<16xf32>
    %add3A_690 = arith.addf %add3A_686, %get3A_689 : vector<16xf32>
    %get3A_691 = arith.constant 256 : index
    %get3A_692 = tpu.vector_load %arg55[%get3A_691] {strides = array<i32>} : memref<512xf32, #tpu.memory_space<vmem>>, vector<16xf32>,
    %get3A_693 = vector.shape_cast %get3A_692 : vector<16xf32> to vector<16xf32>
    %add3A_694 = arith.addf %add3A_690, %get3A_693 : vector<16xf32>
    %get3A_695 = arith.constant 256 : index
    %get3A_696 = tpu.vector_load %arg56[%get3A_695] {strides = array<i32>} : memref<512xf32, #tpu.memory_space<vmem>>, vector<16xf32>,
    %get3A_697 = vector.shape_cast %get3A_696 : vector<16xf32> to vector<16xf32>
    %add3A_698 = arith.addf %add3A_694, %get3A_697 : vector<16xf32>
    %get3A_699 = arith.constant 256 : index
    %get3A_700 = tpu.vector_load %arg57[%get3A_699] {strides = array<i32>} : memref<512xf32, #tpu.memory_space<vmem>>, vector<16xf32>,
    %get3A_701 = vector.shape_cast %get3A_700 : vector<16xf32> to vector<16xf32>
    %add3A_702 = arith.addf %add3A_698, %get3A_701 : vector<16xf32>
    %swap3A_703 = arith.constant 256 : index
    %swap3A_704 = tpu.vector_load %arg58[%swap3A_703] {strides = array<i32>} : memref<512xf32, #tpu.memory_space<vmem>>, vector<16xf32>,
    %swap3A_705 = vector.shape_cast %swap3A_704 : vector<16xf32> to vector<16xf32>
    %swap3A_706 = vector.shape_cast %add3A_702 : vector<16xf32> to vector<16xf32>
    tpu.vector_store %arg58[%swap3A_703], %swap3A_706 {strides = array<i32>} : memref<512xf32, #tpu.memory_space<vmem>>, vector<16xf32>,
    %get3A_707 = arith.constant 272 : index
    %get3A_708 = tpu.vector_load %arg49[%get3A_707] {strides = array<i32>} : memref<512xf32, #tpu.memory_space<vmem>>, vector<16xf32>,
    %get3A_709 = vector.shape_cast %get3A_708 : vector<16xf32> to vector<16xf32>
    %get3A_710 = arith.constant 272 : index
    %get3A_711 = tpu.vector_load %arg50[%get3A_710] {strides = array<i32>} : memref<512xf32, #tpu.memory_space<vmem>>, vector<16xf32>,
    %get3A_712 = vector.shape_cast %get3A_711 : vector<16xf32> to vector<16xf32>
    %add3A_713 = arith.addf %get3A_709, %get3A_712 : vector<16xf32>
    %get3A_714 = arith.constant 272 : index
    %get3A_715 = tpu.vector_load %arg51[%get3A_714] {strides = array<i32>} : memref<512xf32, #tpu.memory_space<vmem>>, vector<16xf32>,
    %get3A_716 = vector.shape_cast %get3A_715 : vector<16xf32> to vector<16xf32>
    %add3A_717 = arith.addf %add3A_713, %get3A_716 : vector<16xf32>
    %get3A_718 = arith.constant 272 : index
    %get3A_719 = tpu.vector_load %arg52[%get3A_718] {strides = array<i32>} : memref<512xf32, #tpu.memory_space<vmem>>, vector<16xf32>,
    %get3A_720 = vector.shape_cast %get3A_719 : vector<16xf32> to vector<16xf32>
    %add3A_721 = arith.addf %add3A_717, %get3A_720 : vector<16xf32>
    %get3A_722 = arith.constant 272 : index
    %get3A_723 = tpu.vector_load %arg53[%get3A_722] {strides = array<i32>} : memref<512xf32, #tpu.memory_space<vmem>>, vector<16xf32>,
    %get3A_724 = vector.shape_cast %get3A_723 : vector<16xf32> to vector<16xf32>
    %add3A_725 = arith.addf %add3A_721, %get3A_724 : vector<16xf32>
    %get3A_726 = arith.constant 272 : index
    %get3A_727 = tpu.vector_load %arg54[%get3A_726] {strides = array<i32>} : memref<512xf32, #tpu.memory_space<vmem>>, vector<16xf32>,
    %get3A_728 = vector.shape_cast %get3A_727 : vector<16xf32> to vector<16xf32>
    %add3A_729 = arith.addf %add3A_725, %get3A_728 : vector<16xf32>
    %get3A_730 = arith.constant 272 : index
    %get3A_731 = tpu.vector_load %arg55[%get3A_730] {strides = array<i32>} : memref<512xf32, #tpu.memory_space<vmem>>, vector<16xf32>,
    %get3A_732 = vector.shape_cast %get3A_731 : vector<16xf32> to vector<16xf32>
    %add3A_733 = arith.addf %add3A_729, %get3A_732 : vector<16xf32>
    %get3A_734 = arith.constant 272 : index
    %get3A_735 = tpu.vector_load %arg56[%get3A_734] {strides = array<i32>} : memref<512xf32, #tpu.memory_space<vmem>>, vector<16xf32>,
    %get3A_736 = vector.shape_cast %get3A_735 : vector<16xf32> to vector<16xf32>
    %add3A_737 = arith.addf %add3A_733, %get3A_736 : vector<16xf32>
    %get3A_738 = arith.constant 272 : index
    %get3A_739 = tpu.vector_load %arg57[%get3A_738] {strides = array<i32>} : memref<512xf32, #tpu.memory_space<vmem>>, vector<16xf32>,
    %get3A_740 = vector.shape_cast %get3A_739 : vector<16xf32> to vector<16xf32>
    %add3A_741 = arith.addf %add3A_737, %get3A_740 : vector<16xf32>
    %swap3A_742 = arith.constant 272 : index
    %swap3A_743 = tpu.vector_load %arg58[%swap3A_742] {strides = array<i32>} : memref<512xf32, #tpu.memory_space<vmem>>, vector<16xf32>,
    %swap3A_744 = vector.shape_cast %swap3A_743 : vector<16xf32> to vector<16xf32>
    %swap3A_745 = vector.shape_cast %add3A_741 : vector<16xf32> to vector<16xf32>
    tpu.vector_store %arg58[%swap3A_742], %swap3A_745 {strides = array<i32>} : memref<512xf32, #tpu.memory_space<vmem>>, vector<16xf32>,
    %get3A_746 = arith.constant 288 : index
    %get3A_747 = tpu.vector_load %arg49[%get3A_746] {strides = array<i32>} : memref<512xf32, #tpu.memory_space<vmem>>, vector<16xf32>,
    %get3A_748 = vector.shape_cast %get3A_747 : vector<16xf32> to vector<16xf32>
    %get3A_749 = arith.constant 288 : index
    %get3A_750 = tpu.vector_load %arg50[%get3A_749] {strides = array<i32>} : memref<512xf32, #tpu.memory_space<vmem>>, vector<16xf32>,
    %get3A_751 = vector.shape_cast %get3A_750 : vector<16xf32> to vector<16xf32>
    %add3A_752 = arith.addf %get3A_748, %get3A_751 : vector<16xf32>
    %get3A_753 = arith.constant 288 : index
    %get3A_754 = tpu.vector_load %arg51[%get3A_753] {strides = array<i32>} : memref<512xf32, #tpu.memory_space<vmem>>, vector<16xf32>,
    %get3A_755 = vector.shape_cast %get3A_754 : vector<16xf32> to vector<16xf32>
    %add3A_756 = arith.addf %add3A_752, %get3A_755 : vector<16xf32>
    %get3A_757 = arith.constant 288 : index
    %get3A_758 = tpu.vector_load %arg52[%get3A_757] {strides = array<i32>} : memref<512xf32, #tpu.memory_space<vmem>>, vector<16xf32>,
    %get3A_759 = vector.shape_cast %get3A_758 : vector<16xf32> to vector<16xf32>
    %add3A_760 = arith.addf %add3A_756, %get3A_759 : vector<16xf32>
    %get3A_761 = arith.constant 288 : index
    %get3A_762 = tpu.vector_load %arg53[%get3A_761] {strides = array<i32>} : memref<512xf32, #tpu.memory_space<vmem>>, vector<16xf32>,
    %get3A_763 = vector.shape_cast %get3A_762 : vector<16xf32> to vector<16xf32>
    %add3A_764 = arith.addf %add3A_760, %get3A_763 : vector<16xf32>
    %get3A_765 = arith.constant 288 : index
    %get3A_766 = tpu.vector_load %arg54[%get3A_765] {strides = array<i32>} : memref<512xf32, #tpu.memory_space<vmem>>, vector<16xf32>,
    %get3A_767 = vector.shape_cast %get3A_766 : vector<16xf32> to vector<16xf32>
    %add3A_768 = arith.addf %add3A_764, %get3A_767 : vector<16xf32>
    %get3A_769 = arith.constant 288 : index
    %get3A_770 = tpu.vector_load %arg55[%get3A_769] {strides = array<i32>} : memref<512xf32, #tpu.memory_space<vmem>>, vector<16xf32>,
    %get3A_771 = vector.shape_cast %get3A_770 : vector<16xf32> to vector<16xf32>
    %add3A_772 = arith.addf %add3A_768, %get3A_771 : vector<16xf32>
    %get3A_773 = arith.constant 288 : index
    %get3A_774 = tpu.vector_load %arg56[%get3A_773] {strides = array<i32>} : memref<512xf32, #tpu.memory_space<vmem>>, vector<16xf32>,
    %get3A_775 = vector.shape_cast %get3A_774 : vector<16xf32> to vector<16xf32>
    %add3A_776 = arith.addf %add3A_772, %get3A_775 : vector<16xf32>
    %get3A_777 = arith.constant 288 : index
    %get3A_778 = tpu.vector_load %arg57[%get3A_777] {strides = array<i32>} : memref<512xf32, #tpu.memory_space<vmem>>, vector<16xf32>,
    %get3A_779 = vector.shape_cast %get3A_778 : vector<16xf32> to vector<16xf32>
    %add3A_780 = arith.addf %add3A_776, %get3A_779 : vector<16xf32>
    %swap3A_781 = arith.constant 288 : index
    %swap3A_782 = tpu.vector_load %arg58[%swap3A_781] {strides = array<i32>} : memref<512xf32, #tpu.memory_space<vmem>>, vector<16xf32>,
    %swap3A_783 = vector.shape_cast %swap3A_782 : vector<16xf32> to vector<16xf32>
    %swap3A_784 = vector.shape_cast %add3A_780 : vector<16xf32> to vector<16xf32>
    tpu.vector_store %arg58[%swap3A_781], %swap3A_784 {strides = array<i32>} : memref<512xf32, #tpu.memory_space<vmem>>, vector<16xf32>,
    %get3A_785 = arith.constant 304 : index
    %get3A_786 = tpu.vector_load %arg49[%get3A_785] {strides = array<i32>} : memref<512xf32, #tpu.memory_space<vmem>>, vector<16xf32>,
    %get3A_787 = vector.shape_cast %get3A_786 : vector<16xf32> to vector<16xf32>
    %get3A_788 = arith.constant 304 : index
    %get3A_789 = tpu.vector_load %arg50[%get3A_788] {strides = array<i32>} : memref<512xf32, #tpu.memory_space<vmem>>, vector<16xf32>,
    %get3A_790 = vector.shape_cast %get3A_789 : vector<16xf32> to vector<16xf32>
    %add3A_791 = arith.addf %get3A_787, %get3A_790 : vector<16xf32>
    %get3A_792 = arith.constant 304 : index
    %get3A_793 = tpu.vector_load %arg51[%get3A_792] {strides = array<i32>} : memref<512xf32, #tpu.memory_space<vmem>>, vector<16xf32>,
    %get3A_794 = vector.shape_cast %get3A_793 : vector<16xf32> to vector<16xf32>
    %add3A_795 = arith.addf %add3A_791, %get3A_794 : vector<16xf32>
    %get3A_796 = arith.constant 304 : index
    %get3A_797 = tpu.vector_load %arg52[%get3A_796] {strides = array<i32>} : memref<512xf32, #tpu.memory_space<vmem>>, vector<16xf32>,
    %get3A_798 = vector.shape_cast %get3A_797 : vector<16xf32> to vector<16xf32>
    %add3A_799 = arith.addf %add3A_795, %get3A_798 : vector<16xf32>
    %get3A_800 = arith.constant 304 : index
    %get3A_801 = tpu.vector_load %arg53[%get3A_800] {strides = array<i32>} : memref<512xf32, #tpu.memory_space<vmem>>, vector<16xf32>,
    %get3A_802 = vector.shape_cast %get3A_801 : vector<16xf32> to vector<16xf32>
    %add3A_803 = arith.addf %add3A_799, %get3A_802 : vector<16xf32>
    %get3A_804 = arith.constant 304 : index
    %get3A_805 = tpu.vector_load %arg54[%get3A_804] {strides = array<i32>} : memref<512xf32, #tpu.memory_space<vmem>>, vector<16xf32>,
    %get3A_806 = vector.shape_cast %get3A_805 : vector<16xf32> to vector<16xf32>
    %add3A_807 = arith.addf %add3A_803, %get3A_806 : vector<16xf32>
    %get3A_808 = arith.constant 304 : index
    %get3A_809 = tpu.vector_load %arg55[%get3A_808] {strides = array<i32>} : memref<512xf32, #tpu.memory_space<vmem>>, vector<16xf32>,
    %get3A_810 = vector.shape_cast %get3A_809 : vector<16xf32> to vector<16xf32>
    %add3A_811 = arith.addf %add3A_807, %get3A_810 : vector<16xf32>
    %get3A_812 = arith.constant 304 : index
    %get3A_813 = tpu.vector_load %arg56[%get3A_812] {strides = array<i32>} : memref<512xf32, #tpu.memory_space<vmem>>, vector<16xf32>,
    %get3A_814 = vector.shape_cast %get3A_813 : vector<16xf32> to vector<16xf32>
    %add3A_815 = arith.addf %add3A_811, %get3A_814 : vector<16xf32>
    %get3A_816 = arith.constant 304 : index
    %get3A_817 = tpu.vector_load %arg57[%get3A_816] {strides = array<i32>} : memref<512xf32, #tpu.memory_space<vmem>>, vector<16xf32>,
    %get3A_818 = vector.shape_cast %get3A_817 : vector<16xf32> to vector<16xf32>
    %add3A_819 = arith.addf %add3A_815, %get3A_818 : vector<16xf32>
    %swap3A_820 = arith.constant 304 : index
    %swap3A_821 = tpu.vector_load %arg58[%swap3A_820] {strides = array<i32>} : memref<512xf32, #tpu.memory_space<vmem>>, vector<16xf32>,
    %swap3A_822 = vector.shape_cast %swap3A_821 : vector<16xf32> to vector<16xf32>
    %swap3A_823 = vector.shape_cast %add3A_819 : vector<16xf32> to vector<16xf32>
    tpu.vector_store %arg58[%swap3A_820], %swap3A_823 {strides = array<i32>} : memref<512xf32, #tpu.memory_space<vmem>>, vector<16xf32>,
    %get3A_824 = arith.constant 320 : index
    %get3A_825 = tpu.vector_load %arg49[%get3A_824] {strides = array<i32>} : memref<512xf32, #tpu.memory_space<vmem>>, vector<16xf32>,
    %get3A_826 = vector.shape_cast %get3A_825 : vector<16xf32> to vector<16xf32>
    %get3A_827 = arith.constant 320 : index
    %get3A_828 = tpu.vector_load %arg50[%get3A_827] {strides = array<i32>} : memref<512xf32, #tpu.memory_space<vmem>>, vector<16xf32>,
    %get3A_829 = vector.shape_cast %get3A_828 : vector<16xf32> to vector<16xf32>
    %add3A_830 = arith.addf %get3A_826, %get3A_829 : vector<16xf32>
    %get3A_831 = arith.constant 320 : index
    %get3A_832 = tpu.vector_load %arg51[%get3A_831] {strides = array<i32>} : memref<512xf32, #tpu.memory_space<vmem>>, vector<16xf32>,
    %get3A_833 = vector.shape_cast %get3A_832 : vector<16xf32> to vector<16xf32>
    %add3A_834 = arith.addf %add3A_830, %get3A_833 : vector<16xf32>
    %get3A_835 = arith.constant 320 : index
    %get3A_836 = tpu.vector_load %arg52[%get3A_835] {strides = array<i32>} : memref<512xf32, #tpu.memory_space<vmem>>, vector<16xf32>,
    %get3A_837 = vector.shape_cast %get3A_836 : vector<16xf32> to vector<16xf32>
    %add3A_838 = arith.addf %add3A_834, %get3A_837 : vector<16xf32>
    %get3A_839 = arith.constant 320 : index
    %get3A_840 = tpu.vector_load %arg53[%get3A_839] {strides = array<i32>} : memref<512xf32, #tpu.memory_space<vmem>>, vector<16xf32>,
    %get3A_841 = vector.shape_cast %get3A_840 : vector<16xf32> to vector<16xf32>
    %add3A_842 = arith.addf %add3A_838, %get3A_841 : vector<16xf32>
    %get3A_843 = arith.constant 320 : index
    %get3A_844 = tpu.vector_load %arg54[%get3A_843] {strides = array<i32>} : memref<512xf32, #tpu.memory_space<vmem>>, vector<16xf32>,
    %get3A_845 = vector.shape_cast %get3A_844 : vector<16xf32> to vector<16xf32>
    %add3A_846 = arith.addf %add3A_842, %get3A_845 : vector<16xf32>
    %get3A_847 = arith.constant 320 : index
    %get3A_848 = tpu.vector_load %arg55[%get3A_847] {strides = array<i32>} : memref<512xf32, #tpu.memory_space<vmem>>, vector<16xf32>,
    %get3A_849 = vector.shape_cast %get3A_848 : vector<16xf32> to vector<16xf32>
    %add3A_850 = arith.addf %add3A_846, %get3A_849 : vector<16xf32>
    %get3A_851 = arith.constant 320 : index
    %get3A_852 = tpu.vector_load %arg56[%get3A_851] {strides = array<i32>} : memref<512xf32, #tpu.memory_space<vmem>>, vector<16xf32>,
    %get3A_853 = vector.shape_cast %get3A_852 : vector<16xf32> to vector<16xf32>
    %add3A_854 = arith.addf %add3A_850, %get3A_853 : vector<16xf32>
    %get3A_855 = arith.constant 320 : index
    %get3A_856 = tpu.vector_load %arg57[%get3A_855] {strides = array<i32>} : memref<512xf32, #tpu.memory_space<vmem>>, vector<16xf32>,
    %get3A_857 = vector.shape_cast %get3A_856 : vector<16xf32> to vector<16xf32>
    %add3A_858 = arith.addf %add3A_854, %get3A_857 : vector<16xf32>
    %swap3A_859 = arith.constant 320 : index
    %swap3A_860 = tpu.vector_load %arg58[%swap3A_859] {strides = array<i32>} : memref<512xf32, #tpu.memory_space<vmem>>, vector<16xf32>,
    %swap3A_861 = vector.shape_cast %swap3A_860 : vector<16xf32> to vector<16xf32>
    %swap3A_862 = vector.shape_cast %add3A_858 : vector<16xf32> to vector<16xf32>
    tpu.vector_store %arg58[%swap3A_859], %swap3A_862 {strides = array<i32>} : memref<512xf32, #tpu.memory_space<vmem>>, vector<16xf32>,
    %get3A_863 = arith.constant 336 : index
    %get3A_864 = tpu.vector_load %arg49[%get3A_863] {strides = array<i32>} : memref<512xf32, #tpu.memory_space<vmem>>, vector<16xf32>,
    %get3A_865 = vector.shape_cast %get3A_864 : vector<16xf32> to vector<16xf32>
    %get3A_866 = arith.constant 336 : index
    %get3A_867 = tpu.vector_load %arg50[%get3A_866] {strides = array<i32>} : memref<512xf32, #tpu.memory_space<vmem>>, vector<16xf32>,
    %get3A_868 = vector.shape_cast %get3A_867 : vector<16xf32> to vector<16xf32>
    %add3A_869 = arith.addf %get3A_865, %get3A_868 : vector<16xf32>
    %get3A_870 = arith.constant 336 : index
    %get3A_871 = tpu.vector_load %arg51[%get3A_870] {strides = array<i32>} : memref<512xf32, #tpu.memory_space<vmem>>, vector<16xf32>,
    %get3A_872 = vector.shape_cast %get3A_871 : vector<16xf32> to vector<16xf32>
    %add3A_873 = arith.addf %add3A_869, %get3A_872 : vector<16xf32>
    %get3A_874 = arith.constant 336 : index
    %get3A_875 = tpu.vector_load %arg52[%get3A_874] {strides = array<i32>} : memref<512xf32, #tpu.memory_space<vmem>>, vector<16xf32>,
    %get3A_876 = vector.shape_cast %get3A_875 : vector<16xf32> to vector<16xf32>
    %add3A_877 = arith.addf %add3A_873, %get3A_876 : vector<16xf32>
    %get3A_878 = arith.constant 336 : index
    %get3A_879 = tpu.vector_load %arg53[%get3A_878] {strides = array<i32>} : memref<512xf32, #tpu.memory_space<vmem>>, vector<16xf32>,
    %get3A_880 = vector.shape_cast %get3A_879 : vector<16xf32> to vector<16xf32>
    %add3A_881 = arith.addf %add3A_877, %get3A_880 : vector<16xf32>
    %get3A_882 = arith.constant 336 : index
    %get3A_883 = tpu.vector_load %arg54[%get3A_882] {strides = array<i32>} : memref<512xf32, #tpu.memory_space<vmem>>, vector<16xf32>,
    %get3A_884 = vector.shape_cast %get3A_883 : vector<16xf32> to vector<16xf32>
    %add3A_885 = arith.addf %add3A_881, %get3A_884 : vector<16xf32>
    %get3A_886 = arith.constant 336 : index
    %get3A_887 = tpu.vector_load %arg55[%get3A_886] {strides = array<i32>} : memref<512xf32, #tpu.memory_space<vmem>>, vector<16xf32>,
    %get3A_888 = vector.shape_cast %get3A_887 : vector<16xf32> to vector<16xf32>
    %add3A_889 = arith.addf %add3A_885, %get3A_888 : vector<16xf32>
    %get3A_890 = arith.constant 336 : index
    %get3A_891 = tpu.vector_load %arg56[%get3A_890] {strides = array<i32>} : memref<512xf32, #tpu.memory_space<vmem>>, vector<16xf32>,
    %get3A_892 = vector.shape_cast %get3A_891 : vector<16xf32> to vector<16xf32>
    %add3A_893 = arith.addf %add3A_889, %get3A_892 : vector<16xf32>
    %get3A_894 = arith.constant 336 : index
    %get3A_895 = tpu.vector_load %arg57[%get3A_894] {strides = array<i32>} : memref<512xf32, #tpu.memory_space<vmem>>, vector<16xf32>,
    %get3A_896 = vector.shape_cast %get3A_895 : vector<16xf32> to vector<16xf32>
    %add3A_897 = arith.addf %add3A_893, %get3A_896 : vector<16xf32>
    %swap3A_898 = arith.constant 336 : index
    %swap3A_899 = tpu.vector_load %arg58[%swap3A_898] {strides = array<i32>} : memref<512xf32, #tpu.memory_space<vmem>>, vector<16xf32>,
    %swap3A_900 = vector.shape_cast %swap3A_899 : vector<16xf32> to vector<16xf32>
    %swap3A_901 = vector.shape_cast %add3A_897 : vector<16xf32> to vector<16xf32>
    tpu.vector_store %arg58[%swap3A_898], %swap3A_901 {strides = array<i32>} : memref<512xf32, #tpu.memory_space<vmem>>, vector<16xf32>,
    %get3A_902 = arith.constant 352 : index
    %get3A_903 = tpu.vector_load %arg49[%get3A_902] {strides = array<i32>} : memref<512xf32, #tpu.memory_space<vmem>>, vector<16xf32>,
    %get3A_904 = vector.shape_cast %get3A_903 : vector<16xf32> to vector<16xf32>
    %get3A_905 = arith.constant 352 : index
    %get3A_906 = tpu.vector_load %arg50[%get3A_905] {strides = array<i32>} : memref<512xf32, #tpu.memory_space<vmem>>, vector<16xf32>,
    %get3A_907 = vector.shape_cast %get3A_906 : vector<16xf32> to vector<16xf32>
    %add3A_908 = arith.addf %get3A_904, %get3A_907 : vector<16xf32>
    %get3A_909 = arith.constant 352 : index
    %get3A_910 = tpu.vector_load %arg51[%get3A_909] {strides = array<i32>} : memref<512xf32, #tpu.memory_space<vmem>>, vector<16xf32>,
    %get3A_911 = vector.shape_cast %get3A_910 : vector<16xf32> to vector<16xf32>
    %add3A_912 = arith.addf %add3A_908, %get3A_911 : vector<16xf32>
    %get3A_913 = arith.constant 352 : index
    %get3A_914 = tpu.vector_load %arg52[%get3A_913] {strides = array<i32>} : memref<512xf32, #tpu.memory_space<vmem>>, vector<16xf32>,
    %get3A_915 = vector.shape_cast %get3A_914 : vector<16xf32> to vector<16xf32>
    %add3A_916 = arith.addf %add3A_912, %get3A_915 : vector<16xf32>
    %get3A_917 = arith.constant 352 : index
    %get3A_918 = tpu.vector_load %arg53[%get3A_917] {strides = array<i32>} : memref<512xf32, #tpu.memory_space<vmem>>, vector<16xf32>,
    %get3A_919 = vector.shape_cast %get3A_918 : vector<16xf32> to vector<16xf32>
    %add3A_920 = arith.addf %add3A_916, %get3A_919 : vector<16xf32>
    %get3A_921 = arith.constant 352 : index
    %get3A_922 = tpu.vector_load %arg54[%get3A_921] {strides = array<i32>} : memref<512xf32, #tpu.memory_space<vmem>>, vector<16xf32>,
    %get3A_923 = vector.shape_cast %get3A_922 : vector<16xf32> to vector<16xf32>
    %add3A_924 = arith.addf %add3A_920, %get3A_923 : vector<16xf32>
    %get3A_925 = arith.constant 352 : index
    %get3A_926 = tpu.vector_load %arg55[%get3A_925] {strides = array<i32>} : memref<512xf32, #tpu.memory_space<vmem>>, vector<16xf32>,
    %get3A_927 = vector.shape_cast %get3A_926 : vector<16xf32> to vector<16xf32>
    %add3A_928 = arith.addf %add3A_924, %get3A_927 : vector<16xf32>
    %get3A_929 = arith.constant 352 : index
    %get3A_930 = tpu.vector_load %arg56[%get3A_929] {strides = array<i32>} : memref<512xf32, #tpu.memory_space<vmem>>, vector<16xf32>,
    %get3A_931 = vector.shape_cast %get3A_930 : vector<16xf32> to vector<16xf32>
    %add3A_932 = arith.addf %add3A_928, %get3A_931 : vector<16xf32>
    %get3A_933 = arith.constant 352 : index
    %get3A_934 = tpu.vector_load %arg57[%get3A_933] {strides = array<i32>} : memref<512xf32, #tpu.memory_space<vmem>>, vector<16xf32>,
    %get3A_935 = vector.shape_cast %get3A_934 : vector<16xf32> to vector<16xf32>
    %add3A_936 = arith.addf %add3A_932, %get3A_935 : vector<16xf32>
    %swap3A_937 = arith.constant 352 : index
    %swap3A_938 = tpu.vector_load %arg58[%swap3A_937] {strides = array<i32>} : memref<512xf32, #tpu.memory_space<vmem>>, vector<16xf32>,
    %swap3A_939 = vector.shape_cast %swap3A_938 : vector<16xf32> to vector<16xf32>
    %swap3A_940 = vector.shape_cast %add3A_936 : vector<16xf32> to vector<16xf32>
    tpu.vector_store %arg58[%swap3A_937], %swap3A_940 {strides = array<i32>} : memref<512xf32, #tpu.memory_space<vmem>>, vector<16xf32>,
    %get3A_941 = arith.constant 368 : index
    %get3A_942 = tpu.vector_load %arg49[%get3A_941] {strides = array<i32>} : memref<512xf32, #tpu.memory_space<vmem>>, vector<16xf32>,
    %get3A_943 = vector.shape_cast %get3A_942 : vector<16xf32> to vector<16xf32>
    %get3A_944 = arith.constant 368 : index
    %get3A_945 = tpu.vector_load %arg50[%get3A_944] {strides = array<i32>} : memref<512xf32, #tpu.memory_space<vmem>>, vector<16xf32>,
    %get3A_946 = vector.shape_cast %get3A_945 : vector<16xf32> to vector<16xf32>
    %add3A_947 = arith.addf %get3A_943, %get3A_946 : vector<16xf32>
    %get3A_948 = arith.constant 368 : index
    %get3A_949 = tpu.vector_load %arg51[%get3A_948] {strides = array<i32>} : memref<512xf32, #tpu.memory_space<vmem>>, vector<16xf32>,
    %get3A_950 = vector.shape_cast %get3A_949 : vector<16xf32> to vector<16xf32>
    %add3A_951 = arith.addf %add3A_947, %get3A_950 : vector<16xf32>
    %get3A_952 = arith.constant 368 : index
    %get3A_953 = tpu.vector_load %arg52[%get3A_952] {strides = array<i32>} : memref<512xf32, #tpu.memory_space<vmem>>, vector<16xf32>,
    %get3A_954 = vector.shape_cast %get3A_953 : vector<16xf32> to vector<16xf32>
    %add3A_955 = arith.addf %add3A_951, %get3A_954 : vector<16xf32>
    %get3A_956 = arith.constant 368 : index
    %get3A_957 = tpu.vector_load %arg53[%get3A_956] {strides = array<i32>} : memref<512xf32, #tpu.memory_space<vmem>>, vector<16xf32>,
    %get3A_958 = vector.shape_cast %get3A_957 : vector<16xf32> to vector<16xf32>
    %add3A_959 = arith.addf %add3A_955, %get3A_958 : vector<16xf32>
    %get3A_960 = arith.constant 368 : index
    %get3A_961 = tpu.vector_load %arg54[%get3A_960] {strides = array<i32>} : memref<512xf32, #tpu.memory_space<vmem>>, vector<16xf32>,
    %get3A_962 = vector.shape_cast %get3A_961 : vector<16xf32> to vector<16xf32>
    %add3A_963 = arith.addf %add3A_959, %get3A_962 : vector<16xf32>
    %get3A_964 = arith.constant 368 : index
    %get3A_965 = tpu.vector_load %arg55[%get3A_964] {strides = array<i32>} : memref<512xf32, #tpu.memory_space<vmem>>, vector<16xf32>,
    %get3A_966 = vector.shape_cast %get3A_965 : vector<16xf32> to vector<16xf32>
    %add3A_967 = arith.addf %add3A_963, %get3A_966 : vector<16xf32>
    %get3A_968 = arith.constant 368 : index
    %get3A_969 = tpu.vector_load %arg56[%get3A_968] {strides = array<i32>} : memref<512xf32, #tpu.memory_space<vmem>>, vector<16xf32>,
    %get3A_970 = vector.shape_cast %get3A_969 : vector<16xf32> to vector<16xf32>
    %add3A_971 = arith.addf %add3A_967, %get3A_970 : vector<16xf32>
    %get3A_972 = arith.constant 368 : index
    %get3A_973 = tpu.vector_load %arg57[%get3A_972] {strides = array<i32>} : memref<512xf32, #tpu.memory_space<vmem>>, vector<16xf32>,
    %get3A_974 = vector.shape_cast %get3A_973 : vector<16xf32> to vector<16xf32>
    %add3A_975 = arith.addf %add3A_971, %get3A_974 : vector<16xf32>
    %swap3A_976 = arith.constant 368 : index
    %swap3A_977 = tpu.vector_load %arg58[%swap3A_976] {strides = array<i32>} : memref<512xf32, #tpu.memory_space<vmem>>, vector<16xf32>,
    %swap3A_978 = vector.shape_cast %swap3A_977 : vector<16xf32> to vector<16xf32>
    %swap3A_979 = vector.shape_cast %add3A_975 : vector<16xf32> to vector<16xf32>
    tpu.vector_store %arg58[%swap3A_976], %swap3A_979 {strides = array<i32>} : memref<512xf32, #tpu.memory_space<vmem>>, vector<16xf32>,
    %get3A_980 = arith.constant 384 : index
    %get3A_981 = tpu.vector_load %arg49[%get3A_980] {strides = array<i32>} : memref<512xf32, #tpu.memory_space<vmem>>, vector<16xf32>,
    %get3A_982 = vector.shape_cast %get3A_981 : vector<16xf32> to vector<16xf32>
    %get3A_983 = arith.constant 384 : index
    %get3A_984 = tpu.vector_load %arg50[%get3A_983] {strides = array<i32>} : memref<512xf32, #tpu.memory_space<vmem>>, vector<16xf32>,
    %get3A_985 = vector.shape_cast %get3A_984 : vector<16xf32> to vector<16xf32>
    %add3A_986 = arith.addf %get3A_982, %get3A_985 : vector<16xf32>
    %get3A_987 = arith.constant 384 : index
    %get3A_988 = tpu.vector_load %arg51[%get3A_987] {strides = array<i32>} : memref<512xf32, #tpu.memory_space<vmem>>, vector<16xf32>,
    %get3A_989 = vector.shape_cast %get3A_988 : vector<16xf32> to vector<16xf32>
    %add3A_990 = arith.addf %add3A_986, %get3A_989 : vector<16xf32>
    %get3A_991 = arith.constant 384 : index
    %get3A_992 = tpu.vector_load %arg52[%get3A_991] {strides = array<i32>} : memref<512xf32, #tpu.memory_space<vmem>>, vector<16xf32>,
    %get3A_993 = vector.shape_cast %get3A_992 : vector<16xf32> to vector<16xf32>
    %add3A_994 = arith.addf %add3A_990, %get3A_993 : vector<16xf32>
    %get3A_995 = arith.constant 384 : index
    %get3A_996 = tpu.vector_load %arg53[%get3A_995] {strides = array<i32>} : memref<512xf32, #tpu.memory_space<vmem>>, vector<16xf32>,
    %get3A_997 = vector.shape_cast %get3A_996 : vector<16xf32> to vector<16xf32>
    %add3A_998 = arith.addf %add3A_994, %get3A_997 : vector<16xf32>
    %get3A_999 = arith.constant 384 : index
    %get3A_1000 = tpu.vector_load %arg54[%get3A_999] {strides = array<i32>} : memref<512xf32, #tpu.memory_space<vmem>>, vector<16xf32>,
    %get3A_1001 = vector.shape_cast %get3A_1000 : vector<16xf32> to vector<16xf32>
    %add3A_1002 = arith.addf %add3A_998, %get3A_1001 : vector<16xf32>
    %get3A_1003 = arith.constant 384 : index
    %get3A_1004 = tpu.vector_load %arg55[%get3A_1003] {strides = array<i32>} : memref<512xf32, #tpu.memory_space<vmem>>, vector<16xf32>,
    %get3A_1005 = vector.shape_cast %get3A_1004 : vector<16xf32> to vector<16xf32>
    %add3A_1006 = arith.addf %add3A_1002, %get3A_1005 : vector<16xf32>
    %get3A_1007 = arith.constant 384 : index
    %get3A_1008 = tpu.vector_load %arg56[%get3A_1007] {strides = array<i32>} : memref<512xf32, #tpu.memory_space<vmem>>, vector<16xf32>,
    %get3A_1009 = vector.shape_cast %get3A_1008 : vector<16xf32> to vector<16xf32>
    %add3A_1010 = arith.addf %add3A_1006, %get3A_1009 : vector<16xf32>
    %get3A_1011 = arith.constant 384 : index
    %get3A_1012 = tpu.vector_load %arg57[%get3A_1011] {strides = array<i32>} : memref<512xf32, #tpu.memory_space<vmem>>, vector<16xf32>,
    %get3A_1013 = vector.shape_cast %get3A_1012 : vector<16xf32> to vector<16xf32>
    %add3A_1014 = arith.addf %add3A_1010, %get3A_1013 : vector<16xf32>
    %swap3A_1015 = arith.constant 384 : index
    %swap3A_1016 = tpu.vector_load %arg58[%swap3A_1015] {strides = array<i32>} : memref<512xf32, #tpu.memory_space<vmem>>, vector<16xf32>,
    %swap3A_1017 = vector.shape_cast %swap3A_1016 : vector<16xf32> to vector<16xf32>
    %swap3A_1018 = vector.shape_cast %add3A_1014 : vector<16xf32> to vector<16xf32>
    tpu.vector_store %arg58[%swap3A_1015], %swap3A_1018 {strides = array<i32>} : memref<512xf32, #tpu.memory_space<vmem>>, vector<16xf32>,
    %get3A_1019 = arith.constant 400 : index
    %get3A_1020 = tpu.vector_load %arg49[%get3A_1019] {strides = array<i32>} : memref<512xf32, #tpu.memory_space<vmem>>, vector<16xf32>,
    %get3A_1021 = vector.shape_cast %get3A_1020 : vector<16xf32> to vector<16xf32>
    %get3A_1022 = arith.constant 400 : index
    %get3A_1023 = tpu.vector_load %arg50[%get3A_1022] {strides = array<i32>} : memref<512xf32, #tpu.memory_space<vmem>>, vector<16xf32>,
    %get3A_1024 = vector.shape_cast %get3A_1023 : vector<16xf32> to vector<16xf32>
    %add3A_1025 = arith.addf %get3A_1021, %get3A_1024 : vector<16xf32>
    %get3A_1026 = arith.constant 400 : index
    %get3A_1027 = tpu.vector_load %arg51[%get3A_1026] {strides = array<i32>} : memref<512xf32, #tpu.memory_space<vmem>>, vector<16xf32>,
    %get3A_1028 = vector.shape_cast %get3A_1027 : vector<16xf32> to vector<16xf32>
    %add3A_1029 = arith.addf %add3A_1025, %get3A_1028 : vector<16xf32>
    %get3A_1030 = arith.constant 400 : index
    %get3A_1031 = tpu.vector_load %arg52[%get3A_1030] {strides = array<i32>} : memref<512xf32, #tpu.memory_space<vmem>>, vector<16xf32>,
    %get3A_1032 = vector.shape_cast %get3A_1031 : vector<16xf32> to vector<16xf32>
    %add3A_1033 = arith.addf %add3A_1029, %get3A_1032 : vector<16xf32>
    %get3A_1034 = arith.constant 400 : index
    %get3A_1035 = tpu.vector_load %arg53[%get3A_1034] {strides = array<i32>} : memref<512xf32, #tpu.memory_space<vmem>>, vector<16xf32>,
    %get3A_1036 = vector.shape_cast %get3A_1035 : vector<16xf32> to vector<16xf32>
    %add3A_1037 = arith.addf %add3A_1033, %get3A_1036 : vector<16xf32>
    %get3A_1038 = arith.constant 400 : index
    %get3A_1039 = tpu.vector_load %arg54[%get3A_1038] {strides = array<i32>} : memref<512xf32, #tpu.memory_space<vmem>>, vector<16xf32>,
    %get3A_1040 = vector.shape_cast %get3A_1039 : vector<16xf32> to vector<16xf32>
    %add3A_1041 = arith.addf %add3A_1037, %get3A_1040 : vector<16xf32>
    %get3A_1042 = arith.constant 400 : index
    %get3A_1043 = tpu.vector_load %arg55[%get3A_1042] {strides = array<i32>} : memref<512xf32, #tpu.memory_space<vmem>>, vector<16xf32>,
    %get3A_1044 = vector.shape_cast %get3A_1043 : vector<16xf32> to vector<16xf32>
    %add3A_1045 = arith.addf %add3A_1041, %get3A_1044 : vector<16xf32>
    %get3A_1046 = arith.constant 400 : index
    %get3A_1047 = tpu.vector_load %arg56[%get3A_1046] {strides = array<i32>} : memref<512xf32, #tpu.memory_space<vmem>>, vector<16xf32>,
    %get3A_1048 = vector.shape_cast %get3A_1047 : vector<16xf32> to vector<16xf32>
    %add3A_1049 = arith.addf %add3A_1045, %get3A_1048 : vector<16xf32>
    %get3A_1050 = arith.constant 400 : index
    %get3A_1051 = tpu.vector_load %arg57[%get3A_1050] {strides = array<i32>} : memref<512xf32, #tpu.memory_space<vmem>>, vector<16xf32>,
    %get3A_1052 = vector.shape_cast %get3A_1051 : vector<16xf32> to vector<16xf32>
    %add3A_1053 = arith.addf %add3A_1049, %get3A_1052 : vector<16xf32>
    %swap3A_1054 = arith.constant 400 : index
    %swap3A_1055 = tpu.vector_load %arg58[%swap3A_1054] {strides = array<i32>} : memref<512xf32, #tpu.memory_space<vmem>>, vector<16xf32>,
    %swap3A_1056 = vector.shape_cast %swap3A_1055 : vector<16xf32> to vector<16xf32>
    %swap3A_1057 = vector.shape_cast %add3A_1053 : vector<16xf32> to vector<16xf32>
    tpu.vector_store %arg58[%swap3A_1054], %swap3A_1057 {strides = array<i32>} : memref<512xf32, #tpu.memory_space<vmem>>, vector<16xf32>,
    %get3A_1058 = arith.constant 416 : index
    %get3A_1059 = tpu.vector_load %arg49[%get3A_1058] {strides = array<i32>} : memref<512xf32, #tpu.memory_space<vmem>>, vector<16xf32>,
    %get3A_1060 = vector.shape_cast %get3A_1059 : vector<16xf32> to vector<16xf32>
    %get3A_1061 = arith.constant 416 : index
    %get3A_1062 = tpu.vector_load %arg50[%get3A_1061] {strides = array<i32>} : memref<512xf32, #tpu.memory_space<vmem>>, vector<16xf32>,
    %get3A_1063 = vector.shape_cast %get3A_1062 : vector<16xf32> to vector<16xf32>
    %add3A_1064 = arith.addf %get3A_1060, %get3A_1063 : vector<16xf32>
    %get3A_1065 = arith.constant 416 : index
    %get3A_1066 = tpu.vector_load %arg51[%get3A_1065] {strides = array<i32>} : memref<512xf32, #tpu.memory_space<vmem>>, vector<16xf32>,
    %get3A_1067 = vector.shape_cast %get3A_1066 : vector<16xf32> to vector<16xf32>
    %add3A_1068 = arith.addf %add3A_1064, %get3A_1067 : vector<16xf32>
    %get3A_1069 = arith.constant 416 : index
    %get3A_1070 = tpu.vector_load %arg52[%get3A_1069] {strides = array<i32>} : memref<512xf32, #tpu.memory_space<vmem>>, vector<16xf32>,
    %get3A_1071 = vector.shape_cast %get3A_1070 : vector<16xf32> to vector<16xf32>
    %add3A_1072 = arith.addf %add3A_1068, %get3A_1071 : vector<16xf32>
    %get3A_1073 = arith.constant 416 : index
    %get3A_1074 = tpu.vector_load %arg53[%get3A_1073] {strides = array<i32>} : memref<512xf32, #tpu.memory_space<vmem>>, vector<16xf32>,
    %get3A_1075 = vector.shape_cast %get3A_1074 : vector<16xf32> to vector<16xf32>
    %add3A_1076 = arith.addf %add3A_1072, %get3A_1075 : vector<16xf32>
    %get3A_1077 = arith.constant 416 : index
    %get3A_1078 = tpu.vector_load %arg54[%get3A_1077] {strides = array<i32>} : memref<512xf32, #tpu.memory_space<vmem>>, vector<16xf32>,
    %get3A_1079 = vector.shape_cast %get3A_1078 : vector<16xf32> to vector<16xf32>
    %add3A_1080 = arith.addf %add3A_1076, %get3A_1079 : vector<16xf32>
    %get3A_1081 = arith.constant 416 : index
    %get3A_1082 = tpu.vector_load %arg55[%get3A_1081] {strides = array<i32>} : memref<512xf32, #tpu.memory_space<vmem>>, vector<16xf32>,
    %get3A_1083 = vector.shape_cast %get3A_1082 : vector<16xf32> to vector<16xf32>
    %add3A_1084 = arith.addf %add3A_1080, %get3A_1083 : vector<16xf32>
    %get3A_1085 = arith.constant 416 : index
    %get3A_1086 = tpu.vector_load %arg56[%get3A_1085] {strides = array<i32>} : memref<512xf32, #tpu.memory_space<vmem>>, vector<16xf32>,
    %get3A_1087 = vector.shape_cast %get3A_1086 : vector<16xf32> to vector<16xf32>
    %add3A_1088 = arith.addf %add3A_1084, %get3A_1087 : vector<16xf32>
    %get3A_1089 = arith.constant 416 : index
    %get3A_1090 = tpu.vector_load %arg57[%get3A_1089] {strides = array<i32>} : memref<512xf32, #tpu.memory_space<vmem>>, vector<16xf32>,
    %get3A_1091 = vector.shape_cast %get3A_1090 : vector<16xf32> to vector<16xf32>
    %add3A_1092 = arith.addf %add3A_1088, %get3A_1091 : vector<16xf32>
    %swap3A_1093 = arith.constant 416 : index
    %swap3A_1094 = tpu.vector_load %arg58[%swap3A_1093] {strides = array<i32>} : memref<512xf32, #tpu.memory_space<vmem>>, vector<16xf32>,
    %swap3A_1095 = vector.shape_cast %swap3A_1094 : vector<16xf32> to vector<16xf32>
    %swap3A_1096 = vector.shape_cast %add3A_1092 : vector<16xf32> to vector<16xf32>
    tpu.vector_store %arg58[%swap3A_1093], %swap3A_1096 {strides = array<i32>} : memref<512xf32, #tpu.memory_space<vmem>>, vector<16xf32>,
    %get3A_1097 = arith.constant 432 : index
    %get3A_1098 = tpu.vector_load %arg49[%get3A_1097] {strides = array<i32>} : memref<512xf32, #tpu.memory_space<vmem>>, vector<16xf32>,
    %get3A_1099 = vector.shape_cast %get3A_1098 : vector<16xf32> to vector<16xf32>
    %get3A_1100 = arith.constant 432 : index
    %get3A_1101 = tpu.vector_load %arg50[%get3A_1100] {strides = array<i32>} : memref<512xf32, #tpu.memory_space<vmem>>, vector<16xf32>,
    %get3A_1102 = vector.shape_cast %get3A_1101 : vector<16xf32> to vector<16xf32>
    %add3A_1103 = arith.addf %get3A_1099, %get3A_1102 : vector<16xf32>
    %get3A_1104 = arith.constant 432 : index
    %get3A_1105 = tpu.vector_load %arg51[%get3A_1104] {strides = array<i32>} : memref<512xf32, #tpu.memory_space<vmem>>, vector<16xf32>,
    %get3A_1106 = vector.shape_cast %get3A_1105 : vector<16xf32> to vector<16xf32>
    %add3A_1107 = arith.addf %add3A_1103, %get3A_1106 : vector<16xf32>
    %get3A_1108 = arith.constant 432 : index
    %get3A_1109 = tpu.vector_load %arg52[%get3A_1108] {strides = array<i32>} : memref<512xf32, #tpu.memory_space<vmem>>, vector<16xf32>,
    %get3A_1110 = vector.shape_cast %get3A_1109 : vector<16xf32> to vector<16xf32>
    %add3A_1111 = arith.addf %add3A_1107, %get3A_1110 : vector<16xf32>
    %get3A_1112 = arith.constant 432 : index
    %get3A_1113 = tpu.vector_load %arg53[%get3A_1112] {strides = array<i32>} : memref<512xf32, #tpu.memory_space<vmem>>, vector<16xf32>,
    %get3A_1114 = vector.shape_cast %get3A_1113 : vector<16xf32> to vector<16xf32>
    %add3A_1115 = arith.addf %add3A_1111, %get3A_1114 : vector<16xf32>
    %get3A_1116 = arith.constant 432 : index
    %get3A_1117 = tpu.vector_load %arg54[%get3A_1116] {strides = array<i32>} : memref<512xf32, #tpu.memory_space<vmem>>, vector<16xf32>,
    %get3A_1118 = vector.shape_cast %get3A_1117 : vector<16xf32> to vector<16xf32>
    %add3A_1119 = arith.addf %add3A_1115, %get3A_1118 : vector<16xf32>
    %get3A_1120 = arith.constant 432 : index
    %get3A_1121 = tpu.vector_load %arg55[%get3A_1120] {strides = array<i32>} : memref<512xf32, #tpu.memory_space<vmem>>, vector<16xf32>,
    %get3A_1122 = vector.shape_cast %get3A_1121 : vector<16xf32> to vector<16xf32>
    %add3A_1123 = arith.addf %add3A_1119, %get3A_1122 : vector<16xf32>
    %get3A_1124 = arith.constant 432 : index
    %get3A_1125 = tpu.vector_load %arg56[%get3A_1124] {strides = array<i32>} : memref<512xf32, #tpu.memory_space<vmem>>, vector<16xf32>,
    %get3A_1126 = vector.shape_cast %get3A_1125 : vector<16xf32> to vector<16xf32>
    %add3A_1127 = arith.addf %add3A_1123, %get3A_1126 : vector<16xf32>
    %get3A_1128 = arith.constant 432 : index
    %get3A_1129 = tpu.vector_load %arg57[%get3A_1128] {strides = array<i32>} : memref<512xf32, #tpu.memory_space<vmem>>, vector<16xf32>,
    %get3A_1130 = vector.shape_cast %get3A_1129 : vector<16xf32> to vector<16xf32>
    %add3A_1131 = arith.addf %add3A_1127, %get3A_1130 : vector<16xf32>
    %swap3A_1132 = arith.constant 432 : index
    %swap3A_1133 = tpu.vector_load %arg58[%swap3A_1132] {strides = array<i32>} : memref<512xf32, #tpu.memory_space<vmem>>, vector<16xf32>,
    %swap3A_1134 = vector.shape_cast %swap3A_1133 : vector<16xf32> to vector<16xf32>
    %swap3A_1135 = vector.shape_cast %add3A_1131 : vector<16xf32> to vector<16xf32>
    tpu.vector_store %arg58[%swap3A_1132], %swap3A_1135 {strides = array<i32>} : memref<512xf32, #tpu.memory_space<vmem>>, vector<16xf32>,
    %get3A_1136 = arith.constant 448 : index
    %get3A_1137 = tpu.vector_load %arg49[%get3A_1136] {strides = array<i32>} : memref<512xf32, #tpu.memory_space<vmem>>, vector<16xf32>,
    %get3A_1138 = vector.shape_cast %get3A_1137 : vector<16xf32> to vector<16xf32>
    %get3A_1139 = arith.constant 448 : index
    %get3A_1140 = tpu.vector_load %arg50[%get3A_1139] {strides = array<i32>} : memref<512xf32, #tpu.memory_space<vmem>>, vector<16xf32>,
    %get3A_1141 = vector.shape_cast %get3A_1140 : vector<16xf32> to vector<16xf32>
    %add3A_1142 = arith.addf %get3A_1138, %get3A_1141 : vector<16xf32>
    %get3A_1143 = arith.constant 448 : index
    %get3A_1144 = tpu.vector_load %arg51[%get3A_1143] {strides = array<i32>} : memref<512xf32, #tpu.memory_space<vmem>>, vector<16xf32>,
    %get3A_1145 = vector.shape_cast %get3A_1144 : vector<16xf32> to vector<16xf32>
    %add3A_1146 = arith.addf %add3A_1142, %get3A_1145 : vector<16xf32>
    %get3A_1147 = arith.constant 448 : index
    %get3A_1148 = tpu.vector_load %arg52[%get3A_1147] {strides = array<i32>} : memref<512xf32, #tpu.memory_space<vmem>>, vector<16xf32>,
    %get3A_1149 = vector.shape_cast %get3A_1148 : vector<16xf32> to vector<16xf32>
    %add3A_1150 = arith.addf %add3A_1146, %get3A_1149 : vector<16xf32>
    %get3A_1151 = arith.constant 448 : index
    %get3A_1152 = tpu.vector_load %arg53[%get3A_1151] {strides = array<i32>} : memref<512xf32, #tpu.memory_space<vmem>>, vector<16xf32>,
    %get3A_1153 = vector.shape_cast %get3A_1152 : vector<16xf32> to vector<16xf32>
    %add3A_1154 = arith.addf %add3A_1150, %get3A_1153 : vector<16xf32>
    %get3A_1155 = arith.constant 448 : index
    %get3A_1156 = tpu.vector_load %arg54[%get3A_1155] {strides = array<i32>} : memref<512xf32, #tpu.memory_space<vmem>>, vector<16xf32>,
    %get3A_1157 = vector.shape_cast %get3A_1156 : vector<16xf32> to vector<16xf32>
    %add3A_1158 = arith.addf %add3A_1154, %get3A_1157 : vector<16xf32>
    %get3A_1159 = arith.constant 448 : index
    %get3A_1160 = tpu.vector_load %arg55[%get3A_1159] {strides = array<i32>} : memref<512xf32, #tpu.memory_space<vmem>>, vector<16xf32>,
    %get3A_1161 = vector.shape_cast %get3A_1160 : vector<16xf32> to vector<16xf32>
    %add3A_1162 = arith.addf %add3A_1158, %get3A_1161 : vector<16xf32>
    %get3A_1163 = arith.constant 448 : index
    %get3A_1164 = tpu.vector_load %arg56[%get3A_1163] {strides = array<i32>} : memref<512xf32, #tpu.memory_space<vmem>>, vector<16xf32>,
    %get3A_1165 = vector.shape_cast %get3A_1164 : vector<16xf32> to vector<16xf32>
    %add3A_1166 = arith.addf %add3A_1162, %get3A_1165 : vector<16xf32>
    %get3A_1167 = arith.constant 448 : index
    %get3A_1168 = tpu.vector_load %arg57[%get3A_1167] {strides = array<i32>} : memref<512xf32, #tpu.memory_space<vmem>>, vector<16xf32>,
    %get3A_1169 = vector.shape_cast %get3A_1168 : vector<16xf32> to vector<16xf32>
    %add3A_1170 = arith.addf %add3A_1166, %get3A_1169 : vector<16xf32>
    %swap3A_1171 = arith.constant 448 : index
    %swap3A_1172 = tpu.vector_load %arg58[%swap3A_1171] {strides = array<i32>} : memref<512xf32, #tpu.memory_space<vmem>>, vector<16xf32>,
    %swap3A_1173 = vector.shape_cast %swap3A_1172 : vector<16xf32> to vector<16xf32>
    %swap3A_1174 = vector.shape_cast %add3A_1170 : vector<16xf32> to vector<16xf32>
    tpu.vector_store %arg58[%swap3A_1171], %swap3A_1174 {strides = array<i32>} : memref<512xf32, #tpu.memory_space<vmem>>, vector<16xf32>,
    %get3A_1175 = arith.constant 464 : index
    %get3A_1176 = tpu.vector_load %arg49[%get3A_1175] {strides = array<i32>} : memref<512xf32, #tpu.memory_space<vmem>>, vector<16xf32>,
    %get3A_1177 = vector.shape_cast %get3A_1176 : vector<16xf32> to vector<16xf32>
    %get3A_1178 = arith.constant 464 : index
    %get3A_1179 = tpu.vector_load %arg50[%get3A_1178] {strides = array<i32>} : memref<512xf32, #tpu.memory_space<vmem>>, vector<16xf32>,
    %get3A_1180 = vector.shape_cast %get3A_1179 : vector<16xf32> to vector<16xf32>
    %add3A_1181 = arith.addf %get3A_1177, %get3A_1180 : vector<16xf32>
    %get3A_1182 = arith.constant 464 : index
    %get3A_1183 = tpu.vector_load %arg51[%get3A_1182] {strides = array<i32>} : memref<512xf32, #tpu.memory_space<vmem>>, vector<16xf32>,
    %get3A_1184 = vector.shape_cast %get3A_1183 : vector<16xf32> to vector<16xf32>
    %add3A_1185 = arith.addf %add3A_1181, %get3A_1184 : vector<16xf32>
    %get3A_1186 = arith.constant 464 : index
    %get3A_1187 = tpu.vector_load %arg52[%get3A_1186] {strides = array<i32>} : memref<512xf32, #tpu.memory_space<vmem>>, vector<16xf32>,
    %get3A_1188 = vector.shape_cast %get3A_1187 : vector<16xf32> to vector<16xf32>
    %add3A_1189 = arith.addf %add3A_1185, %get3A_1188 : vector<16xf32>
    %get3A_1190 = arith.constant 464 : index
    %get3A_1191 = tpu.vector_load %arg53[%get3A_1190] {strides = array<i32>} : memref<512xf32, #tpu.memory_space<vmem>>, vector<16xf32>,
    %get3A_1192 = vector.shape_cast %get3A_1191 : vector<16xf32> to vector<16xf32>
    %add3A_1193 = arith.addf %add3A_1189, %get3A_1192 : vector<16xf32>
    %get3A_1194 = arith.constant 464 : index
    %get3A_1195 = tpu.vector_load %arg54[%get3A_1194] {strides = array<i32>} : memref<512xf32, #tpu.memory_space<vmem>>, vector<16xf32>,
    %get3A_1196 = vector.shape_cast %get3A_1195 : vector<16xf32> to vector<16xf32>
    %add3A_1197 = arith.addf %add3A_1193, %get3A_1196 : vector<16xf32>
    %get3A_1198 = arith.constant 464 : index
    %get3A_1199 = tpu.vector_load %arg55[%get3A_1198] {strides = array<i32>} : memref<512xf32, #tpu.memory_space<vmem>>, vector<16xf32>,
    %get3A_1200 = vector.shape_cast %get3A_1199 : vector<16xf32> to vector<16xf32>
    %add3A_1201 = arith.addf %add3A_1197, %get3A_1200 : vector<16xf32>
    %get3A_1202 = arith.constant 464 : index
    %get3A_1203 = tpu.vector_load %arg56[%get3A_1202] {strides = array<i32>} : memref<512xf32, #tpu.memory_space<vmem>>, vector<16xf32>,
    %get3A_1204 = vector.shape_cast %get3A_1203 : vector<16xf32> to vector<16xf32>
    %add3A_1205 = arith.addf %add3A_1201, %get3A_1204 : vector<16xf32>
    %get3A_1206 = arith.constant 464 : index
    %get3A_1207 = tpu.vector_load %arg57[%get3A_1206] {strides = array<i32>} : memref<512xf32, #tpu.memory_space<vmem>>, vector<16xf32>,
    %get3A_1208 = vector.shape_cast %get3A_1207 : vector<16xf32> to vector<16xf32>
    %add3A_1209 = arith.addf %add3A_1205, %get3A_1208 : vector<16xf32>
    %swap3A_1210 = arith.constant 464 : index
    %swap3A_1211 = tpu.vector_load %arg58[%swap3A_1210] {strides = array<i32>} : memref<512xf32, #tpu.memory_space<vmem>>, vector<16xf32>,
    %swap3A_1212 = vector.shape_cast %swap3A_1211 : vector<16xf32> to vector<16xf32>
    %swap3A_1213 = vector.shape_cast %add3A_1209 : vector<16xf32> to vector<16xf32>
    tpu.vector_store %arg58[%swap3A_1210], %swap3A_1213 {strides = array<i32>} : memref<512xf32, #tpu.memory_space<vmem>>, vector<16xf32>,
    %get3A_1214 = arith.constant 480 : index
    %get3A_1215 = tpu.vector_load %arg49[%get3A_1214] {strides = array<i32>} : memref<512xf32, #tpu.memory_space<vmem>>, vector<16xf32>,
    %get3A_1216 = vector.shape_cast %get3A_1215 : vector<16xf32> to vector<16xf32>
    %get3A_1217 = arith.constant 480 : index
    %get3A_1218 = tpu.vector_load %arg50[%get3A_1217] {strides = array<i32>} : memref<512xf32, #tpu.memory_space<vmem>>, vector<16xf32>,
    %get3A_1219 = vector.shape_cast %get3A_1218 : vector<16xf32> to vector<16xf32>
    %add3A_1220 = arith.addf %get3A_1216, %get3A_1219 : vector<16xf32>
    %get3A_1221 = arith.constant 480 : index
    %get3A_1222 = tpu.vector_load %arg51[%get3A_1221] {strides = array<i32>} : memref<512xf32, #tpu.memory_space<vmem>>, vector<16xf32>,
    %get3A_1223 = vector.shape_cast %get3A_1222 : vector<16xf32> to vector<16xf32>
    %add3A_1224 = arith.addf %add3A_1220, %get3A_1223 : vector<16xf32>
    %get3A_1225 = arith.constant 480 : index
    %get3A_1226 = tpu.vector_load %arg52[%get3A_1225] {strides = array<i32>} : memref<512xf32, #tpu.memory_space<vmem>>, vector<16xf32>,
    %get3A_1227 = vector.shape_cast %get3A_1226 : vector<16xf32> to vector<16xf32>
    %add3A_1228 = arith.addf %add3A_1224, %get3A_1227 : vector<16xf32>
    %get3A_1229 = arith.constant 480 : index
    %get3A_1230 = tpu.vector_load %arg53[%get3A_1229] {strides = array<i32>} : memref<512xf32, #tpu.memory_space<vmem>>, vector<16xf32>,
    %get3A_1231 = vector.shape_cast %get3A_1230 : vector<16xf32> to vector<16xf32>
    %add3A_1232 = arith.addf %add3A_1228, %get3A_1231 : vector<16xf32>
    %get3A_1233 = arith.constant 480 : index
    %get3A_1234 = tpu.vector_load %arg54[%get3A_1233] {strides = array<i32>} : memref<512xf32, #tpu.memory_space<vmem>>, vector<16xf32>,
    %get3A_1235 = vector.shape_cast %get3A_1234 : vector<16xf32> to vector<16xf32>
    %add3A_1236 = arith.addf %add3A_1232, %get3A_1235 : vector<16xf32>
    %get3A_1237 = arith.constant 480 : index
    %get3A_1238 = tpu.vector_load %arg55[%get3A_1237] {strides = array<i32>} : memref<512xf32, #tpu.memory_space<vmem>>, vector<16xf32>,
    %get3A_1239 = vector.shape_cast %get3A_1238 : vector<16xf32> to vector<16xf32>
    %add3A_1240 = arith.addf %add3A_1236, %get3A_1239 : vector<16xf32>
    %get3A_1241 = arith.constant 480 : index
    %get3A_1242 = tpu.vector_load %arg56[%get3A_1241] {strides = array<i32>} : memref<512xf32, #tpu.memory_space<vmem>>, vector<16xf32>,
    %get3A_1243 = vector.shape_cast %get3A_1242 : vector<16xf32> to vector<16xf32>
    %add3A_1244 = arith.addf %add3A_1240, %get3A_1243 : vector<16xf32>
    %get3A_1245 = arith.constant 480 : index
    %get3A_1246 = tpu.vector_load %arg57[%get3A_1245] {strides = array<i32>} : memref<512xf32, #tpu.memory_space<vmem>>, vector<16xf32>,
    %get3A_1247 = vector.shape_cast %get3A_1246 : vector<16xf32> to vector<16xf32>
    %add3A_1248 = arith.addf %add3A_1244, %get3A_1247 : vector<16xf32>
    %swap3A_1249 = arith.constant 480 : index
    %swap3A_1250 = tpu.vector_load %arg58[%swap3A_1249] {strides = array<i32>} : memref<512xf32, #tpu.memory_space<vmem>>, vector<16xf32>,
    %swap3A_1251 = vector.shape_cast %swap3A_1250 : vector<16xf32> to vector<16xf32>
    %swap3A_1252 = vector.shape_cast %add3A_1248 : vector<16xf32> to vector<16xf32>
    tpu.vector_store %arg58[%swap3A_1249], %swap3A_1252 {strides = array<i32>} : memref<512xf32, #tpu.memory_space<vmem>>, vector<16xf32>,
    %get3A_1253 = arith.constant 496 : index
    %get3A_1254 = tpu.vector_load %arg49[%get3A_1253] {strides = array<i32>} : memref<512xf32, #tpu.memory_space<vmem>>, vector<16xf32>,
    %get3A_1255 = vector.shape_cast %get3A_1254 : vector<16xf32> to vector<16xf32>
    %get3A_1256 = arith.constant 496 : index
    %get3A_1257 = tpu.vector_load %arg50[%get3A_1256] {strides = array<i32>} : memref<512xf32, #tpu.memory_space<vmem>>, vector<16xf32>,
    %get3A_1258 = vector.shape_cast %get3A_1257 : vector<16xf32> to vector<16xf32>
    %add3A_1259 = arith.addf %get3A_1255, %get3A_1258 : vector<16xf32>
    %get3A_1260 = arith.constant 496 : index
    %get3A_1261 = tpu.vector_load %arg51[%get3A_1260] {strides = array<i32>} : memref<512xf32, #tpu.memory_space<vmem>>, vector<16xf32>,
    %get3A_1262 = vector.shape_cast %get3A_1261 : vector<16xf32> to vector<16xf32>
    %add3A_1263 = arith.addf %add3A_1259, %get3A_1262 : vector<16xf32>
    %get3A_1264 = arith.constant 496 : index
    %get3A_1265 = tpu.vector_load %arg52[%get3A_1264] {strides = array<i32>} : memref<512xf32, #tpu.memory_space<vmem>>, vector<16xf32>,
    %get3A_1266 = vector.shape_cast %get3A_1265 : vector<16xf32> to vector<16xf32>
    %add3A_1267 = arith.addf %add3A_1263, %get3A_1266 : vector<16xf32>
    %get3A_1268 = arith.constant 496 : index
    %get3A_1269 = tpu.vector_load %arg53[%get3A_1268] {strides = array<i32>} : memref<512xf32, #tpu.memory_space<vmem>>, vector<16xf32>,
    %get3A_1270 = vector.shape_cast %get3A_1269 : vector<16xf32> to vector<16xf32>
    %add3A_1271 = arith.addf %add3A_1267, %get3A_1270 : vector<16xf32>
    %get3A_1272 = arith.constant 496 : index
    %get3A_1273 = tpu.vector_load %arg54[%get3A_1272] {strides = array<i32>} : memref<512xf32, #tpu.memory_space<vmem>>, vector<16xf32>,
    %get3A_1274 = vector.shape_cast %get3A_1273 : vector<16xf32> to vector<16xf32>
    %add3A_1275 = arith.addf %add3A_1271, %get3A_1274 : vector<16xf32>
    %get3A_1276 = arith.constant 496 : index
    %get3A_1277 = tpu.vector_load %arg55[%get3A_1276] {strides = array<i32>} : memref<512xf32, #tpu.memory_space<vmem>>, vector<16xf32>,
    %get3A_1278 = vector.shape_cast %get3A_1277 : vector<16xf32> to vector<16xf32>
    %add3A_1279 = arith.addf %add3A_1275, %get3A_1278 : vector<16xf32>
    %get3A_1280 = arith.constant 496 : index
    %get3A_1281 = tpu.vector_load %arg56[%get3A_1280] {strides = array<i32>} : memref<512xf32, #tpu.memory_space<vmem>>, vector<16xf32>,
    %get3A_1282 = vector.shape_cast %get3A_1281 : vector<16xf32> to vector<16xf32>
    %add3A_1283 = arith.addf %add3A_1279, %get3A_1282 : vector<16xf32>
    %get3A_1284 = arith.constant 496 : index
    %get3A_1285 = tpu.vector_load %arg57[%get3A_1284] {strides = array<i32>} : memref<512xf32, #tpu.memory_space<vmem>>, vector<16xf32>,
    %get3A_1286 = vector.shape_cast %get3A_1285 : vector<16xf32> to vector<16xf32>
    %add3A_1287 = arith.addf %add3A_1283, %get3A_1286 : vector<16xf32>
    %swap3A_1288 = arith.constant 496 : index
    %swap3A_1289 = tpu.vector_load %arg58[%swap3A_1288] {strides = array<i32>} : memref<512xf32, #tpu.memory_space<vmem>>, vector<16xf32>,
    %swap3A_1290 = vector.shape_cast %swap3A_1289 : vector<16xf32> to vector<16xf32>
    %swap3A_1291 = vector.shape_cast %add3A_1287 : vector<16xf32> to vector<16xf32>
    tpu.vector_store %arg58[%swap3A_1288], %swap3A_1291 {strides = array<i32>} : memref<512xf32, #tpu.memory_space<vmem>>, vector<16xf32>,
    "tpu.region"() ({
      %run_scoped3A_1327 = tpu.sem_alloc : memref<!tpu.dma_semaphore, #tpu.memory_space<semaphore_mem>>
      %dma_start3A_1328 = tpu.memref_slice %arg38[%mul3A_2] : memref<16384xf32, #tpu.memory_space<hbm>> -> memref<512xf32, #tpu.memory_space<hbm>>
      %dma_start3A_1329 = tpu.memref_slice %arg38[%mul3A_2] : memref<16384xf32, #tpu.memory_space<hbm>> -> memref<512xf32, #tpu.memory_space<hbm>>
      tpu.enqueue_dma source(%arg58 : memref<512xf32, #tpu.memory_space<vmem>>) target(%dma_start3A_1329 : memref<512xf32, #tpu.memory_space<hbm>>) target_semaphore(%run_scoped3A_1327 : memref<!tpu.dma_semaphore, #tpu.memory_space<semaphore_mem>>)
      %dma_wait3A_1330 = tpu.memref_slice %arg38[%mul3A_2] : memref<16384xf32, #tpu.memory_space<hbm>> -> memref<512xf32, #tpu.memory_space<hbm>>
      %dma_wait3A_1331 = tpu.memref_slice %arg38[%mul3A_2] : memref<16384xf32, #tpu.memory_space<hbm>> -> memref<512xf32, #tpu.memory_space<hbm>>
      tpu.wait_dma2 semaphore(%run_scoped3A_1327 : memref<!tpu.dma_semaphore, #tpu.memory_space<semaphore_mem>>) src(%arg58 : memref<512xf32, #tpu.memory_space<vmem>>) dst(%dma_wait3A_1331 : memref<512xf32, #tpu.memory_space<hbm>>)
      tpu.yield
    }) : () -> ()
    %dma_wait3A = arith.constant 0 : i32
    %dma_wait3A_1292 = tpu.memref_slice %arg29[%mul3A_2, %dma_wait3A] : memref<16384x16xf32, #tpu.memory_space<hbm>> -> memref<512x16xf32, #tpu.memory_space<hbm>>
    %dma_wait3A_1293 = arith.constant 0 : i32
    %dma_wait3A_1294 = tpu.memref_slice %arg29[%mul3A_2, %dma_wait3A_1293] : memref<16384x16xf32, #tpu.memory_space<hbm>> -> memref<512x16xf32, #tpu.memory_space<hbm>>
    tpu.wait_dma2 semaphore(%arg60 : memref<!tpu.dma_semaphore, #tpu.memory_space<semaphore_mem>>) src(%arg40 : memref<512x16xf32, #tpu.memory_space<vmem>>) dst(%dma_wait3A_1294 : memref<512x16xf32, #tpu.memory_space<hbm>>)
    %dma_wait3A_1295 = arith.constant 0 : i32
    %dma_wait3A_1296 = tpu.memref_slice %arg30[%mul3A_2, %dma_wait3A_1295] : memref<16384x16xf32, #tpu.memory_space<hbm>> -> memref<512x16xf32, #tpu.memory_space<hbm>>
    %dma_wait3A_1297 = arith.constant 0 : i32
    %dma_wait3A_1298 = tpu.memref_slice %arg30[%mul3A_2, %dma_wait3A_1297] : memref<16384x16xf32, #tpu.memory_space<hbm>> -> memref<512x16xf32, #tpu.memory_space<hbm>>
    tpu.wait_dma2 semaphore(%arg60 : memref<!tpu.dma_semaphore, #tpu.memory_space<semaphore_mem>>) src(%arg41 : memref<512x16xf32, #tpu.memory_space<vmem>>) dst(%dma_wait3A_1298 : memref<512x16xf32, #tpu.memory_space<hbm>>)
    %dma_wait3A_1299 = arith.constant 0 : i32
    %dma_wait3A_1300 = tpu.memref_slice %arg31[%mul3A_2, %dma_wait3A_1299] : memref<16384x16xf32, #tpu.memory_space<hbm>> -> memref<512x16xf32, #tpu.memory_space<hbm>>
    %dma_wait3A_1301 = arith.constant 0 : i32
    %dma_wait3A_1302 = tpu.memref_slice %arg31[%mul3A_2, %dma_wait3A_1301] : memref<16384x16xf32, #tpu.memory_space<hbm>> -> memref<512x16xf32, #tpu.memory_space<hbm>>
    tpu.wait_dma2 semaphore(%arg60 : memref<!tpu.dma_semaphore, #tpu.memory_space<semaphore_mem>>) src(%arg42 : memref<512x16xf32, #tpu.memory_space<vmem>>) dst(%dma_wait3A_1302 : memref<512x16xf32, #tpu.memory_space<hbm>>)
    %dma_wait3A_1303 = arith.constant 0 : i32
    %dma_wait3A_1304 = tpu.memref_slice %arg32[%mul3A_2, %dma_wait3A_1303] : memref<16384x16xf32, #tpu.memory_space<hbm>> -> memref<512x16xf32, #tpu.memory_space<hbm>>
    %dma_wait3A_1305 = arith.constant 0 : i32
    %dma_wait3A_1306 = tpu.memref_slice %arg32[%mul3A_2, %dma_wait3A_1305] : memref<16384x16xf32, #tpu.memory_space<hbm>> -> memref<512x16xf32, #tpu.memory_space<hbm>>
    tpu.wait_dma2 semaphore(%arg60 : memref<!tpu.dma_semaphore, #tpu.memory_space<semaphore_mem>>) src(%arg43 : memref<512x16xf32, #tpu.memory_space<vmem>>) dst(%dma_wait3A_1306 : memref<512x16xf32, #tpu.memory_space<hbm>>)
    %dma_wait3A_1307 = arith.constant 0 : i32
    %dma_wait3A_1308 = tpu.memref_slice %arg33[%mul3A_2, %dma_wait3A_1307] : memref<16384x16xf32, #tpu.memory_space<hbm>> -> memref<512x16xf32, #tpu.memory_space<hbm>>
    %dma_wait3A_1309 = arith.constant 0 : i32
    %dma_wait3A_1310 = tpu.memref_slice %arg33[%mul3A_2, %dma_wait3A_1309] : memref<16384x16xf32, #tpu.memory_space<hbm>> -> memref<512x16xf32, #tpu.memory_space<hbm>>
    tpu.wait_dma2 semaphore(%arg60 : memref<!tpu.dma_semaphore, #tpu.memory_space<semaphore_mem>>) src(%arg44 : memref<512x16xf32, #tpu.memory_space<vmem>>) dst(%dma_wait3A_1310 : memref<512x16xf32, #tpu.memory_space<hbm>>)
    %dma_wait3A_1311 = arith.constant 0 : i32
    %dma_wait3A_1312 = tpu.memref_slice %arg34[%mul3A_2, %dma_wait3A_1311] : memref<16384x16xf32, #tpu.memory_space<hbm>> -> memref<512x16xf32, #tpu.memory_space<hbm>>
    %dma_wait3A_1313 = arith.constant 0 : i32
    %dma_wait3A_1314 = tpu.memref_slice %arg34[%mul3A_2, %dma_wait3A_1313] : memref<16384x16xf32, #tpu.memory_space<hbm>> -> memref<512x16xf32, #tpu.memory_space<hbm>>
    tpu.wait_dma2 semaphore(%arg60 : memref<!tpu.dma_semaphore, #tpu.memory_space<semaphore_mem>>) src(%arg45 : memref<512x16xf32, #tpu.memory_space<vmem>>) dst(%dma_wait3A_1314 : memref<512x16xf32, #tpu.memory_space<hbm>>)
    %dma_wait3A_1315 = arith.constant 0 : i32
    %dma_wait3A_1316 = tpu.memref_slice %arg35[%mul3A_2, %dma_wait3A_1315] : memref<16384x16xf32, #tpu.memory_space<hbm>> -> memref<512x16xf32, #tpu.memory_space<hbm>>
    %dma_wait3A_1317 = arith.constant 0 : i32
    %dma_wait3A_1318 = tpu.memref_slice %arg35[%mul3A_2, %dma_wait3A_1317] : memref<16384x16xf32, #tpu.memory_space<hbm>> -> memref<512x16xf32, #tpu.memory_space<hbm>>
    tpu.wait_dma2 semaphore(%arg60 : memref<!tpu.dma_semaphore, #tpu.memory_space<semaphore_mem>>) src(%arg46 : memref<512x16xf32, #tpu.memory_space<vmem>>) dst(%dma_wait3A_1318 : memref<512x16xf32, #tpu.memory_space<hbm>>)
    %dma_wait3A_1319 = arith.constant 0 : i32
    %dma_wait3A_1320 = tpu.memref_slice %arg36[%mul3A_2, %dma_wait3A_1319] : memref<16384x16xf32, #tpu.memory_space<hbm>> -> memref<512x16xf32, #tpu.memory_space<hbm>>
    %dma_wait3A_1321 = arith.constant 0 : i32
    %dma_wait3A_1322 = tpu.memref_slice %arg36[%mul3A_2, %dma_wait3A_1321] : memref<16384x16xf32, #tpu.memory_space<hbm>> -> memref<512x16xf32, #tpu.memory_space<hbm>>
    tpu.wait_dma2 semaphore(%arg60 : memref<!tpu.dma_semaphore, #tpu.memory_space<semaphore_mem>>) src(%arg47 : memref<512x16xf32, #tpu.memory_space<vmem>>) dst(%dma_wait3A_1322 : memref<512x16xf32, #tpu.memory_space<hbm>>)
    %dma_wait3A_1323 = arith.constant 0 : i32
    %dma_wait3A_1324 = tpu.memref_slice %arg37[%mul3A_2, %dma_wait3A_1323] : memref<16384x16xf32, #tpu.memory_space<hbm>> -> memref<512x16xf32, #tpu.memory_space<hbm>>
    %dma_wait3A_1325 = arith.constant 0 : i32
    %dma_wait3A_1326 = tpu.memref_slice %arg37[%mul3A_2, %dma_wait3A_1325] : memref<16384x16xf32, #tpu.memory_space<hbm>> -> memref<512x16xf32, #tpu.memory_space<hbm>>
    tpu.wait_dma2 semaphore(%arg60 : memref<!tpu.dma_semaphore, #tpu.memory_space<semaphore_mem>>) src(%arg48 : memref<512x16xf32, #tpu.memory_space<vmem>>) dst(%dma_wait3A_1326 : memref<512x16xf32, #tpu.memory_space<hbm>>)
    return
  }
}

module attributes {stable_mosaic.version = 14 : i64} {
  func.func @_tc_body(%arg0: i32, %arg1: memref<2048x16xf32, #tpu.memory_space<vmem>>, %arg2: memref<2048x16xf32, #tpu.memory_space<vmem>>, %arg3: memref<2048x16xf32, #tpu.memory_space<vmem>>, %arg4: memref<2048x16xf32, #tpu.memory_space<vmem>>, %arg5: memref<2048x16xf32, #tpu.memory_space<vmem>>, %arg6: memref<2048x16xf32, #tpu.memory_space<vmem>>, %arg7: memref<2048x16xf32, #tpu.memory_space<vmem>>, %arg8: memref<2048x16xf32, #tpu.memory_space<vmem>>, %arg9: memref<2048x16xf32, #tpu.memory_space<vmem>>, %arg10: memref<2048x3xf32, #tpu.memory_space<vmem>>, %arg11: memref<2048x1xf32, #tpu.memory_space<vmem>>, %arg12: memref<64x147xf32, #tpu.memory_space<vmem>>, %arg13: memref<1x64xf32, #tpu.memory_space<vmem>>, %arg14: memref<32x64xf32, #tpu.memory_space<vmem>>, %arg15: memref<1x32xf32, #tpu.memory_space<vmem>>, %arg16: memref<1x3xf32, #tpu.memory_space<vmem>>, %arg17: memref<1x1xf32, #tpu.memory_space<vmem>>, %arg18: memref<1x34xf32, #tpu.memory_space<vmem>>, %arg19: memref<1x1xf32, #tpu.memory_space<vmem>>, %arg20: memref<2048x1xf32, #tpu.memory_space<vmem>>) attributes {dimension_semantics = [#tpu.dimension_semantics<arbitrary>], iteration_bounds = array<i64: 8>, scalar_prefetch = 0 : i64, scratch_operands = 0 : i64, tpu.core_type = #tpu.core_type<tc>, window_params = [{transform_indices = @transform_0, window_bounds = array<i64: 2048, 16>}, {transform_indices = @transform_1, window_bounds = array<i64: 2048, 16>}, {transform_indices = @transform_2, window_bounds = array<i64: 2048, 16>}, {transform_indices = @transform_3, window_bounds = array<i64: 2048, 16>}, {transform_indices = @transform_4, window_bounds = array<i64: 2048, 16>}, {transform_indices = @transform_5, window_bounds = array<i64: 2048, 16>}, {transform_indices = @transform_6, window_bounds = array<i64: 2048, 16>}, {transform_indices = @transform_7, window_bounds = array<i64: 2048, 16>}, {transform_indices = @transform_8, window_bounds = array<i64: 2048, 16>}, {transform_indices = @transform_9, window_bounds = array<i64: 2048, 3>}, {transform_indices = @transform_10, window_bounds = array<i64: 2048, 1>}, {pipeline_mode = #tpu.pipeline_mode<synchronous>, transform_indices = @transform_11, window_bounds = array<i64: 64, 147>}, {pipeline_mode = #tpu.pipeline_mode<synchronous>, transform_indices = @transform_12, window_bounds = array<i64: 1, 64>}, {pipeline_mode = #tpu.pipeline_mode<synchronous>, transform_indices = @transform_13, window_bounds = array<i64: 32, 64>}, {pipeline_mode = #tpu.pipeline_mode<synchronous>, transform_indices = @transform_14, window_bounds = array<i64: 1, 32>}, {pipeline_mode = #tpu.pipeline_mode<synchronous>, transform_indices = @transform_15, window_bounds = array<i64: 1, 3>}, {pipeline_mode = #tpu.pipeline_mode<synchronous>, transform_indices = @transform_16, window_bounds = array<i64: 1, 1>}, {pipeline_mode = #tpu.pipeline_mode<synchronous>, transform_indices = @transform_17, window_bounds = array<i64: 1, 34>}, {pipeline_mode = #tpu.pipeline_mode<synchronous>, transform_indices = @transform_18, window_bounds = array<i64: 1, 1>}, {transform_indices = @transform_19, window_bounds = array<i64: 2048, 1>}]} {
    %get3A = arith.constant 0 : index
    %get3A_0 = arith.constant 0 : index
    %get3A_1 = vector.load %arg1[%get3A, %get3A_0] : memref<2048x16xf32, #tpu.memory_space<vmem>>, vector<2048x16xf32>
    %get3A_2 = arith.constant 0 : index
    %get3A_3 = arith.constant 0 : index
    %get3A_4 = vector.load %arg2[%get3A_2, %get3A_3] : memref<2048x16xf32, #tpu.memory_space<vmem>>, vector<2048x16xf32>
    %get3A_5 = arith.constant 0 : index
    %get3A_6 = arith.constant 0 : index
    %get3A_7 = vector.load %arg3[%get3A_5, %get3A_6] : memref<2048x16xf32, #tpu.memory_space<vmem>>, vector<2048x16xf32>
    %get3A_8 = arith.constant 0 : index
    %get3A_9 = arith.constant 0 : index
    %get3A_10 = vector.load %arg4[%get3A_8, %get3A_9] : memref<2048x16xf32, #tpu.memory_space<vmem>>, vector<2048x16xf32>
    %get3A_11 = arith.constant 0 : index
    %get3A_12 = arith.constant 0 : index
    %get3A_13 = vector.load %arg5[%get3A_11, %get3A_12] : memref<2048x16xf32, #tpu.memory_space<vmem>>, vector<2048x16xf32>
    %get3A_14 = arith.constant 0 : index
    %get3A_15 = arith.constant 0 : index
    %get3A_16 = vector.load %arg6[%get3A_14, %get3A_15] : memref<2048x16xf32, #tpu.memory_space<vmem>>, vector<2048x16xf32>
    %get3A_17 = arith.constant 0 : index
    %get3A_18 = arith.constant 0 : index
    %get3A_19 = vector.load %arg7[%get3A_17, %get3A_18] : memref<2048x16xf32, #tpu.memory_space<vmem>>, vector<2048x16xf32>
    %get3A_20 = arith.constant 0 : index
    %get3A_21 = arith.constant 0 : index
    %get3A_22 = vector.load %arg8[%get3A_20, %get3A_21] : memref<2048x16xf32, #tpu.memory_space<vmem>>, vector<2048x16xf32>
    %get3A_23 = arith.constant 0 : index
    %get3A_24 = arith.constant 0 : index
    %get3A_25 = vector.load %arg9[%get3A_23, %get3A_24] : memref<2048x16xf32, #tpu.memory_space<vmem>>, vector<2048x16xf32>
    %get3A_26 = arith.constant 0 : index
    %get3A_27 = arith.constant 0 : index
    %get3A_28 = vector.load %arg10[%get3A_26, %get3A_27] : memref<2048x3xf32, #tpu.memory_space<vmem>>, vector<2048x3xf32>
    %mul3A = arith.mulf %get3A_1, %get3A_1 : vector<2048x16xf32>
    %reduce_sum3A = arith.constant dense<0.000000e+00> : vector<2048xf32>
    %reduce_sum3A_29 = vector.multi_reduction <add>, %mul3A, %reduce_sum3A [1] : vector<2048x16xf32> to vector<2048xf32>
    %broadcast_in_dim3A = vector.shape_cast %reduce_sum3A_29 : vector<2048xf32> to vector<2048x1xf32>
    %add3A = arith.addf %get3A_1, %get3A_4 : vector<2048x16xf32>
    %mul3A_30 = arith.mulf %get3A_4, %get3A_4 : vector<2048x16xf32>
    %reduce_sum3A_31 = arith.constant dense<0.000000e+00> : vector<2048xf32>
    %reduce_sum3A_32 = vector.multi_reduction <add>, %mul3A_30, %reduce_sum3A_31 [1] : vector<2048x16xf32> to vector<2048xf32>
    %broadcast_in_dim3A_33 = vector.shape_cast %reduce_sum3A_32 : vector<2048xf32> to vector<2048x1xf32>
    %add3A_34 = arith.addf %broadcast_in_dim3A, %broadcast_in_dim3A_33 : vector<2048x1xf32>
    %add3A_35 = arith.addf %add3A, %get3A_7 : vector<2048x16xf32>
    %mul3A_36 = arith.mulf %get3A_7, %get3A_7 : vector<2048x16xf32>
    %reduce_sum3A_37 = arith.constant dense<0.000000e+00> : vector<2048xf32>
    %reduce_sum3A_38 = vector.multi_reduction <add>, %mul3A_36, %reduce_sum3A_37 [1] : vector<2048x16xf32> to vector<2048xf32>
    %broadcast_in_dim3A_39 = vector.shape_cast %reduce_sum3A_38 : vector<2048xf32> to vector<2048x1xf32>
    %add3A_40 = arith.addf %add3A_34, %broadcast_in_dim3A_39 : vector<2048x1xf32>
    %add3A_41 = arith.addf %add3A_35, %get3A_10 : vector<2048x16xf32>
    %mul3A_42 = arith.mulf %get3A_10, %get3A_10 : vector<2048x16xf32>
    %reduce_sum3A_43 = arith.constant dense<0.000000e+00> : vector<2048xf32>
    %reduce_sum3A_44 = vector.multi_reduction <add>, %mul3A_42, %reduce_sum3A_43 [1] : vector<2048x16xf32> to vector<2048xf32>
    %broadcast_in_dim3A_45 = vector.shape_cast %reduce_sum3A_44 : vector<2048xf32> to vector<2048x1xf32>
    %add3A_46 = arith.addf %add3A_40, %broadcast_in_dim3A_45 : vector<2048x1xf32>
    %add3A_47 = arith.addf %add3A_41, %get3A_13 : vector<2048x16xf32>
    %mul3A_48 = arith.mulf %get3A_13, %get3A_13 : vector<2048x16xf32>
    %reduce_sum3A_49 = arith.constant dense<0.000000e+00> : vector<2048xf32>
    %reduce_sum3A_50 = vector.multi_reduction <add>, %mul3A_48, %reduce_sum3A_49 [1] : vector<2048x16xf32> to vector<2048xf32>
    %broadcast_in_dim3A_51 = vector.shape_cast %reduce_sum3A_50 : vector<2048xf32> to vector<2048x1xf32>
    %add3A_52 = arith.addf %add3A_46, %broadcast_in_dim3A_51 : vector<2048x1xf32>
    %add3A_53 = arith.addf %add3A_47, %get3A_16 : vector<2048x16xf32>
    %mul3A_54 = arith.mulf %get3A_16, %get3A_16 : vector<2048x16xf32>
    %reduce_sum3A_55 = arith.constant dense<0.000000e+00> : vector<2048xf32>
    %reduce_sum3A_56 = vector.multi_reduction <add>, %mul3A_54, %reduce_sum3A_55 [1] : vector<2048x16xf32> to vector<2048xf32>
    %broadcast_in_dim3A_57 = vector.shape_cast %reduce_sum3A_56 : vector<2048xf32> to vector<2048x1xf32>
    %add3A_58 = arith.addf %add3A_52, %broadcast_in_dim3A_57 : vector<2048x1xf32>
    %add3A_59 = arith.addf %add3A_53, %get3A_19 : vector<2048x16xf32>
    %mul3A_60 = arith.mulf %get3A_19, %get3A_19 : vector<2048x16xf32>
    %reduce_sum3A_61 = arith.constant dense<0.000000e+00> : vector<2048xf32>
    %reduce_sum3A_62 = vector.multi_reduction <add>, %mul3A_60, %reduce_sum3A_61 [1] : vector<2048x16xf32> to vector<2048xf32>
    %broadcast_in_dim3A_63 = vector.shape_cast %reduce_sum3A_62 : vector<2048xf32> to vector<2048x1xf32>
    %add3A_64 = arith.addf %add3A_58, %broadcast_in_dim3A_63 : vector<2048x1xf32>
    %add3A_65 = arith.addf %add3A_59, %get3A_22 : vector<2048x16xf32>
    %mul3A_66 = arith.mulf %get3A_22, %get3A_22 : vector<2048x16xf32>
    %reduce_sum3A_67 = arith.constant dense<0.000000e+00> : vector<2048xf32>
    %reduce_sum3A_68 = vector.multi_reduction <add>, %mul3A_66, %reduce_sum3A_67 [1] : vector<2048x16xf32> to vector<2048xf32>
    %broadcast_in_dim3A_69 = vector.shape_cast %reduce_sum3A_68 : vector<2048xf32> to vector<2048x1xf32>
    %add3A_70 = arith.addf %add3A_64, %broadcast_in_dim3A_69 : vector<2048x1xf32>
    %add3A_71 = arith.addf %add3A_65, %get3A_25 : vector<2048x16xf32>
    %mul3A_72 = arith.mulf %get3A_25, %get3A_25 : vector<2048x16xf32>
    %reduce_sum3A_73 = arith.constant dense<0.000000e+00> : vector<2048xf32>
    %reduce_sum3A_74 = vector.multi_reduction <add>, %mul3A_72, %reduce_sum3A_73 [1] : vector<2048x16xf32> to vector<2048xf32>
    %broadcast_in_dim3A_75 = vector.shape_cast %reduce_sum3A_74 : vector<2048xf32> to vector<2048x1xf32>
    %add3A_76 = arith.addf %add3A_70, %broadcast_in_dim3A_75 : vector<2048x1xf32>
    %mul3A_77 = arith.mulf %add3A_71, %add3A_71 : vector<2048x16xf32>
    %reduce_sum3A_78 = arith.constant dense<0.000000e+00> : vector<2048xf32>
    %reduce_sum3A_79 = vector.multi_reduction <add>, %mul3A_77, %reduce_sum3A_78 [1] : vector<2048x16xf32> to vector<2048xf32>
    %broadcast_in_dim3A_80 = vector.shape_cast %reduce_sum3A_79 : vector<2048xf32> to vector<2048x1xf32>
    %sub3A = arith.subf %broadcast_in_dim3A_80, %add3A_76 : vector<2048x1xf32>
    %mul3A_81 = arith.constant 5.000000e-01 : f32
    %mul3A_82 = vector.broadcast %mul3A_81 : f32 to vector<2048x1xf32>
    %mul3A_83 = arith.mulf %mul3A_82, %sub3A : vector<2048x1xf32>
    %get3A_84 = arith.constant 0 : index
    %get3A_85 = arith.constant 0 : index
    %get3A_86 = vector.load %arg11[%get3A_84, %get3A_85] : memref<2048x1xf32, #tpu.memory_space<vmem>>, vector<2048x1xf32>
    %get3A_87 = arith.constant 0 : index
    %get3A_88 = arith.constant 0 : index
    %get3A_89 = vector.load %arg16[%get3A_87, %get3A_88] : memref<1x3xf32, #tpu.memory_space<vmem>>, vector<1x3xf32>
    %mul3A_90 = vector.broadcast %get3A_89 : vector<1x3xf32> to vector<2048x3xf32>
    %mul3A_91 = arith.mulf %get3A_28, %mul3A_90 : vector<2048x3xf32>
    %reduce_sum3A_92 = arith.constant dense<0.000000e+00> : vector<2048xf32>
    %reduce_sum3A_93 = vector.multi_reduction <add>, %mul3A_91, %reduce_sum3A_92 [1] : vector<2048x3xf32> to vector<2048xf32>
    %broadcast_in_dim3A_94 = vector.shape_cast %reduce_sum3A_93 : vector<2048xf32> to vector<2048x1xf32>
    %add3A_95 = arith.addf %get3A_86, %broadcast_in_dim3A_94 : vector<2048x1xf32>
    %get3A_96 = arith.constant 0 : index
    %get3A_97 = arith.constant 0 : index
    %get3A_98 = vector.load %arg17[%get3A_96, %get3A_97] : memref<1x1xf32, #tpu.memory_space<vmem>>, vector<1x1xf32>
    %add3A_99 = vector.broadcast %get3A_98 : vector<1x1xf32> to vector<2048x1xf32>
    %add3A_100 = arith.addf %add3A_95, %add3A_99 : vector<2048x1xf32>
    %concatenate3A = tpu.concatenate %get3A_1, %get3A_4, %get3A_7, %get3A_10, %get3A_13, %get3A_16, %get3A_19, %get3A_22, %get3A_25, %get3A_28 in 1 : vector<2048x16xf32>, vector<2048x16xf32>, vector<2048x16xf32>, vector<2048x16xf32>, vector<2048x16xf32>, vector<2048x16xf32>, vector<2048x16xf32>, vector<2048x16xf32>, vector<2048x16xf32>, vector<2048x3xf32> -> vector<2048x147xf32>
    %get3A_101 = arith.constant 0 : index
    %get3A_102 = arith.constant 0 : index
    %get3A_103 = vector.load %arg12[%get3A_101, %get3A_102] : memref<64x147xf32, #tpu.memory_space<vmem>>, vector<64x147xf32>
    %dot_general3A = arith.constant dense<0.000000e+00> : vector<2048x64xf32>
    %dot_general3A_104 = tpu.matmul %concatenate3A, %get3A_103, %dot_general3A {dimension_numbers = #tpu.dot_dimension_numbers<[1], [1], [0], [0], [0, 0, 1, 0], [], []>, transpose_lhs_hint = false} : vector<2048x147xf32>, vector<64x147xf32>, vector<2048x64xf32> -> vector<2048x64xf32>
    %get3A_105 = arith.constant 0 : index
    %get3A_106 = arith.constant 0 : index
    %get3A_107 = vector.load %arg13[%get3A_105, %get3A_106] : memref<1x64xf32, #tpu.memory_space<vmem>>, vector<1x64xf32>
    %add3A_108 = vector.broadcast %get3A_107 : vector<1x64xf32> to vector<2048x64xf32>
    %add3A_109 = arith.addf %dot_general3A_104, %add3A_108 : vector<2048x64xf32>
    %max3A = arith.constant 0.000000e+00 : f32
    %max3A_110 = vector.broadcast %max3A : f32 to vector<2048x64xf32>
    %max3A_111 = arith.maximumf %add3A_109, %max3A_110 : vector<2048x64xf32>
    %get3A_112 = arith.constant 0 : index
    %get3A_113 = arith.constant 0 : index
    %get3A_114 = vector.load %arg14[%get3A_112, %get3A_113] : memref<32x64xf32, #tpu.memory_space<vmem>>, vector<32x64xf32>
    %dot_general3A_115 = arith.constant dense<0.000000e+00> : vector<2048x32xf32>
    %dot_general3A_116 = tpu.matmul %max3A_111, %get3A_114, %dot_general3A_115 {dimension_numbers = #tpu.dot_dimension_numbers<[1], [1], [0], [0], [0, 0, 1, 0], [], []>, transpose_lhs_hint = false} : vector<2048x64xf32>, vector<32x64xf32>, vector<2048x32xf32> -> vector<2048x32xf32>
    %get3A_117 = arith.constant 0 : index
    %get3A_118 = arith.constant 0 : index
    %get3A_119 = vector.load %arg15[%get3A_117, %get3A_118] : memref<1x32xf32, #tpu.memory_space<vmem>>, vector<1x32xf32>
    %add3A_120 = vector.broadcast %get3A_119 : vector<1x32xf32> to vector<2048x32xf32>
    %add3A_121 = arith.addf %dot_general3A_116, %add3A_120 : vector<2048x32xf32>
    %max3A_122 = arith.constant 0.000000e+00 : f32
    %max3A_123 = vector.broadcast %max3A_122 : f32 to vector<2048x32xf32>
    %max3A_124 = arith.maximumf %add3A_121, %max3A_123 : vector<2048x32xf32>
    %get3A_125 = arith.constant 0 : index
    %get3A_126 = arith.constant 0 : index
    %get3A_127 = vector.load %arg18[%get3A_125, %get3A_126] : memref<1x34xf32, #tpu.memory_space<vmem>>, vector<1x34xf32>
    %slice3A = vector.extract_strided_slice %get3A_127 {offsets = [0, 0], sizes = [1, 1], strides = [1, 1]} : vector<1x34xf32> to vector<1x1xf32>
    %mul3A_128 = vector.broadcast %slice3A : vector<1x1xf32> to vector<2048x1xf32>
    %mul3A_129 = arith.mulf %mul3A_83, %mul3A_128 : vector<2048x1xf32>
    %slice3A_130 = vector.extract_strided_slice %get3A_127 {offsets = [0, 1], sizes = [1, 1], strides = [1, 1]} : vector<1x34xf32> to vector<1x1xf32>
    %mul3A_131 = vector.broadcast %slice3A_130 : vector<1x1xf32> to vector<2048x1xf32>
    %mul3A_132 = arith.mulf %add3A_100, %mul3A_131 : vector<2048x1xf32>
    %add3A_133 = arith.addf %mul3A_129, %mul3A_132 : vector<2048x1xf32>
    %slice3A_134 = vector.extract_strided_slice %get3A_127 {offsets = [0, 2], sizes = [1, 32], strides = [1, 1]} : vector<1x34xf32> to vector<1x32xf32>
    %mul3A_135 = vector.broadcast %slice3A_134 : vector<1x32xf32> to vector<2048x32xf32>
    %mul3A_136 = arith.mulf %max3A_124, %mul3A_135 : vector<2048x32xf32>
    %reduce_sum3A_137 = arith.constant dense<0.000000e+00> : vector<2048xf32>
    %reduce_sum3A_138 = vector.multi_reduction <add>, %mul3A_136, %reduce_sum3A_137 [1] : vector<2048x32xf32> to vector<2048xf32>
    %broadcast_in_dim3A_139 = vector.shape_cast %reduce_sum3A_138 : vector<2048xf32> to vector<2048x1xf32>
    %add3A_140 = arith.addf %add3A_133, %broadcast_in_dim3A_139 : vector<2048x1xf32>
    %get3A_141 = arith.constant 0 : index
    %get3A_142 = arith.constant 0 : index
    %get3A_143 = vector.load %arg19[%get3A_141, %get3A_142] : memref<1x1xf32, #tpu.memory_space<vmem>>, vector<1x1xf32>
    %add3A_144 = vector.broadcast %get3A_143 : vector<1x1xf32> to vector<2048x1xf32>
    %add3A_145 = arith.addf %add3A_140, %add3A_144 : vector<2048x1xf32>
    %logistic3A = arith.negf %add3A_145 : vector<2048x1xf32>
    %logistic3A_146 = math.exp %logistic3A : vector<2048x1xf32>
    %logistic3A_147 = arith.constant 1.000000e+00 : f32
    %logistic3A_148 = vector.broadcast %logistic3A_147 : f32 to vector<2048x1xf32>
    %logistic3A_149 = arith.addf %logistic3A_148, %logistic3A_146 : vector<2048x1xf32>
    %logistic3A_150 = arith.divf %logistic3A_148, %logistic3A_149 : vector<2048x1xf32>
    %swap3A = arith.constant 0 : index
    %swap3A_151 = arith.constant 0 : index
    %swap3A_152 = vector.load %arg20[%swap3A, %swap3A_151] : memref<2048x1xf32, #tpu.memory_space<vmem>>, vector<2048x1xf32>
    tpu.vector_store %arg20[%swap3A, %swap3A_151], %logistic3A_150 {strides = array<i32>} : memref<2048x1xf32, #tpu.memory_space<vmem>>, vector<2048x1xf32>,
    return
  }
  func.func @transform_0(%arg0: i32) -> (i32, i32) {
    %c0_i32 = arith.constant 0 : i32
    %c0_i32_0 = arith.constant 0 : i32
    return %arg0, %c0_i32 : i32, i32
  }
  func.func @transform_1(%arg0: i32) -> (i32, i32) {
    %c0_i32 = arith.constant 0 : i32
    %c0_i32_0 = arith.constant 0 : i32
    return %arg0, %c0_i32 : i32, i32
  }
  func.func @transform_2(%arg0: i32) -> (i32, i32) {
    %c0_i32 = arith.constant 0 : i32
    %c0_i32_0 = arith.constant 0 : i32
    return %arg0, %c0_i32 : i32, i32
  }
  func.func @transform_3(%arg0: i32) -> (i32, i32) {
    %c0_i32 = arith.constant 0 : i32
    %c0_i32_0 = arith.constant 0 : i32
    return %arg0, %c0_i32 : i32, i32
  }
  func.func @transform_4(%arg0: i32) -> (i32, i32) {
    %c0_i32 = arith.constant 0 : i32
    %c0_i32_0 = arith.constant 0 : i32
    return %arg0, %c0_i32 : i32, i32
  }
  func.func @transform_5(%arg0: i32) -> (i32, i32) {
    %c0_i32 = arith.constant 0 : i32
    %c0_i32_0 = arith.constant 0 : i32
    return %arg0, %c0_i32 : i32, i32
  }
  func.func @transform_6(%arg0: i32) -> (i32, i32) {
    %c0_i32 = arith.constant 0 : i32
    %c0_i32_0 = arith.constant 0 : i32
    return %arg0, %c0_i32 : i32, i32
  }
  func.func @transform_7(%arg0: i32) -> (i32, i32) {
    %c0_i32 = arith.constant 0 : i32
    %c0_i32_0 = arith.constant 0 : i32
    return %arg0, %c0_i32 : i32, i32
  }
  func.func @transform_8(%arg0: i32) -> (i32, i32) {
    %c0_i32 = arith.constant 0 : i32
    %c0_i32_0 = arith.constant 0 : i32
    return %arg0, %c0_i32 : i32, i32
  }
  func.func @transform_9(%arg0: i32) -> (i32, i32) {
    %c0_i32 = arith.constant 0 : i32
    %c0_i32_0 = arith.constant 0 : i32
    return %arg0, %c0_i32 : i32, i32
  }
  func.func @transform_10(%arg0: i32) -> (i32, i32) {
    %c0_i32 = arith.constant 0 : i32
    %c0_i32_0 = arith.constant 0 : i32
    return %arg0, %c0_i32 : i32, i32
  }
  func.func @transform_11(%arg0: i32) -> (i32, i32) {
    %c0_i32 = arith.constant 0 : i32
    %c0_i32_0 = arith.constant 0 : i32
    %c0_i32_1 = arith.constant 0 : i32
    return %c0_i32, %c0_i32_0 : i32, i32
  }
  func.func @transform_12(%arg0: i32) -> (i32, i32) {
    %c0_i32 = arith.constant 0 : i32
    %c0_i32_0 = arith.constant 0 : i32
    %c0_i32_1 = arith.constant 0 : i32
    return %c0_i32, %c0_i32_0 : i32, i32
  }
  func.func @transform_13(%arg0: i32) -> (i32, i32) {
    %c0_i32 = arith.constant 0 : i32
    %c0_i32_0 = arith.constant 0 : i32
    %c0_i32_1 = arith.constant 0 : i32
    return %c0_i32, %c0_i32_0 : i32, i32
  }
  func.func @transform_14(%arg0: i32) -> (i32, i32) {
    %c0_i32 = arith.constant 0 : i32
    %c0_i32_0 = arith.constant 0 : i32
    %c0_i32_1 = arith.constant 0 : i32
    return %c0_i32, %c0_i32_0 : i32, i32
  }
  func.func @transform_15(%arg0: i32) -> (i32, i32) {
    %c0_i32 = arith.constant 0 : i32
    %c0_i32_0 = arith.constant 0 : i32
    %c0_i32_1 = arith.constant 0 : i32
    return %c0_i32, %c0_i32_0 : i32, i32
  }
  func.func @transform_16(%arg0: i32) -> (i32, i32) {
    %c0_i32 = arith.constant 0 : i32
    %c0_i32_0 = arith.constant 0 : i32
    %c0_i32_1 = arith.constant 0 : i32
    return %c0_i32, %c0_i32_0 : i32, i32
  }
  func.func @transform_17(%arg0: i32) -> (i32, i32) {
    %c0_i32 = arith.constant 0 : i32
    %c0_i32_0 = arith.constant 0 : i32
    %c0_i32_1 = arith.constant 0 : i32
    return %c0_i32, %c0_i32_0 : i32, i32
  }
  func.func @transform_18(%arg0: i32) -> (i32, i32) {
    %c0_i32 = arith.constant 0 : i32
    %c0_i32_0 = arith.constant 0 : i32
    %c0_i32_1 = arith.constant 0 : i32
    return %c0_i32, %c0_i32_0 : i32, i32
  }
  func.func @transform_19(%arg0: i32) -> (i32, i32) {
    %c0_i32 = arith.constant 0 : i32
    %c0_i32_0 = arith.constant 0 : i32
    return %arg0, %c0_i32 : i32, i32
  }
}

</mosaic_0001>

<sc_bundles>
// kernel: kernel.4.cloned.1.call-start
scs
__scs_entry_jumppad:
0x0: {  	(pc) =	sbr.rel $0x88, $3  }
0x1: {  	(tag) =	ssettag $0x0;
	lr =	simm.s32 $0x1  }
0x2: {  	[smem:$0x3F7D] =	sst lr;
	_ =	strace $0xD0000000  }
0x3: {  	_ = 	snop  }
0x4: {  	_ = 	snop  }
0x5: {  	_ = 	snop  }
0x6: {  	_ = 	snop  }
0x7: {  	_ = 	snop  }
__scs_overlays_trampoline_lowered:
0x8: {  	[smem:$0x3F8C] =	sst s0  }
0x9: {  	[smem:$0x3F8D] =	sst s1  }
0xa: {  	[smem:$0x3F8E] =	sst s2  }
0xb: {  	[smem:$0x3F8F] =	sst s3  }
0xc: {  	[smem:$0x3F90] =	sst s4  }
0xd: {  	[smem:$0x3F91] =	sst s5  }
0xe: {  	[smem:$0x3F92] =	sst s6  }
0xf: {  	[smem:$0x3F93] =	sst s7  }
0x10: {  	[smem:$0x3F94] =	sst s8  }
0x11: {  	[smem:$0x3F95] =	sst s9;
	s0 =	simm.s32 @!p0 $0x0  }
0x12: {  	s1 =	sld [smem:$0x3F7B];
	s0 =	simm.s32 @p0 $0x1  }
0x13: {  	[smem:$0x3F96] =	sst s0;
	s0 =	simm.s32 @!p1 $0x0  }
0x14: {  	s2 =	sld [smem:$0x3F7A];
	s0 =	simm.s32 @p1 $0x1  }
0x15: {  	[smem:$0x3F97] =	sst s0;
	s0 =	simm.s32 @!p2 $0x0  }
0x16: {  	s3 =	sld [smem:$0x3FDB];
	s0 =	simm.s32 @p2 $0x1  }
0x17: {  	s4 =	simm.s32 $0x1BF5;
	[smem:$0x3F99] =	sst s0  }
0x18: {  	s0 =	sld [smem:$0x3F7C];
	_ =	swait.ge [sflag:s4], $0x0  }
0x19: {  	s7 =	sld [smem:$0x3F7D]  }
0x1a: {  	s8 =	sadd.s32 $0xFFFFE003, lr  }
0x1b: {  	s9 =	sadd.s32 $0xFFFFFEF7, lr;
	s5 =	simm.s32 $0xFFFFFFFF;
	p2 =	slt.u32 s8, $0xFFFFF086  }
0x1c: {  	p1 =	slt.u32 s9, $0xF7A;
	s5 =	simm.s32 @!p2 $0x0  }
0x1d: {  	s5 =	simm.s32 @p1 $0x1;
	p0 =	seq.s32 s7, s2  }
0x1e: {  	s7 =	smul.u32 @!p0 $0xF7A, s2;
	p2 =	seq.s32 @!p0 s5, $0x0  }
0x1f: {  	s9 =	smul.u32 $0xF7A, s1;
	s8 =	simm.s32 @!p0 $0x1BF5;
	p2 =	por !p2, p0  }
0x20: {  	[sflag:s8] =	ssyncset.s32 @!p0 $0xFFFFF086;
	s6 =	sadd.s32 @!p0 s3, s7;
	s7 =	simm.s32 @!p0 $0x108  }
0x21: {  	s3 =	sadd.s32 s3, s9;
	s6 =	sadd.s32 @!p0 $0x88, s6;
	s7 =	simm.s32 @p2 $0x1082  }
0x22: {  	[simem:s7], [sflag:s8] =	dma.local @!p0 [hbm:s6], $0xF7A  }
0x23: {  	s9 =	sor.u32 $0xD0000000, s2;
	s6 =	simm.s32 $0x108;
	_ =	swait.ge @!p0 [sflag:s8], $0x0  }
0x24: {  	s3 =	sadd.s32 $0x88, s3;
	s6 =	simm.s32 @!p1 $0x1082;
	[sflag:s4] =	ssyncset.s32 $0xFFFFF086  }
0x25: {  	[simem:s6], [sflag:s4] =	dma.local [hbm:s3], $0xF7A  }
0x26: {  	[smem:$0x3F7D] =	sst s1;
	(tag) =	ssettag s2;
	_ =	strace s9  }
0x27: {  	s1 =	sld [smem:$0x3F8D]  }
0x28: {  	s2 =	sld [smem:$0x3F8E]  }
0x29: {  	s4 =	sld [smem:$0x3F90]  }
0x2a: {  	p0 =	seq.s32 s5, $0x0;
	s5 =	sld [smem:$0x3F91]  }
0x2b: {  	s6 =	sld [smem:$0x3F92]  }
0x2c: {  	s7 =	sld [smem:$0x3F93]  }
0x2d: {  	s3 =	simm.s32 $0x108;
	s8 =	sld [smem:$0x3F94]  }
0x2e: {  	s3 =	simm.s32 @!p0 $0x1082;
	s9 =	sld [smem:$0x3F95]  }
0x2f: {  	lr =	sadd.s32 s0, s3;
	s0 =	sld [smem:$0x3F8C]  }
0x30: {  	s3 =	sld [smem:$0x3F8F]  }
0x31: {  	[smem:$0x3F98] =	sst s10  }
0x32: {  	s10 =	sld [smem:$0x3F96];
	_ =	sdelay $0x3  }
0x33: {  	p0 =	seq.s32 s10, $0x1;
	s10 =	sld [smem:$0x3F98];
	_ =	sdelay $0x3  }
0x34: {  	[smem:$0x3F98] =	sst s10  }
0x35: {  	s10 =	sld [smem:$0x3F97];
	_ =	sdelay $0x3  }
0x36: {  	p1 =	seq.s32 s10, $0x1;
	s10 =	sld [smem:$0x3F98];
	_ =	sdelay $0x3  }
0x37: {  	[smem:$0x3F98] =	sst s10  }
0x38: {  	s10 =	sld [smem:$0x3F99]  }
0x39: {  	_ = 	snop;
	(pc) =	sbr.ind lr, $3  }
0x3a: {  	_ = 	snop  }
0x3b: {  	_ = 	snop  }
0x3c: {  	p2 =	seq.s32 s10, $0x1;
	s10 =	sld [smem:$0x3F98]  }
0x3d: {  	_ =	shalt  }
0x3e: {  	_ =	shalt  }
0x3f: {  	_ =	shalt  }
0x40: {  	_ =	shalt  }
0x41: {  	_ =	shalt  }
0x42: {  	_ =	shalt  }
0x43: {  	_ =	shalt  }
0x44: {  	_ =	shalt  }
0x45: {  	_ =	shalt  }
0x46: {  	_ =	shalt  }
0x47: {  	_ =	shalt  }
0x48: {  	_ =	shalt  }
0x49: {  	_ =	shalt  }
0x4a: {  	_ =	shalt  }
0x4b: {  	_ =	shalt  }
0x4c: {  	_ =	shalt  }
0x4d: {  	_ =	shalt  }
0x4e: {  	_ =	shalt  }
0x4f: {  	_ =	shalt  }
0x50: {  	_ =	shalt  }
0x51: {  	_ =	shalt  }
0x52: {  	_ =	shalt  }
0x53: {  	_ =	shalt  }
0x54: {  	_ =	shalt  }
0x55: {  	_ =	shalt  }
0x56: {  	_ =	shalt  }
0x57: {  	_ =	shalt  }
0x58: {  	_ =	shalt  }
0x59: {  	_ =	shalt  }
0x5a: {  	_ =	shalt  }
0x5b: {  	_ =	shalt  }
0x5c: {  	_ =	shalt  }
0x5d: {  	_ =	shalt  }
0x5e: {  	_ =	shalt  }
0x5f: {  	_ =	shalt  }
0x60: {  	_ =	shalt  }
0x61: {  	_ =	shalt  }
0x62: {  	_ =	shalt  }
0x63: {  	_ =	shalt  }
0x64: {  	_ =	shalt  }
0x65: {  	_ =	shalt  }
0x66: {  	_ =	shalt  }
0x67: {  	_ =	shalt  }
0x68: {  	_ =	shalt  }
0x69: {  	_ =	shalt  }
0x6a: {  	_ =	shalt  }
0x6b: {  	_ =	shalt  }
0x6c: {  	_ =	shalt  }
0x6d: {  	_ =	shalt  }
0x6e: {  	_ =	shalt  }
0x6f: {  	_ =	shalt  }
0x70: {  	_ =	shalt  }
0x71: {  	_ =	shalt  }
0x72: {  	_ =	shalt  }
0x73: {  	_ =	shalt  }
0x74: {  	_ =	shalt  }
0x75: {  	_ =	shalt  }
0x76: {  	_ =	shalt  }
0x77: {  	_ =	shalt  }
0x78: {  	_ =	shalt  }
0x79: {  	_ =	shalt  }
0x7a: {  	_ =	shalt  }
0x7b: {  	_ =	shalt  }
0x7c: {  	_ =	shalt  }
0x7d: {  	_ =	shalt  }
0x7e: {  	_ =	shalt  }
0x7f: {  	_ =	shalt  }
0x80: {  	_ =	shalt  }
0x81: {  	_ =	shalt  }
0x82: {  	_ =	shalt  }
0x83: {  	_ =	shalt  }
0x84: {  	_ =	shalt  }
0x85: {  	_ =	shalt  }
0x86: {  	_ =	shalt  }
0x87: {  	_ =	shalt  }
.Lfunc_end0:
.L_simem_size_0:
called_computation_lowered:
.L_overlay_start_0:
0x88: {  	s2 =	sld [smem:$0x3FD9]  }
0x89: {  	s3 =	sld [smem:$0x3FFE];
	_ =	sdelay $0x1  }
0x8a: {  	s1 =	srdreg.scid  }
0x8b: {  	s0 =	sand.u32 $0x1, s1  }
0x8c: {  	s17 =	sshll.u32 s0, $0xA;
	s2 =	sadd.s32 s3, s2  }
0x8d: {  	s2 =	sadd.s32 s2, s17  }
0x8e: {  	[smem:$0x3FA4] =	sst s2  }
0x8f: {  	_ = 	snop  }
0x90: {  	s2 =	sld [smem:$0x3FC9]  }
0x91: {  	s18 =	sld [smem:$0x3FC8]  }
0x92: {  	s4 =	sld [smem:$0x3FC7]  }
0x93: {  	s5 =	sld [smem:$0x3FC6]  }
0x94: {  	s6 =	sld [smem:$0x3FC5]  }
0x95: {  	s7 =	sld [smem:$0x3FC4]  }
0x96: {  	s8 =	sld [smem:$0x3FC3]  }
0x97: {  	s9 =	sld [smem:$0x3FC2]  }
0x98: {  	s10 =	sld [smem:$0x3FC1]  }
0x99: {  	s11 =	sld [smem:$0x3FD0];
	(tm) =	ssettm $0x1  }
0x9a: {  	s12 =	sld [smem:$0x3FFB];
	_ =	sdelay $0x3  }
0x9b: {  	_ =	strace s12  }
0x9c: {  	s12 =	sld [smem:$0x3FFC];
	_ =	sdelay $0x3  }
0x9d: {  	_ =	strace s12  }
0x9e: {  	s12 =	sld [smem:$0x3FFD];
	_ =	sdelay $0x3  }
0x9f: {  	_ =	strace s12  }
0xa0: {  	_ =	strace $0x8FFFFFFF  }
0xa1: {  	s19 =	sld [smem:$0x3FDB];
	_ =	sdelay $0x1  }
0xa2: {  	s13 =	simm.s32 $_scs_section_size  }
0xa3: {  	s14 =	simm.s32 $_size__tile_overlayer_lowered;
	s15 =	simm.s32 $_tile_overlayer_lowered  }
0xa4: {  	s22 =	simm.s32 $0x1BFF;
	s21 =	sshll.u32 s15, $0x1;
	s12 =	sadd.s32 s13, s19  }
0xa5: {  	s16 =	simm.s32 $0x0;
	s20 =	sshll.u32 s14, $0x1;
	s14 =	sadd.s32 s21, s12  }
0xa6: {  	[timem:s16], [sflag:s22] =	dma.local [hbm:s14], s20  }
0xa7: {  	_ =	swait.ge [sflag:s22], s20  }
0xa8: {  	s13 =	ssub.s32 $0x0, s20;
	[sflag:s22] =	ssyncset.done $0x0  }
0xa9: {  	[sflag:s22] =	ssyncadd.s32 s13;
	_ =	sdelay $0x1  }
0xaa: {  	s23 =	simm.s32 $0x1B8B  }
0xab: {  	_ =	swait.ge [sflag:s23], $0x1  }
0xac: {  	[sflag:s23] =	ssyncset.done $0x0  }
0xad: {  	s25 =	simm.s32 $0x1B8E;
	s24 =	sld [smem:$0x3FFE];
	[sflag:s23] =	ssyncadd.s32 $0xFFFFFFFF  }
0xae: {  	s26 =	simm.s32 $execute0_lowered;
	[smem:$0x3FD2] =	sst s25  }
0xaf: {  	s14 =	sshll.u32 s26, $0x1;
	_ =	strace $0x80000046;
	[dreg:$0x1] =	wrdreg $0xFFFFFFFF  }
0xb0: {  	s28 =	simm.s32 $_size_execute0_lowered;
	s12 =	sadd.s32 s12, s14;
	[dreg:$0x0] =	wrdreg $0x0  }
0xb1: {  	s14 =	sshll.u32 s28, $0x1;
	[dreg:$0x2] =	wrdreg s12  }
0xb2: {  	[dreg:$0x3] =	wrdreg s14  }
0xb3: {  	[dreg:$0x4] =	wrdreg $0xC0  }
0xb4: {  	_ =	task [dreg:s16], $0x5FFFF  }
0xb5: {  	[dreg:$0x1] =	wrdreg $0xFFFFFFFF  }
0xb6: {  	[dreg:$0x0] =	wrdreg $0x60  }
0xb7: {  	[dreg:$0x2] =	wrdreg s2  }
0xb8: {  	[dreg:$0x3] =	wrdreg s18  }
0xb9: {  	[dreg:$0x4] =	wrdreg s4  }
0xba: {  	[dreg:$0x5] =	wrdreg s5  }
0xbb: {  	[dreg:$0x6] =	wrdreg s6  }
0xbc: {  	[dreg:$0x7] =	wrdreg s7  }
0xbd: {  	[dreg:$0x8] =	wrdreg s8  }
0xbe: {  	[dreg:$0x9] =	wrdreg s9  }
0xbf: {  	[dreg:$0xa] =	wrdreg s10  }
0xc0: {  	[dreg:$0xb] =	wrdreg s24  }
0xc1: {  	[dreg:$0xc] =	wrdreg s11  }
0xc2: {  	[dreg:$0xd] =	wrdreg $0x9  }
0xc3: {  	_ =	task.clear_ibuf [dreg:s16], $0xEFFFF;
	_ =	strace $0x90000046  }
0xc4: {  	s29 =	simm.s32 $0x9;
	_ =	strace $0x80000048  }
0xc5: {  	_ =	swait.ge [sflag:s29], $0x1  }
0xc6: {  	[sflag:s29] =	ssyncadd.s32 $0xFFFFFFFF  }
0xc7: {  	_ =	strace $0x90000048  }
0xc8: {  	_ =	sfence  }
0xc9: {  	s30 =	sld [smem:$0x0];
	_ =	sdelay $0x2  }
0xca: {  	s31 =	sshll.u32 s1, $0xD;
	s1 =	sshrl.u32 s1, $0x2  }
0xcb: {  	s3 =	sand.u32 $0x4000, s31;
	s1 =	sadd.s32 s1, s30  }
0xcc: {  	s0 =	sor.u32 s3, s0;
	s1 =	sshll.u32 s1, $0x11  }
0xcd: {  	s0 =	sor.u32 s1, s0  }
0xce: {  	s0 =	sadd.s32 $0x8F2B, s0  }
0xcf: {  	[sflag:s0] =	ssyncadd.remote.s32 $0x1  }
0xd0: {  	_ =	sfence.sel $0xFFFF  }
0xd1: {  	[dreg:$0x0] =	wrdreg $0xFFFFFFFF;
	(pc) =	sbr.abs _section_cstart, $3  }
0xd2: {  	[dreg:$0x1] =	wrdreg $0xFFFFFFFF  }
0xd3: {  	_ =	task.clear_ibuf [dreg:s16], $0x2FFFF;
	_ =	strace $0x9FFFFFFF  }
0xd4: {  	(tm) =	ssettm $0x7FFFFFFF  }
0xd5: {  	_ =	shalt  }
tec
execute0_lowered:
.L_overlay_start_1:
0x0: {  	(tag) =	ssettag $0x1  }
0x1: {  	s1 =	rddreg [dreg:$0x0]  }
0x2: {  	s3 =	rddreg [dreg:$0x1]  }
0x3: {  	s4 =	rddreg [dreg:$0x2]  }
0x4: {  	s5 =	rddreg [dreg:$0x3]  }
0x5: {  	s6 =	rddreg [dreg:$0x4]  }
0x6: {  	s7 =	rddreg [dreg:$0x5]  }
0x7: {  	s8 =	rddreg [dreg:$0x6]  }
0x8: {  	s9 =	rddreg [dreg:$0x7]  }
0x9: {  	s10 =	rddreg [dreg:$0x8]  }
0xa: {  	s2 =	srdreg.scid;
	s11 =	rddreg [dreg:$0x9]  }
0xb: {  	s0 =	stileid.u32;
	s13 =	rddreg [dreg:$0xa]  }
0xc: {  	s28 =	simm.s32 $0xD200;
	s29 =	simm.s32 $0xF200;
	s12 =	sand.u32 $0x1, s2  }
0xd: {  	s30 =	simm.s32 $0x11200;
	s14 =	sshll.u32 s0, $0xA;
	s15 =	sshll.u32 s12, $0x9  }
0xe: {  	s31 =	simm.s32 $0x14400;
	s2 =	simm.s32 $0x0;
	s14 =	sor.u32 s15, s14  }
0xf: {  	[smem:$0x7FF] =	sst s2;
	s22 =	ssub.s32 $0x2, s12;
	s15 =	sshrl.u32 s14, $0x3  }
0x10: {  	_ =	strace $0x80000047;
	s24 =	sshrl.u32 s22, $0x1;
	s1 =	sadd.s32 s1, s15  }
0x11: {  	s19 =	sshll.u32 s14, $0x1;
	s3 =	sadd.s32 s3, s15;
	[dreg:$0xc] =	wrdreg s1  }
0x12: {  	s12 =	ssub.s32 s22, s24;
	s4 =	sadd.s32 s4, s15;
	[dreg:$0xd] =	wrdreg s3  }
0x13: {  	s14 =	simm.s32 $0x400;
	s16 =	sadd.s32 s5, s15;
	[dreg:$0xe] =	wrdreg s4  }
0x14: {  	s22 =	simm.s32 $0x3200;
	s17 =	sadd.s32 s6, s15;
	[dreg:$0xf] =	wrdreg s16  }
0x15: {  	s24 =	simm.s32 $0x7200;
	s18 =	sadd.s32 s7, s15;
	[dreg:$0x10] =	wrdreg s17  }
0x16: {  	s20 =	sadd.s32 s8, s15;
	s11 =	sadd.s32 s19, s11;
	[dreg:$0x11] =	wrdreg s18  }
0x17: {  	s21 =	sadd.s32 s9, s15;
	s23 =	sadd.s32 s10, s15;
	[dreg:$0x12] =	wrdreg s20  }
0x18: {  	s10 =	sadd.s32 s13, s15;
	s15 =	simm.s32 $0x600;
	[dreg:$0x13] =	wrdreg s21  }
0x19: {  	s19 =	simm.s32 $0xE00;
	[dreg:$0x14] =	wrdreg s23;
	s25 =	sadd.s32 $0x80E00, s11  }
0x1a: {  	s26 =	sadd.s32 $0x78E00, s11;
	s3 =	sadd.s32 $0x70E00, s11;
	s4 =	sadd.s32 $0x68E00, s11  }
0x1b: {  	s5 =	sadd.s32 $0x60E00, s11;
	s6 =	sadd.s32 $0x58E00, s11;
	s7 =	sadd.s32 $0x50E00, s11  }
0x1c: {  	s8 =	sadd.s32 $0x48E00, s11;
	s9 =	sadd.s32 $0x40E00, s11;
	s11 =	smax.u32 s12, $0x1  }
0x1d: {  	s12 =	simm.s32 $0x2;
	s16 =	simm.s32 $0x800;
	s17 =	simm.s32 $0xA00  }
0x1e: {  	s18 =	simm.s32 $0xC00;
	s20 =	simm.s32 $0x1000;
	s21 =	simm.s32 $0x1200  }
0x1f: {  	s23 =	simm.s32 $0x5200;
	s1 =	simm.s32 $0x1;
	[dreg:$0x15] =	wrdreg s25  }
0x20: {  	[dreg:$0x16] =	wrdreg s26;
	s25 =	simm.s32 $0x9200;
	s26 =	simm.s32 $0xB200  }
.LBB2_1:
0x21: {  	s0 =	rddreg [dreg:$0xc]  }
0x22: {  	[tilespmem:s2], [sflag:$0x2] =	stream.linear.gather [hbm4b:s0+s2], $0x200, $0x38;
	[tilespmem:$0x14600] =	vst v63  }
0x23: {  	_ =	swait.ge [sflag:s12], $0x200  }
0x24: {  	[sflag:s12] =	ssyncset.done $0x0  }
0x25: {  	s13 =	simm.s32 $0x200;
	s0 =	rddreg [dreg:$0xd];
	[sflag:s12] =	ssyncadd.s32 $0xFFFFFE00  }
0x26: {  	[tilespmem:s13], [sflag:$0x2] =	stream.linear.gather [hbm4b:s0+s2], $0x200, $0x38;
	[tilespmem:$0x14600] =	vst v63  }
0x27: {  	_ =	swait.ge [sflag:s12], $0x200  }
0x28: {  	[sflag:s12] =	ssyncset.done $0x0  }
0x29: {  	s13 =	rddreg [dreg:$0xe];
	[sflag:s12] =	ssyncadd.s32 $0xFFFFFE00  }
0x2a: {  	[tilespmem:s14], [sflag:$0x2] =	stream.linear.gather [hbm4b:s13+s2], $0x200, $0x38;
	[tilespmem:$0x14600] =	vst v63  }
0x2b: {  	_ =	swait.ge [sflag:s12], $0x200  }
0x2c: {  	[sflag:s12] =	ssyncset.done $0x0  }
0x2d: {  	s13 =	rddreg [dreg:$0xf];
	[sflag:s12] =	ssyncadd.s32 $0xFFFFFE00  }
0x2e: {  	[tilespmem:s15], [sflag:$0x2] =	stream.linear.gather [hbm4b:s13+s2], $0x200, $0x38;
	[tilespmem:$0x14600] =	vst v63  }
0x2f: {  	_ =	swait.ge [sflag:s12], $0x200  }
0x30: {  	[sflag:s12] =	ssyncset.done $0x0  }
0x31: {  	s13 =	rddreg [dreg:$0x10];
	[sflag:s12] =	ssyncadd.s32 $0xFFFFFE00  }
0x32: {  	[tilespmem:s16], [sflag:$0x2] =	stream.linear.gather [hbm4b:s13+s2], $0x200, $0x38;
	[tilespmem:$0x14600] =	vst v63  }
0x33: {  	_ =	swait.ge [sflag:s12], $0x200  }
0x34: {  	[sflag:s12] =	ssyncset.done $0x0  }
0x35: {  	s13 =	rddreg [dreg:$0x11];
	[sflag:s12] =	ssyncadd.s32 $0xFFFFFE00  }
0x36: {  	[tilespmem:s17], [sflag:$0x2] =	stream.linear.gather [hbm4b:s13+s2], $0x200, $0x38;
	[tilespmem:$0x14600] =	vst v63  }
0x37: {  	_ =	swait.ge [sflag:s12], $0x200  }
0x38: {  	[sflag:s12] =	ssyncset.done $0x0  }
0x39: {  	s13 =	rddreg [dreg:$0x12];
	[sflag:s12] =	ssyncadd.s32 $0xFFFFFE00  }
0x3a: {  	[tilespmem:s18], [sflag:$0x2] =	stream.linear.gather [hbm4b:s13+s2], $0x200, $0x38;
	[tilespmem:$0x14600] =	vst v63  }
0x3b: {  	_ =	swait.ge [sflag:s12], $0x200  }
0x3c: {  	[sflag:s12] =	ssyncset.done $0x0  }
0x3d: {  	s13 =	rddreg [dreg:$0x13];
	[sflag:s12] =	ssyncadd.s32 $0xFFFFFE00  }
0x3e: {  	[tilespmem:s19], [sflag:$0x2] =	stream.linear.gather [hbm4b:s13+s2], $0x200, $0x38;
	[tilespmem:$0x14600] =	vst v63  }
0x3f: {  	_ =	swait.ge [sflag:s12], $0x200  }
0x40: {  	[sflag:s12] =	ssyncset.done $0x0  }
0x41: {  	s13 =	rddreg [dreg:$0x14];
	[sflag:s12] =	ssyncadd.s32 $0xFFFFFE00  }
0x42: {  	[tilespmem:s20], [sflag:$0x2] =	stream.linear.gather [hbm4b:s13+s2], $0x200, $0x38;
	[tilespmem:$0x14600] =	vst v63  }
0x43: {  	_ =	swait.ge [sflag:s12], $0x200  }
0x44: {  	[sflag:s12] =	ssyncset.done $0x0  }
0x45: {  	s0 =	rddreg [dreg:$0x15];
	[sflag:s12] =	ssyncadd.s32 $0xFFFFFE00  }
0x46: {  	[hbm4b:s0+s2] =	stream.linear.scatter [tilespmem:s21], [sflag:$0x1], $0x2000, $0x38;
	[tilespmem:$0x14600] =	vst v63  }
0x47: {  	s13 =	rddreg [dreg:$0x16]  }
0x48: {  	[hbm4b:s13+s2] =	stream.linear.scatter [tilespmem:s22], [sflag:$0x1], $0x2000, $0x38;
	[tilespmem:$0x14600] =	vst v63  }
0x49: {  	_ = 	snop  }
0x4a: {  	[hbm4b:s3+s2] =	stream.linear.scatter [tilespmem:s23], [sflag:$0x1], $0x2000, $0x38;
	[tilespmem:$0x14600] =	vst v63  }
0x4b: {  	_ = 	snop  }
0x4c: {  	[hbm4b:s4+s2] =	stream.linear.scatter [tilespmem:s24], [sflag:$0x1], $0x2000, $0x38;
	[tilespmem:$0x14600] =	vst v63  }
0x4d: {  	_ = 	snop  }
0x4e: {  	[hbm4b:s5+s2] =	stream.linear.scatter [tilespmem:s25], [sflag:$0x1], $0x2000, $0x38;
	[tilespmem:$0x14600] =	vst v63  }
0x4f: {  	_ = 	snop  }
0x50: {  	[hbm4b:s6+s2] =	stream.linear.scatter [tilespmem:s26], [sflag:$0x1], $0x2000, $0x38;
	[tilespmem:$0x14600] =	vst v63  }
0x51: {  	_ = 	snop  }
0x52: {  	[hbm4b:s7+s2] =	stream.linear.scatter [tilespmem:s28], [sflag:$0x1], $0x2000, $0x38;
	[tilespmem:$0x14600] =	vst v63  }
0x53: {  	_ = 	snop  }
0x54: {  	[hbm4b:s8+s2] =	stream.linear.scatter [tilespmem:s29], [sflag:$0x1], $0x2000, $0x38;
	[tilespmem:$0x14600] =	vst v63  }
0x55: {  	_ = 	snop  }
0x56: {  	[hbm4b:s9+s2] =	stream.linear.scatter [tilespmem:s30], [sflag:$0x1], $0x2000, $0x38;
	[tilespmem:$0x14600] =	vst v63  }
0x57: {  	v18 =	vld [tilespmem:$0x13200]  }
0x58: {  	v16 =	vld [tilespmem:$0x13400]  }
0x59: {  	v22 =	vld [tilespmem:$0x13600]  }
0x5a: {  	v32 =	vld [tilespmem:$0x13800]  }
0x5b: {  	v43 =	vld [tilespmem:$0x13A00]  }
0x5c: {  	v48 =	vld [tilespmem:$0x13C00]  }
0x5d: {  	v0 =	vld [tilespmem:$0x13E00]  }
0x5e: {  	v20 =	vld [tilespmem:$0x14000]  }
0x5f: {  	v21 =	vld [tilespmem:$0x14200]  }
0x60: {  	v10 =	vld [tilespmem:$0x13210]  }
0x61: {  	v8 =	vld [tilespmem:$0x13410]  }
0x62: {  	v12 =	vld [tilespmem:$0x13610]  }
0x63: {  	v31 =	vld [tilespmem:$0x13A10]  }
0x64: {  	v42 =	vld [tilespmem:$0x13C10]  }
0x65: {  	v54 =	vld [tilespmem:$0x13E10]  }
0x66: {  	v23 =	vld [tilespmem:$0x14010]  }
0x67: {  	v24 =	vld [tilespmem:$0x14210]  }
0x68: {  	v4 =	vld [tilespmem:$0x13220]  }
0x69: {  	v3 =	vld [tilespmem:$0x13420]  }
0x6a: {  	v6 =	vld [tilespmem:$0x13620]  }
0x6b: {  	v13 =	vld [tilespmem:$0x13820]  }
0x6c: {  	v29 =	vld [tilespmem:$0x13C20]  }
0x6d: {  	v41 =	vld [tilespmem:$0x13E20]  }
0x6e: {  	v55 =	vld [tilespmem:$0x14020]  }
0x6f: {  	v25 =	vld [tilespmem:$0x14220]  }
0x70: {  	v1 =	vld [tilespmem:$0x13230]  }
0x71: {  	v2 =	vld [tilespmem:$0x13630]  }
0x72: {  	v5 =	vld [tilespmem:$0x13830]  }
0x73: {  	v11 =	vld [tilespmem:$0x13A30]  }
0x74: {  	v19 =	vld [tilespmem:$0x13C30]  }
0x75: {  	v28 =	vld [tilespmem:$0x13E30]  }
0x76: {  	v39 =	vld [tilespmem:$0x14030]  }
0x77: {  	v50 =	vld [tilespmem:$0x14230]  }
0x78: {  	v40 =	vld [tilespmem:$0x13240]  }
0x79: {  	v37 =	vld [tilespmem:$0x13440]  }
0x7a: {  	v49 =	vld [tilespmem:$0x13640]  }
0x7b: {  	v7 =	vld [tilespmem:$0x13840]  }
0x7c: {  	v26 =	vld [tilespmem:$0x13A40]  }
0x7d: {  	v27 =	vld [tilespmem:$0x13C40]  }
0x7e: {  	v30 =	vld [tilespmem:$0x13E40]  }
0x7f: {  	v33 =	vld [tilespmem:$0x14040]  }
0x80: {  	v34 =	vld [tilespmem:$0x14240]  }
0x81: {  	v47 =	vld [tilespmem:$0x13850]  }
0x82: {  	v61 =	vld [tilespmem:$0x13A50]  }
0x83: {  	v35 =	vld [tilespmem:$0x13C50]  }
0x84: {  	v36 =	vld [tilespmem:$0x13E50]  }
0x85: {  	v38 =	vld [tilespmem:$0x14050]  }
0x86: {  	v44 =	vld [tilespmem:$0x14250]  }
0x87: {  	v17 =	vld [tilespmem:$0x13260]  }
0x88: {  	v15 =	vld [tilespmem:$0x13460]  }
0x89: {  	v46 =	vld [tilespmem:$0x13A60]  }
0x8a: {  	v60 =	vld [tilespmem:$0x13C60];
	[tilespmem:$0x1F7F0] =	vst v0  }
0x8b: {  	v45 =	vld [tilespmem:$0x13E60];
	[tilespmem:$0x1F800] =	vst v20  }
0x8c: {  	v51 =	vld [tilespmem:$0x14060];
	[tilespmem:$0x1F820] =	vst v21  }
0x8d: {  	v52 =	vld [tilespmem:$0x14260];
	[tilespmem:$0x1F810] =	vst v23  }
0x8e: {  	v9 =	vld [tilespmem:$0x13270];
	[tilespmem:$0x1F830] =	vst v24  }
0x8f: {  	v14 =	vld [tilespmem:$0x13670];
	[tilespmem:$0x1F840] =	vst v25  }
0x90: {  	v58 =	vld [tilespmem:$0x13E70];
	[tilespmem:$0x1F850] =	vst v7  }
0x91: {  	v53 =	vld [tilespmem:$0x14270];
	[tilespmem:$0x1F860] =	vst v26  }
0x92: {  	v56 =	vld [tilespmem:$0x13280];
	[tilespmem:$0x1F870] =	vst v27  }
0x93: {  	v57 =	vld [tilespmem:$0x13480];
	[tilespmem:$0x1F890] =	vst v30  }
0x94: {  	v59 =	vld [tilespmem:$0x13680];
	[tilespmem:$0x1F8B0] =	vst v33  }
0x95: {  	v20 =	vld [tilespmem:$0x13810];
	[tilespmem:$0x1F8E0] =	vst v34  }
0x96: {  	v21 =	vld [tilespmem:$0x13A20];
	[tilespmem:$0x1F880] =	vst v35  }
0x97: {  	v0 =	vld [tilespmem:$0x13430];
	[tilespmem:$0x1F8A0] =	vst v36  }
0x98: {  	v27 =	vld [tilespmem:$0x13250];
	[tilespmem:$0x1F8D0] =	vst v38  }
0x99: {  	v25 =	vld [tilespmem:$0x13450];
	[tilespmem:$0x1F900] =	vst v44  }
0x9a: {  	v34 =	vld [tilespmem:$0x13650];
	[tilespmem:$0x1F8C0] =	vst v45  }
0x9b: {  	v24 =	vld [tilespmem:$0x13660];
	[tilespmem:$0x1F8F0] =	vst v51  }
0x9c: {  	[tilespmem:$0x1F920] =	vst v52;
	v26 =	vld [tilespmem:$0x14070]  }
0x9d: {  	v35 =	vld [tilespmem:$0x13860];
	[tilespmem:$0x1F950] =	vst v53  }
0x9e: {  	v7 =	vld [tilespmem:$0x13470];
	[tilespmem:$0x1F930] =	vst v56  }
0x9f: {  	v23 =	vld [tilespmem:$0x13870];
	[tilespmem:$0x1F940] =	vst v57  }
0xa0: {  	v33 =	vld [tilespmem:$0x13A70];
	[tilespmem:$0x1F960] =	vst v59  }
0xa1: {  	v45 =	vld [tilespmem:$0x13C70];
	[tilespmem:$0x1F910] =	vst v26  }
0xa2: {  	v26 =	vld [tilespmem:$0x13880]  }
0xa3: {  	v63 =	vld [tilespmem:$0x13C80];
	_ =	sdelay $0x4  }
0xa4: {  	[tilespmem:$0x1F9D0] =	vst v63;
	v63 =	vld [tilespmem:$0x14290];
	_ =	sdelay $0x4  }
0xa5: {  	[tilespmem:$0x1FAA0] =	vst v63;
	v63 =	vld [tilespmem:$0x13EB0];
	_ =	sdelay $0x4  }
0xa6: {  	[tilespmem:$0x1FA70] =	vst v63;
	v63 =	vld [tilespmem:$0x140B0];
	_ =	sdelay $0x4  }
0xa7: {  	[tilespmem:$0x1FAB0] =	vst v63;
	v63 =	vld [tilespmem:$0x142B0];
	_ =	sdelay $0x4  }
0xa8: {  	[tilespmem:$0x1FAF0] =	vst v63;
	v63 =	vld [tilespmem:$0x132C0];
	_ =	sdelay $0x4  }
0xa9: {  	[tilespmem:$0x1FAD0] =	vst v63;
	v63 =	vld [tilespmem:$0x134C0];
	_ =	sdelay $0x4  }
0xaa: {  	[tilespmem:$0x1FAE0] =	vst v63;
	v63 =	vld [tilespmem:$0x136C0];
	_ =	sdelay $0x4  }
0xab: {  	[tilespmem:$0x1FB20] =	vst v63;
	v63 =	vld [tilespmem:$0x138C0];
	_ =	sdelay $0x4  }
0xac: {  	[tilespmem:$0x1FB60] =	vst v63;
	v63 =	vld [tilespmem:$0x13AC0];
	_ =	sdelay $0x4  }
0xad: {  	[tilespmem:$0x1FBA0] =	vst v63;
	v63 =	vld [tilespmem:$0x13CC0];
	_ =	sdelay $0x4  }
0xae: {  	[tilespmem:$0x1FBE0] =	vst v63;
	v63 =	vld [tilespmem:$0x13EC0];
	_ =	sdelay $0x4  }
0xaf: {  	[tilespmem:$0x1FC20] =	vst v63;
	v63 =	vld [tilespmem:$0x140C0];
	_ =	sdelay $0x4  }
0xb0: {  	[tilespmem:$0x1FC60] =	vst v63;
	v63 =	vld [tilespmem:$0x142C0];
	_ =	sdelay $0x4  }
0xb1: {  	[tilespmem:$0x1FCA0] =	vst v63;
	v63 =	vld [tilespmem:$0x132D0];
	_ =	sdelay $0x4  }
0xb2: {  	[tilespmem:$0x1FB00] =	vst v63;
	v63 =	vld [tilespmem:$0x134D0];
	_ =	sdelay $0x4  }
0xb3: {  	[tilespmem:$0x1FB10] =	vst v63;
	v63 =	vld [tilespmem:$0x136D0];
	_ =	sdelay $0x4  }
0xb4: {  	[tilespmem:$0x1FB50] =	vst v63;
	v63 =	vld [tilespmem:$0x138D0];
	_ =	sdelay $0x4  }
0xb5: {  	[tilespmem:$0x1FB80] =	vst v63;
	v63 =	vld [tilespmem:$0x13AD0];
	_ =	sdelay $0x4  }
0xb6: {  	[tilespmem:$0x1FBC0] =	vst v63;
	v63 =	vld [tilespmem:$0x13CD0];
	_ =	sdelay $0x4  }
0xb7: {  	[tilespmem:$0x1FC00] =	vst v63;
	v63 =	vld [tilespmem:$0x13ED0];
	_ =	sdelay $0x4  }
0xb8: {  	[tilespmem:$0x1FC40] =	vst v63;
	v63 =	vld [tilespmem:$0x140D0];
	_ =	sdelay $0x4  }
0xb9: {  	[tilespmem:$0x1FC80] =	vst v63;
	v63 =	vld [tilespmem:$0x142D0];
	_ =	sdelay $0x4  }
0xba: {  	[tilespmem:$0x1FCC0] =	vst v63;
	v63 =	vld [tilespmem:$0x132E0];
	_ =	sdelay $0x4  }
0xbb: {  	[tilespmem:$0x1FB30] =	vst v63;
	v63 =	vld [tilespmem:$0x134E0];
	_ =	sdelay $0x4  }
0xbc: {  	[tilespmem:$0x1FB40] =	vst v63;
	v63 =	vld [tilespmem:$0x136E0];
	_ =	sdelay $0x4  }
0xbd: {  	[tilespmem:$0x1FB70] =	vst v63;
	v63 =	vld [tilespmem:$0x138E0];
	_ =	sdelay $0x4  }
0xbe: {  	[tilespmem:$0x1FBB0] =	vst v63;
	v63 =	vld [tilespmem:$0x13AE0];
	_ =	sdelay $0x4  }
0xbf: {  	[tilespmem:$0x1FBF0] =	vst v63;
	v63 =	vld [tilespmem:$0x13CE0];
	_ =	sdelay $0x4  }
0xc0: {  	[tilespmem:$0x1FC30] =	vst v63;
	v63 =	vld [tilespmem:$0x13EE0];
	_ =	sdelay $0x4  }
0xc1: {  	[tilespmem:$0x1FC70] =	vst v63;
	v63 =	vld [tilespmem:$0x140E0];
	_ =	sdelay $0x4  }
0xc2: {  	[tilespmem:$0x1FCB0] =	vst v63;
	v63 =	vld [tilespmem:$0x142E0];
	_ =	sdelay $0x4  }
0xc3: {  	[tilespmem:$0x1FCE0] =	vst v63;
	v63 =	vld [tilespmem:$0x136F0];
	_ =	sdelay $0x4  }
0xc4: {  	[tilespmem:$0x1FB90] =	vst v63;
	v63 =	vld [tilespmem:$0x138F0];
	_ =	sdelay $0x4  }
0xc5: {  	[tilespmem:$0x1FBD0] =	vst v63;
	v63 =	vld [tilespmem:$0x13AF0];
	_ =	sdelay $0x4  }
0xc6: {  	[tilespmem:$0x1FC10] =	vst v63;
	v63 =	vld [tilespmem:$0x13CF0];
	_ =	sdelay $0x4  }
0xc7: {  	[tilespmem:$0x1FC50] =	vst v63;
	v63 =	vld [tilespmem:$0x13EF0];
	_ =	sdelay $0x4  }
0xc8: {  	[tilespmem:$0x1FC90] =	vst v63;
	v63 =	vld [tilespmem:$0x140F0];
	_ =	sdelay $0x4  }
0xc9: {  	[tilespmem:$0x1FCD0] =	vst v63;
	v63 =	vld [tilespmem:$0x142F0];
	_ =	sdelay $0x4  }
0xca: {  	[tilespmem:$0x1FD10] =	vst v63;
	v63 =	vld [tilespmem:$0x13300];
	_ =	sdelay $0x4  }
0xcb: {  	[tilespmem:$0x1FCF0] =	vst v63;
	v63 =	vld [tilespmem:$0x13500];
	_ =	sdelay $0x4  }
0xcc: {  	[tilespmem:$0x1FD00] =	vst v63;
	v63 =	vld [tilespmem:$0x13700];
	_ =	sdelay $0x4  }
0xcd: {  	[tilespmem:$0x1FD40] =	vst v63;
	v63 =	vld [tilespmem:$0x13900];
	_ =	sdelay $0x4  }
0xce: {  	[tilespmem:$0x1FD80] =	vst v63;
	v63 =	vld [tilespmem:$0x13B00];
	_ =	sdelay $0x4  }
0xcf: {  	[tilespmem:$0x1FDB0] =	vst v63;
	v63 =	vld [tilespmem:$0x13D00];
	_ =	sdelay $0x2  }
0xd0: {  	v62 =	vld [tilespmem:$0x13A80]  }
0xd1: {  	v30 =	vld [tilespmem:$0x13E80]  }
0xd2: {  	[tilespmem:$0x1FDE0] =	vst v63;
	v63 =	vld [tilespmem:$0x13F00]  }
0xd3: {  	v36 =	vld [tilespmem:$0x14080]  }
0xd4: {  	v38 =	vld [tilespmem:$0x14280]  }
0xd5: {  	v57 =	vld [tilespmem:$0x13290]  }
0xd6: {  	v53 =	vld [tilespmem:$0x13490]  }
0xd7: {  	[tilespmem:$0x1FE10] =	vst v63;
	v63 =	vld [tilespmem:$0x14100]  }
0xd8: {  	v44 =	vld [tilespmem:$0x13690]  }
0xd9: {  	v51 =	vld [tilespmem:$0x13890]  }
0xda: {  	v16 =	vadd.f32 v16, v18;
	v52 =	vld [tilespmem:$0x13A90]  }
0xdb: {  	v56 =	vld [tilespmem:$0x13C90]  }
0xdc: {  	v18 =	vadd.f32 v22, v16;
	[tilespmem:$0x1FE40] =	vst v63;
	v63 =	vld [tilespmem:$0x14300]  }
0xdd: {  	v59 =	vld [tilespmem:$0x13E90]  }
0xde: {  	v16 =	vadd.f32 v32, v18;
	v22 =	vld [tilespmem:$0x13920]  }
0xdf: {  	v3 =	vadd.f32 v3, v4;
	v18 =	vld [tilespmem:$0x13D20]  }
0xe0: {  	v0 =	vadd.f32 v0, v1;
	v1 =	vadd.f32 v43, v16;
	v43 =	vld [tilespmem:$0x14320]  }
0xe1: {  	[tilespmem:$0x1FE70] =	vst v63;
	v63 =	vld [tilespmem:$0x13310]  }
0xe2: {  	v3 =	vadd.f32 v6, v3;
	v6 =	vld [tilespmem:$0x1F800]  }
0xe3: {  	v8 =	vadd.f32 v8, v10;
	v10 =	vld [tilespmem:$0x1F820]  }
0xe4: {  	[tilespmem:$0x1F9A0] =	vst v62;
	v62 =	vld [tilespmem:$0x14090]  }
0xe5: {  	[tilespmem:$0x1F970] =	vst v44;
	v44 =	vld [tilespmem:$0x132A0]  }
0xe6: {  	[tilespmem:$0x1FD20] =	vst v63;
	v63 =	vld [tilespmem:$0x13510]  }
0xe7: {  	[tilespmem:$0x1FA80] =	vst v38;
	v38 =	vld [tilespmem:$0x134A0]  }
0xe8: {  	[tilespmem:$0x1F9C0] =	vst v52;
	v52 =	vld [tilespmem:$0x136A0]  }
0xe9: {  	[tilespmem:$0x1FA00] =	vst v30;
	v30 =	vld [tilespmem:$0x138A0]  }
0xea: {  	[tilespmem:$0x1FA40] =	vst v36;
	v36 =	vld [tilespmem:$0x13AA0]  }
0xeb: {  	[tilespmem:$0x1FD30] =	vst v63;
	v63 =	vld [tilespmem:$0x13710]  }
0xec: {  	[tilespmem:$0x1F990] =	vst v51;
	v51 =	vld [tilespmem:$0x13CA0]  }
0xed: {  	[tilespmem:$0x1F9F0] =	vst v56;
	v56 =	vld [tilespmem:$0x13EA0]  }
0xee: {  	v0 =	vadd.f32 v2, v0;
	[tilespmem:$0x1FA20] =	vst v59;
	v59 =	vld [tilespmem:$0x140A0]  }
0xef: {  	[tilespmem:$0x1F980] =	vst v26;
	v26 =	vld [tilespmem:$0x134B0]  }
0xf0: {  	v0 =	vadd.f32 v5, v0;
	[tilespmem:$0x1FD70] =	vst v63;
	v63 =	vld [tilespmem:$0x13910]  }
0xf1: {  	[tilespmem:$0x1FE20] =	vst v18;
	v18 =	vld [tilespmem:$0x14120]  }
0xf2: {  	[tilespmem:$0x1FDC0] =	vst v22;
	v22 =	vadd.f32 v13, v3;
	v0 =	vadd.f32 v11, v0;
	v13 =	vld [tilespmem:$0x1F830]  }
0xf3: {  	[tilespmem:$0x1FEA0] =	vst v43;
	v43 =	vld [tilespmem:$0x13B40]  }
0xf4: {  	v0 =	vadd.f32 v19, v0;
	v19 =	vld [tilespmem:$0x13930]  }
0xf5: {  	[tilespmem:$0x1FDA0] =	vst v63;
	v63 =	vld [tilespmem:$0x13B10]  }
0xf6: {  	v1 =	vadd.f32 v48, v1;
	v48 =	vadd.f32 v21, v22;
	v21 =	vld [tilespmem:$0x1F840]  }
0xf7: {  	v22 =	vadd.f32 v37, v40;
	v40 =	vld [tilespmem:$0x1F850]  }
0xf8: {  	v37 =	vadd.f32 v7, v9;
	v7 =	vld [tilespmem:$0x13F40]  }
0xf9: {  	v9 =	vld [tilespmem:$0x14140]  }
0xfa: {  	[tilespmem:$0x1FDD0] =	vst v63;
	v63 =	vld [tilespmem:$0x13D10]  }
0xfb: {  	v5 =	vadd.f32 v29, v48;
	v48 =	vld [tilespmem:$0x13730]  }
0xfc: {  	v0 =	vadd.f32 v28, v0;
	v28 =	vld [tilespmem:$0x14330]  }
0xfd: {  	[tilespmem:$0x1FA60] =	vst v62;
	v62 =	vld [tilespmem:$0x142A0]  }
0xfe: {  	[tilespmem:$0x1F9B0] =	vst v30;
	v30 =	vld [tilespmem:$0x132B0]  }
0xff: {  	[tilespmem:$0x1FE00] =	vst v63;
	v63 =	vld [tilespmem:$0x13F10]  }
0x100: {  	[tilespmem:$0x1F9E0] =	vst v36;
	v36 =	vld [tilespmem:$0x136B0]  }
0x101: {  	[tilespmem:$0x1FA10] =	vst v51;
	v51 =	vld [tilespmem:$0x138B0]  }
0x102: {  	[tilespmem:$0x1FA50] =	vst v56;
	v56 =	vld [tilespmem:$0x13CB0]  }
0x103: {  	[tilespmem:$0x1FA90] =	vst v59;
	v59 =	vld [tilespmem:$0x132F0]  }
0x104: {  	[tilespmem:$0x1FE30] =	vst v63;
	v63 =	vld [tilespmem:$0x14110]  }
0x105: {  	[tilespmem:$0x1FEE0] =	vst v43;
	v43 =	vld [tilespmem:$0x13D50]  }
0x106: {  	v5 =	vadd.f32 v41, v5;
	v41 =	vld [tilespmem:$0x13F30]  }
0x107: {  	v16 =	vadd.f32 v39, v0;
	v39 =	vld [tilespmem:$0x13740]  }
0x108: {  	[tilespmem:$0x1FF10] =	vst v9;
	v9 =	vld [tilespmem:$0x1F9E0]  }
0x109: {  	[tilespmem:$0x1FE60] =	vst v63;
	v63 =	vld [tilespmem:$0x14310]  }
0x10a: {  	v29 =	vadd.f32 v50, v16;
	v50 =	vld [tilespmem:$0x13340]  }
0x10b: {  	v11 =	vadd.f32 v55, v5;
	v55 =	vld [tilespmem:$0x13D40]  }
0x10c: {  	v16 =	vld [tilespmem:$0x1F8C0]  }
0x10d: {  	[tilespmem:$0x1FEB0] =	vst v28;
	v28 =	vld [tilespmem:$0x1F930]  }
0x10e: {  	[tilespmem:$0x1FE80] =	vst v63;
	v63 =	vld [tilespmem:$0x13320]  }
0x10f: {  	[tilespmem:$0x1FAC0] =	vst v62;
	v62 =	vld [tilespmem:$0x13AB0]  }
0x110: {  	[tilespmem:$0x1FA30] =	vst v56;
	v56 =	vld [tilespmem:$0x134F0]  }
0x111: {  	v0 =	vadd.f32 v21, v11;
	v11 =	vld [tilespmem:$0x14340]  }
0x112: {  	[tilespmem:$0x1FF70] =	vst v29;
	v29 =	vld [tilespmem:$0x13750]  }
0x113: {  	[tilespmem:$0x1FD50] =	vst v63;
	v63 =	vld [tilespmem:$0x13520]  }
0x114: {  	v21 =	vld [tilespmem:$0x1F8F0];
	[tilespmem:$0x1FEC0] =	vst v39  }
0x115: {  	v39 =	vld [tilespmem:$0x13B50];
	[tilespmem:$0x1FEF0] =	vst v55;
	v55 =	vadd.f32 v26, v30  }
0x116: {  	v30 =	vld [tilespmem:$0x13960]  }
0x117: {  	[tilespmem:$0x1FF00] =	vst v7;
	v26 =	vld [tilespmem:$0x1FA70];
	v7 =	vadd.f32 v36, v55  }
0x118: {  	[tilespmem:$0x1FD60] =	vst v63;
	v63 =	vld [tilespmem:$0x13720]  }
0x119: {  	[tilespmem:$0x1FF20] =	vst v11;
	v11 =	vld [tilespmem:$0x1FA00];
	v7 =	vadd.f32 v51, v7  }
0x11a: {  	v55 =	vld [tilespmem:$0x13570]  }
0x11b: {  	v7 =	vadd.f32 v62, v7;
	v62 =	vld [tilespmem:$0x13F70]  }
0x11c: {  	v51 =	vld [tilespmem:$0x1FAE0]  }
0x11d: {  	[tilespmem:$0x1FD90] =	vst v63;
	v63 =	vadd.f32 v12, v8;
	v12 =	vld [tilespmem:$0x13B20]  }
0x11e: {  	v8 =	vld [tilespmem:$0x1F810]  }
0x11f: {  	v4 =	vadd.f32 v20, v63;
	v20 =	vld [tilespmem:$0x13F20]  }
0x120: {  	v63 =	vld [tilespmem:$0x1F7F0]  }
0x121: {  	v32 =	vadd.f32 v31, v4;
	v4 =	vld [tilespmem:$0x13330]  }
0x122: {  	v31 =	vadd.f32 v25, v27;
	v27 =	vld [tilespmem:$0x1F920]  }
0x123: {  	[tilespmem:$0x1FDF0] =	vst v12;
	v12 =	vld [tilespmem:$0x13530]  }
0x124: {  	v3 =	vadd.f32 v42, v32;
	v42 =	vld [tilespmem:$0x13940]  }
0x125: {  	v32 =	vadd.f32 v15, v17;
	v15 =	vld [tilespmem:$0x1F8B0]  }
0x126: {  	v17 =	vld [tilespmem:$0x1F8D0]  }
0x127: {  	v1 =	vadd.f32 v63, v1;
	v63 =	vld [tilespmem:$0x13B30]  }
0x128: {  	[tilespmem:$0x1FE50] =	vst v20;
	v20 =	vld [tilespmem:$0x14130]  }
0x129: {  	v3 =	vadd.f32 v54, v3;
	v54 =	vld [tilespmem:$0x13D30]  }
0x12a: {  	v5 =	vadd.f32 v24, v32;
	v32 =	vld [tilespmem:$0x13350]  }
0x12b: {  	v24 =	vld [tilespmem:$0x1F910]  }
0x12c: {  	v1 =	vadd.f32 v6, v1;
	v6 =	vadd.f32 v14, v37;
	v14 =	vld [tilespmem:$0x1F8A0]  }
0x12d: {  	v37 =	vld [tilespmem:$0x13950]  }
0x12e: {  	v3 =	vadd.f32 v8, v3;
	v8 =	vld [tilespmem:$0x1F870]  }
0x12f: {  	v5 =	vadd.f32 v35, v5;
	v35 =	vld [tilespmem:$0x13550]  }
0x130: {  	v12 =	vadd.f32 v12, v4;
	v4 =	vld [tilespmem:$0x139A0]  }
0x131: {  	v1 =	vadd.f32 v10, v1;
	v10 =	vld [tilespmem:$0x1F880]  }
0x132: {  	v6 =	vadd.f32 v23, v6;
	v23 =	vld [tilespmem:$0x1F900]  }
0x133: {  	[tilespmem:$0x1FED0] =	vst v42;
	v42 =	vld [tilespmem:$0x14150]  }
0x134: {  	v2 =	vadd.f32 v13, v3;
	v13 =	vld [tilespmem:$0x1F890]  }
0x135: {  	[tilespmem:$0x1FE90] =	vst v20;
	v20 =	vld [tilespmem:$0x1F8E0]  }
0x136: {  	v3 =	vadd.f32 v34, v31;
	v31 =	vld [tilespmem:$0x1F940]  }
0x137: {  	v34 =	vadd.f32 v53, v57;
	v53 =	vld [tilespmem:$0x1F970]  }
0x138: {  	v5 =	vadd.f32 v46, v5;
	v46 =	vadd.f32 v38, v44;
	v38 =	vld [tilespmem:$0x13360]  }
0x139: {  	v57 =	vld [tilespmem:$0x1F980]  }
0x13a: {  	v44 =	vld [tilespmem:$0x13760]  }
0x13b: {  	v12 =	vadd.f32 v48, v12;
	v48 =	vld [tilespmem:$0x1FDC0]  }
0x13c: {  	[tilespmem:$0x1FF40] =	vst v1;
	v1 =	vadd.f32 v49, v22;
	v49 =	vld [tilespmem:$0x13540]  }
0x13d: {  	v6 =	vadd.f32 v33, v6;
	v33 =	vld [tilespmem:$0x1F950]  }
0x13e: {  	v3 =	vadd.f32 v47, v3;
	v47 =	vld [tilespmem:$0x1F860]  }
0x13f: {  	v5 =	vadd.f32 v60, v5;
	v60 =	vld [tilespmem:$0x1F9A0]  }
0x140: {  	v12 =	vadd.f32 v19, v12;
	v19 =	vld [tilespmem:$0x133A0]  }
0x141: {  	v1 =	vadd.f32 v40, v1;
	v40 =	vld [tilespmem:$0x13F50]  }
0x142: {  	v6 =	vadd.f32 v45, v6;
	v45 =	vld [tilespmem:$0x1F960]  }
0x143: {  	v32 =	vadd.f32 v35, v32;
	v35 =	vld [tilespmem:$0x135B0]  }
0x144: {  	v3 =	vadd.f32 v61, v3;
	v61 =	vld [tilespmem:$0x1F9B0]  }
0x145: {  	v5 =	vadd.f32 v16, v5;
	v16 =	vld [tilespmem:$0x1FA40]  }
0x146: {  	v12 =	vadd.f32 v63, v12;
	v63 =	vld [tilespmem:$0x137A0]  }
0x147: {  	v6 =	vadd.f32 v58, v6;
	v58 =	vld [tilespmem:$0x1F990]  }
0x148: {  	v22 =	vadd.f32 v21, v5;
	v5 =	vld [tilespmem:$0x1F9C0]  }
0x149: {  	v21 =	vld [tilespmem:$0x13D60]  }
0x14a: {  	v3 =	vadd.f32 v10, v3;
	v10 =	vld [tilespmem:$0x1F9F0]  }
0x14b: {  	v12 =	vadd.f32 v54, v12;
	v54 =	vld [tilespmem:$0x13BA0]  }
0x14c: {  	v49 =	vadd.f32 v49, v50;
	v50 =	vld [tilespmem:$0x1FEB0]  }
0x14d: {  	v1 =	vadd.f32 v47, v1;
	v47 =	vld [tilespmem:$0x14350]  }
0x14e: {  	v29 =	vadd.f32 v29, v32;
	v25 =	vadd.f32 v24, v6;
	v24 =	vld [tilespmem:$0x13B60]  }
0x14f: {  	v6 =	vadd.f32 v52, v46;
	v46 =	vld [tilespmem:$0x1FAC0]  }
0x150: {  	v29 =	vadd.f32 v37, v29;
	v37 =	vld [tilespmem:$0x13DB0]  }
0x151: {  	v3 =	vadd.f32 v14, v3;
	v14 =	vld [tilespmem:$0x1FA20]  }
0x152: {  	v41 =	vadd.f32 v41, v12;
	v12 =	vld [tilespmem:$0x1FE70]  }
0x153: {  	v1 =	vadd.f32 v8, v1;
	v8 =	vld [tilespmem:$0x1F9D0]  }
0x154: {  	v6 =	vadd.f32 v61, v6;
	v61 =	vld [tilespmem:$0x13D70]  }
0x155: {  	v29 =	vadd.f32 v39, v29;
	v39 =	vld [tilespmem:$0x141B0]  }
0x156: {  	v3 =	vadd.f32 v17, v3;
	v17 =	vld [tilespmem:$0x1FA50]  }
0x157: {  	v1 =	vadd.f32 v13, v1;
	v13 =	vld [tilespmem:$0x1FA10]  }
0x158: {  	v6 =	vadd.f32 v9, v6;
	v9 =	vld [tilespmem:$0x1FBF0]  }
0x159: {  	v29 =	vadd.f32 v43, v29;
	v43 =	vld [tilespmem:$0x133C0]  }
0x15a: {  	[tilespmem:$0x1FF30] =	vst v47;
	v47 =	vld [tilespmem:$0x1FAD0]  }
0x15b: {  	v1 =	vadd.f32 v15, v1;
	v15 =	vld [tilespmem:$0x1FA30]  }
0x15c: {  	v29 =	vadd.f32 v40, v29;
	v40 =	vld [tilespmem:$0x137C0]  }
0x15d: {  	[tilespmem:$0x1FF60] =	vst v0;
	v0 =	vadd.f32 v20, v1;
	v20 =	vld [tilespmem:$0x14160]  }
0x15e: {  	v1 =	vadd.f32 v31, v28;
	v28 =	vld [tilespmem:$0x1FA90]  }
0x15f: {  	v29 =	vadd.f32 v42, v29;
	v42 =	vld [tilespmem:$0x13BC0]  }
0x160: {  	v6 =	vadd.f32 v13, v6;
	v13 =	vld [tilespmem:$0x1FAF0]  }
0x161: {  	v1 =	vadd.f32 v45, v1;
	v45 =	vld [tilespmem:$0x13560]  }
0x162: {  	[tilespmem:$0x1FF80] =	vst v0;
	v0 =	vadd.f32 v23, v3;
	v23 =	vld [tilespmem:$0x13F60]  }
0x163: {  	v3 =	vadd.f32 v53, v34;
	v53 =	vld [tilespmem:$0x13370]  }
0x164: {  	v34 =	vld [tilespmem:$0x1FAB0]  }
0x165: {  	v52 =	vadd.f32 v51, v47;
	v51 =	vld [tilespmem:$0x14170]  }
0x166: {  	v47 =	vld [tilespmem:$0x14370]  }
0x167: {  	v7 =	vadd.f32 v15, v7;
	v15 =	vld [tilespmem:$0x1FB10]  }
0x168: {  	v6 =	vadd.f32 v17, v6;
	v17 =	vld [tilespmem:$0x1FB20]  }
0x169: {  	[tilespmem:$0x1FF90] =	vst v0;
	v0 =	vadd.f32 v27, v22;
	v22 =	vld [tilespmem:$0x1FA60]  }
0x16a: {  	v27 =	vld [tilespmem:$0x1FA80]  }
0x16b: {  	v1 =	vadd.f32 v57, v1;
	v57 =	vld [tilespmem:$0x13770]  }
0x16c: {  	v3 =	vadd.f32 v58, v3;
	v58 =	vld [tilespmem:$0x13970]  }
0x16d: {  	v7 =	vadd.f32 v26, v7;
	v26 =	vld [tilespmem:$0x1FB40]  }
0x16e: {  	v31 =	vadd.f32 v28, v6;
	v28 =	vld [tilespmem:$0x1FB50]  }
0x16f: {  	v6 =	vld [tilespmem:$0x1FBD0]  }
0x170: {  	[tilespmem:$0x1FFA0] =	vst v0;
	v0 =	vadd.f32 v33, v25;
	v25 =	vld [tilespmem:$0x14360]  }
0x171: {  	v33 =	vld [tilespmem:$0x1FAA0]  }
0x172: {  	v1 =	vadd.f32 v60, v1;
	v60 =	vld [tilespmem:$0x13B70]  }
0x173: {  	v3 =	vadd.f32 v5, v3;
	v5 =	vld [tilespmem:$0x1FBC0]  }
0x174: {  	v36 =	vadd.f32 v34, v7;
	v34 =	vld [tilespmem:$0x1FB70]  }
0x175: {  	v38 =	vadd.f32 v45, v38;
	v45 =	vld [tilespmem:$0x137B0]  }
0x176: {  	v32 =	vadd.f32 v55, v53;
	v53 =	vld [tilespmem:$0x139B0]  }
0x177: {  	v55 =	vld [tilespmem:$0x1FED0]  }
0x178: {  	v7 =	vadd.f32 v17, v52;
	v52 =	vld [tilespmem:$0x1FBA0]  }
0x179: {  	v17 =	vld [tilespmem:$0x13780]  }
0x17a: {  	v1 =	vadd.f32 v8, v1;
	v8 =	vld [tilespmem:$0x1FBE0]  }
0x17b: {  	v3 =	vadd.f32 v10, v3;
	v38 =	vadd.f32 v44, v38;
	v44 =	vld [tilespmem:$0x13BB0]  }
0x17c: {  	v32 =	vadd.f32 v57, v32;
	v57 =	vld [tilespmem:$0x1FEE0]  }
0x17d: {  	v3 =	vadd.f32 v14, v3;
	v14 =	vld [tilespmem:$0x1FB00]  }
0x17e: {  	v30 =	vadd.f32 v30, v38;
	v38 =	vld [tilespmem:$0x13FB0]  }
0x17f: {  	v32 =	vadd.f32 v58, v32;
	v58 =	vld [tilespmem:$0x1FEF0]  }
0x180: {  	v1 =	vadd.f32 v11, v1;
	v3 =	vadd.f32 v22, v3;
	v22 =	vld [tilespmem:$0x1FB30]  }
0x181: {  	v24 =	vadd.f32 v24, v30;
	v30 =	vld [tilespmem:$0x143B0]  }
0x182: {  	v1 =	vadd.f32 v16, v1;
	v32 =	vadd.f32 v60, v32;
	v60 =	vld [tilespmem:$0x1FF30]  }
0x183: {  	v16 =	vadd.f32 v15, v14;
	v14 =	vld [tilespmem:$0x1FC10]  }
0x184: {  	[tilespmem:$0x1FFB0] =	vst v0;
	v0 =	vadd.f32 v27, v1;
	v15 =	vld [tilespmem:$0x1FC20]  }
0x185: {  	v21 =	vadd.f32 v21, v24;
	v24 =	vld [tilespmem:$0x135C0]  }
0x186: {  	[tilespmem:$0x1FFC0] =	vst v0;
	v0 =	vadd.f32 v33, v3;
	v33 =	vld [tilespmem:$0x1FB60]  }
0x187: {  	v3 =	vld [tilespmem:$0x135A0]  }
0x188: {  	v27 =	vadd.f32 v26, v22;
	v22 =	vld [tilespmem:$0x1FC30]  }
0x189: {  	v26 =	vld [tilespmem:$0x1FC40]  }
0x18a: {  	v32 =	vadd.f32 v61, v32;
	v10 =	vadd.f32 v28, v16;
	v28 =	vld [tilespmem:$0x1FC60]  }
0x18b: {  	v21 =	vadd.f32 v23, v21;
	v23 =	vld [tilespmem:$0x139C0]  }
0x18c: {  	v32 =	vadd.f32 v62, v32;
	v62 =	vld [tilespmem:$0x1FF40]  }
0x18d: {  	[tilespmem:$0x1FFD0] =	vst v0;
	v0 =	vadd.f32 v46, v31;
	v46 =	vld [tilespmem:$0x1FB90]  }
0x18e: {  	v31 =	vadd.f32 v56, v59;
	v56 =	vld [tilespmem:$0x13380]  }
0x18f: {  	[tilespmem:$0x1FFE0] =	vst v0;
	v0 =	vadd.f32 v13, v36;
	v36 =	vld [tilespmem:$0x1FB80]  }
0x190: {  	v59 =	vld [tilespmem:$0x1FBB0]  }
0x191: {  	v29 =	vadd.f32 v60, v29;
	v60 =	vld [tilespmem:$0x1FFC0]  }
0x192: {  	v11 =	vadd.f32 v34, v27;
	v27 =	vld [tilespmem:$0x1FC50]  }
0x193: {  	v13 =	vld [tilespmem:$0x1FC00];
	v7 =	vadd.f32 v33, v7  }
0x194: {  	v34 =	vld [tilespmem:$0x1FC90];
	v10 =	vadd.f32 v36, v10  }
0x195: {  	v33 =	vld [tilespmem:$0x1FC80];
	v16 =	vadd.f32 v46, v31;
	v7 =	vadd.f32 v52, v7  }
0x196: {  	v11 =	vadd.f32 v59, v11;
	v31 =	vld [tilespmem:$0x1FC70];
	v10 =	vadd.f32 v5, v10  }
0x197: {  	v16 =	vadd.f32 v6, v16;
	v7 =	vadd.f32 v8, v7;
	v6 =	vld [tilespmem:$0x1FCB0]  }
0x198: {  	v5 =	vld [tilespmem:$0x1FCA0];
	v10 =	vadd.f32 v13, v10  }
0x199: {  	v11 =	vadd.f32 v9, v11;
	v8 =	vld [tilespmem:$0x1FCD0];
	v7 =	vadd.f32 v15, v7  }
0x19a: {  	v16 =	vadd.f32 v14, v16;
	v14 =	vld [tilespmem:$0x1FD00];
	v10 =	vadd.f32 v26, v10  }
0x19b: {  	v11 =	vadd.f32 v22, v11;
	v7 =	vadd.f32 v28, v7;
	v13 =	vld [tilespmem:$0x1FCF0]  }
0x19c: {  	[tilespmem:$0x1FFF0] =	vst v0;
	v16 =	vadd.f32 v27, v16;
	v0 =	vadd.f32 v33, v10;
	v10 =	vld [tilespmem:$0x1FCE0]  }
0x19d: {  	v11 =	vadd.f32 v31, v11;
	v27 =	vadd.f32 v5, v7;
	v7 =	vld [tilespmem:$0x1FCC0]  }
0x19e: {  	v20 =	vadd.f32 v20, v21;
	v21 =	vld [tilespmem:$0x13DC0]  }
0x19f: {  	v15 =	vld [tilespmem:$0x1FD10];
	v11 =	vadd.f32 v6, v11  }
0x1a0: {  	v16 =	vadd.f32 v34, v16;
	v1 =	vadd.f32 v14, v13;
	v13 =	vld [tilespmem:$0x1FD60]  }
0x1a1: {  	v33 =	vadd.f32 v10, v11;
	v11 =	vld [tilespmem:$0x1FD50]  }
0x1a2: {  	v28 =	vadd.f32 v7, v0;
	v0 =	vadd.f32 v8, v16;
	v7 =	vld [tilespmem:$0x1FD40]  }
0x1a3: {  	v5 =	vld [tilespmem:$0x1FD30]  }
0x1a4: {  	v34 =	vadd.f32 v15, v0;
	v15 =	vld [tilespmem:$0x1FD80]  }
0x1a5: {  	v16 =	vld [tilespmem:$0x1FD20]  }
0x1a6: {  	[tilespmem:$0x1FF50] =	vst v2;
	v2 =	vadd.f32 v13, v11;
	v11 =	vld [tilespmem:$0x1FDB0]  }
0x1a7: {  	v14 =	vld [tilespmem:$0x1FD70];
	v1 =	vadd.f32 v7, v1  }
0x1a8: {  	v32 =	vadd.f32 v51, v32;
	v51 =	vld [tilespmem:$0x141C0]  }
0x1a9: {  	v7 =	vld [tilespmem:$0x1FDA0];
	v1 =	vadd.f32 v15, v1  }
0x1aa: {  	v3 =	vadd.f32 v3, v19;
	v19 =	vld [tilespmem:$0x133D0];
	v0 =	vadd.f32 v5, v16  }
0x1ab: {  	v1 =	vadd.f32 v11, v1;
	v11 =	vld [tilespmem:$0x1FDE0]  }
0x1ac: {  	v20 =	vadd.f32 v25, v20;
	v25 =	vld [tilespmem:$0x137D0];
	v0 =	vadd.f32 v14, v0  }
0x1ad: {  	v32 =	vadd.f32 v47, v32;
	v47 =	vld [tilespmem:$0x1FF60]  }
0x1ae: {  	v0 =	vadd.f32 v7, v0;
	v7 =	vld [tilespmem:$0x1FDD0]  }
0x1af: {  	[tilespmem:$0x14400] =	vst v62;
	v62 =	vld [tilespmem:$0x1FFD0]  }
0x1b0: {  	v1 =	vadd.f32 v11, v1;
	v11 =	vld [tilespmem:$0x1FE00]  }
0x1b1: {  	v59 =	vld [tilespmem:$0x13580]  }
0x1b2: {  	v52 =	vld [tilespmem:$0x13980]  }
0x1b3: {  	v46 =	vld [tilespmem:$0x13B80];
	v0 =	vadd.f32 v7, v0  }
0x1b4: {  	v16 =	vld [tilespmem:$0x1FD90]  }
0x1b5: {  	v0 =	vadd.f32 v11, v0;
	v11 =	vld [tilespmem:$0x1FE10]  }
0x1b6: {  	v3 =	vadd.f32 v63, v3;
	v63 =	vld [tilespmem:$0x1FF50]  }
0x1b7: {  	v36 =	vld [tilespmem:$0x13D80]  }
0x1b8: {  	v7 =	vld [tilespmem:$0x1FDF0]  }
0x1b9: {  	v9 =	vld [tilespmem:$0x13390];
	v2 =	vadd.f32 v16, v2  }
0x1ba: {  	v1 =	vadd.f32 v11, v1;
	v11 =	vld [tilespmem:$0x1FE20]  }
0x1bb: {  	v3 =	vadd.f32 v4, v3;
	v4 =	vld [tilespmem:$0x13BD0];
	v2 =	vadd.f32 v48, v2  }
0x1bc: {  	[tilespmem:$0x14420] =	vst v47;
	v47 =	vld [tilespmem:$0x13BF0]  }
0x1bd: {  	v22 =	vld [tilespmem:$0x14380];
	v2 =	vadd.f32 v7, v2  }
0x1be: {  	v3 =	vadd.f32 v54, v3;
	v54 =	vld [tilespmem:$0x13FE0]  }
0x1bf: {  	v2 =	vadd.f32 v11, v2;
	v11 =	vld [tilespmem:$0x1FE30]  }
0x1c0: {  	v61 =	vadd.f32 v59, v56;
	v56 =	vld [tilespmem:$0x1FF90]  }
0x1c1: {  	v59 =	vld [tilespmem:$0x133E0]  }
0x1c2: {  	[tilespmem:$0x14410] =	vst v63;
	v63 =	vld [tilespmem:$0x133F0]  }
0x1c3: {  	v31 =	vld [tilespmem:$0x14180]  }
0x1c4: {  	v0 =	vadd.f32 v11, v0;
	v11 =	vld [tilespmem:$0x1FE40]  }
0x1c5: {  	v17 =	vadd.f32 v17, v61;
	v61 =	vld [tilespmem:$0x135E0]  }
0x1c6: {  	v26 =	vld [tilespmem:$0x13F80]  }
0x1c7: {  	v6 =	vld [tilespmem:$0x13590]  }
0x1c8: {  	v17 =	vadd.f32 v52, v17;
	v52 =	vld [tilespmem:$0x1FF70]  }
0x1c9: {  	v1 =	vadd.f32 v11, v1;
	v11 =	vld [tilespmem:$0x1FE50]  }
0x1ca: {  	[tilespmem:$0x14450] =	vst v56;
	v56 =	vld [tilespmem:$0x141E0];
	v17 =	vadd.f32 v46, v17  }
0x1cb: {  	v46 =	vld [tilespmem:$0x13BE0]  }
0x1cc: {  	v17 =	vadd.f32 v36, v17;
	v36 =	vld [tilespmem:$0x135F0]  }
0x1cd: {  	v8 =	vld [tilespmem:$0x13790]  }
0x1ce: {  	v2 =	vadd.f32 v11, v2;
	v11 =	vld [tilespmem:$0x1FE60]  }
0x1cf: {  	v10 =	vld [tilespmem:$0x13990];
	v17 =	vadd.f32 v26, v17  }
0x1d0: {  	v12 =	vadd.f32 v12, v1;
	v1 =	vadd.f32 v18, v2;
	v18 =	vld [tilespmem:$0x1FE80]  }
0x1d1: {  	v6 =	vadd.f32 v6, v9;
	v17 =	vadd.f32 v31, v17;
	v31 =	vld [tilespmem:$0x1FFE0]  }
0x1d2: {  	v5 =	vld [tilespmem:$0x13DA0]  }
0x1d3: {  	v6 =	vadd.f32 v8, v6;
	v8 =	vld [tilespmem:$0x135D0];
	v0 =	vadd.f32 v11, v0  }
0x1d4: {  	v13 =	vld [tilespmem:$0x13B90]  }
0x1d5: {  	v18 =	vadd.f32 v18, v0;
	v0 =	vld [tilespmem:$0x1FEA0]  }
0x1d6: {  	v14 =	vld [tilespmem:$0x13D90]  }
0x1d7: {  	v6 =	vadd.f32 v10, v6;
	v11 =	vld [tilespmem:$0x1FE90]  }
0x1d8: {  	v15 =	vld [tilespmem:$0x13F90]  }
0x1d9: {  	v16 =	vld [tilespmem:$0x14190];
	v6 =	vadd.f32 v13, v6  }
0x1da: {  	v1 =	vadd.f32 v0, v1;
	v0 =	vld [tilespmem:$0x133B0]  }
0x1db: {  	v10 =	vld [tilespmem:$0x139D0];
	v6 =	vadd.f32 v14, v6  }
0x1dc: {  	v48 =	vld [tilespmem:$0x14390];
	v41 =	vadd.f32 v11, v41  }
0x1dd: {  	v3 =	vadd.f32 v5, v3;
	v5 =	vld [tilespmem:$0x143D0];
	v6 =	vadd.f32 v15, v6  }
0x1de: {  	v41 =	vadd.f32 v50, v41;
	v50 =	vld [tilespmem:$0x1FEC0]  }
0x1df: {  	v13 =	vld [tilespmem:$0x13DD0];
	v6 =	vadd.f32 v16, v6;
	v0 =	vadd.f32 v35, v0  }
0x1e0: {  	v14 =	vld [tilespmem:$0x141D0]  }
0x1e1: {  	v6 =	vadd.f32 v48, v6;
	v48 =	vld [tilespmem:$0x13DE0];
	v0 =	vadd.f32 v45, v0  }
0x1e2: {  	v8 =	vadd.f32 v8, v19;
	v7 =	vld [tilespmem:$0x13FA0]  }
0x1e3: {  	[tilespmem:$0x14550] =	vst v29;
	v2 =	vld [tilespmem:$0x141A0];
	v49 =	vadd.f32 v50, v49;
	v0 =	vadd.f32 v53, v0  }
0x1e4: {  	[tilespmem:$0x14480] =	vst v60;
	v8 =	vadd.f32 v25, v8;
	v11 =	vld [tilespmem:$0x143A0]  }
0x1e5: {  	[tilespmem:$0x14560] =	vst v20;
	v50 =	vld [tilespmem:$0x1FF00];
	v49 =	vadd.f32 v55, v49;
	v0 =	vadd.f32 v44, v0  }
0x1e6: {  	[tilespmem:$0x14570] =	vst v32;
	v17 =	vadd.f32 v22, v17;
	v8 =	vadd.f32 v10, v8;
	v35 =	vld [tilespmem:$0x13FD0]  }
0x1e7: {  	[tilespmem:$0x14490] =	vst v62;
	v55 =	vld [tilespmem:$0x1FF80];
	v49 =	vadd.f32 v57, v49;
	v0 =	vadd.f32 v37, v0  }
0x1e8: {  	[tilespmem:$0x144C0] =	vst v27;
	v4 =	vadd.f32 v4, v8;
	v3 =	vadd.f32 v7, v3;
	v57 =	vld [tilespmem:$0x1FF10]  }
0x1e9: {  	[tilespmem:$0x14430] =	vst v52;
	v49 =	vadd.f32 v58, v49;
	v58 =	vld [tilespmem:$0x1FF20];
	v0 =	vadd.f32 v38, v0  }
0x1ea: {  	[tilespmem:$0x144D0] =	vst v28;
	v4 =	vadd.f32 v13, v4;
	v2 =	vadd.f32 v2, v3;
	v38 =	vld [tilespmem:$0x137E0]  }
0x1eb: {  	[tilespmem:$0x144E0] =	vst v33;
	v0 =	vadd.f32 v39, v0;
	v39 =	vadd.f32 v24, v43;
	v43 =	vld [tilespmem:$0x137F0]  }
0x1ec: {  	[tilespmem:$0x144F0] =	vst v34;
	v7 =	vadd.f32 v61, v59;
	v3 =	vadd.f32 v36, v63;
	v44 =	vld [tilespmem:$0x139E0]  }
0x1ed: {  	[tilespmem:$0x14580] =	vst v17;
	v2 =	vadd.f32 v11, v2;
	v45 =	vld [tilespmem:$0x139F0];
	v49 =	vadd.f32 v50, v49  }
0x1ee: {  	[tilespmem:$0x144A0] =	vst v31;
	v53 =	vld [tilespmem:$0x13DF0];
	v4 =	vadd.f32 v35, v4;
	v11 =	vadd.f32 v40, v39  }
0x1ef: {  	[tilespmem:$0x14590] =	vst v6;
	v50 =	vld [tilespmem:$0x13FC0];
	v49 =	vadd.f32 v57, v49;
	v7 =	vadd.f32 v38, v7  }
0x1f0: {  	[tilespmem:$0x14500] =	vst v12;
	v57 =	vld [tilespmem:$0x1FFA0];
	v11 =	vadd.f32 v23, v11;
	v3 =	vadd.f32 v43, v3  }
0x1f1: {  	[tilespmem:$0x14510] =	vst v18;
	v49 =	vadd.f32 v58, v49;
	v58 =	vld [tilespmem:$0x1FFB0];
	v7 =	vadd.f32 v44, v7  }
0x1f2: {  	v9 =	vld [tilespmem:$0x143C0];
	[tilespmem:$0x14520] =	vst v1;
	v52 =	vadd.f32 v42, v11;
	v3 =	vadd.f32 v45, v3  }
0x1f3: {  	[tilespmem:$0x14440] =	vst v55;
	v55 =	vld [tilespmem:$0x13FF0];
	v4 =	vadd.f32 v14, v4;
	v7 =	vadd.f32 v46, v7  }
0x1f4: {  	[tilespmem:$0x14530] =	vst v41;
	v37 =	vld [tilespmem:$0x1FFF0];
	v1 =	vadd.f32 v21, v52;
	v3 =	vadd.f32 v47, v3  }
0x1f5: {  	v61 =	vadd.f32 v5, v4;
	[tilespmem:$0x14460] =	vst v57;
	v57 =	vld [tilespmem:$0x141F0];
	v7 =	vadd.f32 v48, v7  }
0x1f6: {  	[tilespmem:$0x14470] =	vst v58;
	v58 =	vld [tilespmem:$0x143E0];
	v1 =	vadd.f32 v50, v1;
	v3 =	vadd.f32 v53, v3  }
0x1f7: {  	v59 =	vld [tilespmem:$0x143F0];
	[tilespmem:$0x145A0] =	vst v2;
	v7 =	vadd.f32 v54, v7  }
0x1f8: {  	[tilespmem:$0x145D0] =	vst v61;
	v1 =	vadd.f32 v51, v1;
	v3 =	vadd.f32 v55, v3  }
0x1f9: {  	[tilespmem:$0x144B0] =	vst v37;
	v0 =	vadd.f32 v30, v0;
	v60 =	vadd.f32 v56, v7  }
0x1fa: {  	[tilespmem:$0x14540] =	vst v49;
	v1 =	vadd.f32 v9, v1;
	v3 =	vadd.f32 v57, v3  }
0x1fb: {  	[tilespmem:$0x145B0] =	vst v0;
	v62 =	vadd.f32 v58, v60  }
0x1fc: {  	[tilespmem:$0x145C0] =	vst v1;
	v63 =	vadd.f32 v59, v3  }
0x1fd: {  	[tilespmem:$0x145E0] =	vst v62  }
0x1fe: {  	[tilespmem:$0x145F0] =	vst v63  }
0x1ff: {  	[hbm4b:s10+s2] =	stream.linear.scatter [tilespmem:s31], [sflag:$0x2], $0x200, $0x38;
	[tilespmem:$0x14600] =	vst v63  }
0x200: {  	_ =	swait.ge [sflag:s12], $0x200  }
0x201: {  	[sflag:s12] =	ssyncset.done $0x0  }
0x202: {  	[sflag:s12] =	ssyncadd.s32 $0xFFFFFE00  }
0x203: {  	_ =	swait.ge [sflag:s1], $0x2000  }
0x204: {  	[sflag:s1] =	ssyncset.done $0x0  }
0x205: {  	[sflag:s1] =	ssyncadd.s32 $0xFFFFE000  }
0x206: {  	_ =	swait.ge [sflag:s1], $0x2000  }
0x207: {  	[sflag:s1] =	ssyncset.done $0x0  }
0x208: {  	[sflag:s1] =	ssyncadd.s32 $0xFFFFE000  }
0x209: {  	_ =	swait.ge [sflag:s1], $0x2000  }
0x20a: {  	[sflag:s1] =	ssyncset.done $0x0  }
0x20b: {  	[sflag:s1] =	ssyncadd.s32 $0xFFFFE000  }
0x20c: {  	_ =	swait.ge [sflag:s1], $0x2000  }
0x20d: {  	[sflag:s1] =	ssyncset.done $0x0  }
0x20e: {  	[sflag:s1] =	ssyncadd.s32 $0xFFFFE000  }
0x20f: {  	_ =	swait.ge [sflag:s1], $0x2000  }
0x210: {  	[sflag:s1] =	ssyncset.done $0x0  }
0x211: {  	[sflag:s1] =	ssyncadd.s32 $0xFFFFE000  }
0x212: {  	_ =	swait.ge [sflag:s1], $0x2000  }
0x213: {  	[sflag:s1] =	ssyncset.done $0x0  }
0x214: {  	[sflag:s1] =	ssyncadd.s32 $0xFFFFE000  }
0x215: {  	_ =	swait.ge [sflag:s1], $0x2000  }
0x216: {  	[sflag:s1] =	ssyncset.done $0x0  }
0x217: {  	[sflag:s1] =	ssyncadd.s32 $0xFFFFE000  }
0x218: {  	p0 =	sne.s32 s11, $0x1;
	_ =	swait.ge [sflag:s1], $0x2000  }
.Ltmp0:
0x219: {  	[sflag:s1] =	ssyncset.done $0x0;
	(pc) =	sbr.rel @p0 .LBB2_1-.Ltmp0, $4  }
0x21a: {  	[sflag:s1] =	ssyncadd.s32 $0xFFFFE000  }
0x21b: {  	_ =	swait.ge [sflag:s1], $0x2000  }
0x21c: {  	[sflag:s1] =	ssyncset.done $0x0  }
0x21d: {  	s11 =	sadd.s32 $0xFFFFFFFF, s11;
	[sflag:s1] =	ssyncadd.s32 $0xFFFFE000  }
0x21e: {  	_ =	sfence.sel $0x180000  }
0x21f: {  	[bflag:$0x0] =	sbarrier.arrive $0xFFFF  }
0x220: {  	_ =	strace $0x90000047  }
0x221: {  	s0 =	stileid.u32;
	[bflag:$0x2] =	sbarrier.arrive $0xFFFF  }
0x222: {  	p0 =	sne.s32 s0, $0x0;
	s0 =	rddreg [dreg:$0xb]  }
0x223: {  	s0 =	sadd.s32 @!p0 $0x100000, s0  }
0x224: {  	[sflag:s0] =	ssyncadd.tile.s32 @!p0 $0x1;
	_ =	shalt  }
.Lfunc_end2:
_tile_overlayer_lowered:
.L_overlay_start_2:
0x225: {  	(tag) =	ssettag $0x2  }
0x226: {  	s0 =	rddreg [dreg:$0x0];
	s2 =	stileid.u32  }
0x227: {  	s1 =	rddreg [dreg:$0x1];
	p0 =	sne.s32 s2, $0x0  }
0x228: {  	s3 =	rddreg [dreg:$0x2];
	[bflag:$0x3] =	sbarrier.arrive $0xFFFF;
	s2 =	simm.s32 @!p0 $0x1C02  }
0x229: {  	[timem:s3], [sflag:s2] =	dma.local @!p0 [hbm:s0], s1  }
0x22a: {  	s0 =	simm.s32 @!p0 $0x2  }
0x22b: {  	_ =	swait.ge @!p0 [sflag:s0], s1  }
0x22c: {  	s1 =	ssub.s32 @!p0 $0x0, s1;
	[sflag:s0] =	ssyncset.done @!p0 $0x0  }
0x22d: {  	[sflag:s0] =	ssyncadd.s32 @!p0 s1  }
0x22e: {  	[bflag:$0x3] =	sbarrier.arrive $0xFFFF  }
0x22f: {  	_ =	shalt  }

</sc_bundles>
